<compile_context>
chip_gen: v7x
topology: tpu7x:2x2x1
jax: 0.10.2.dev20260603
libtpu: 0.0.44.dev20260713+nightly
codegen_flags: <defaults>
</compile_context>

<pallas_src>
import functools

import jax
import jax.numpy as jnp
from jax import lax
from jax.experimental import pallas as pl
from jax.experimental.pallas import tpu as pltpu
from jax.experimental.pallas import tpu_sc as plsc

N = 10000
E = 320000
D = 128
H = 8
NP = 10240
RW = 128
NWORK = 32
RPW = 80
NROWS = NWORK * RPW
EP = NROWS * RW
TSLAB = NP // 16

_mesh = plsc.VectorSubcoreMesh(core_axis_name="c", subcore_axis_name="s")
_sc_params = pltpu.CompilerParams(
    use_tc_tiling_on_sc=False, needs_layout_passes=False)


@functools.partial(
    pl.kernel,
    mesh=_mesh,
    compiler_params=_sc_params,
    out_type=jax.ShapeDtypeStruct((2, NP), jnp.float32),
    scratch_types=[
        pltpu.VMEM((RPW, RW), jnp.int32),
        pltpu.VMEM((RPW, RW), jnp.float32),
        pltpu.VMEM_SHARED((NP,), jnp.float32),
        pltpu.SemaphoreType.DMA,
    ],
)
def _deg_kernel(dst_hbm, w_hbm, zeros_hbm, deg_out, didx, wv, deg_sh, sem):
    c = lax.axis_index("c")
    s = lax.axis_index("s")
    wid = s * 2 + c
    pltpu.sync_copy(zeros_hbm.at[pl.ds(s * TSLAB, TSLAB)],
                    deg_sh.at[pl.ds(s * TSLAB, TSLAB)])
    pltpu.sync_copy(dst_hbm.at[pl.ds(wid * RPW, RPW)], didx)
    pltpu.sync_copy(w_hbm.at[pl.ds(wid * RPW, RPW)], wv)
    plsc.subcore_barrier()

    @pl.loop(0, RPW)
    def _(j):
        pltpu.async_copy(wv.at[j], deg_sh.at[didx.at[j]], sem, add=True)

    @pl.loop(0, RPW)
    def _(j):
        pltpu.make_async_copy(wv.at[j], deg_sh.at[didx.at[j]], sem).wait()

    plsc.subcore_barrier()
    pltpu.sync_copy(deg_sh.at[pl.ds(s * TSLAB, TSLAB)],
                    deg_out.at[c].at[pl.ds(s * TSLAB, TSLAB)])


@functools.partial(
    pl.kernel,
    mesh=_mesh,
    compiler_params=_sc_params,
    out_type=(jax.ShapeDtypeStruct((2, NP, H), jnp.float32),
              jax.ShapeDtypeStruct((NP,), jnp.float32)),
    scratch_types=[
        pltpu.VMEM((RPW, RW), jnp.int32),
        pltpu.VMEM((RPW, RW), jnp.int32),
        pltpu.VMEM((RPW, RW), jnp.float32),
        pltpu.VMEM((NP,), jnp.float32),
        pltpu.VMEM((TSLAB,), jnp.float32),
        pltpu.VMEM((TSLAB,), jnp.float32),
        pltpu.VMEM((RW,), jnp.float32),
        pltpu.VMEM((RW, H), jnp.float32),
        pltpu.VMEM((RW, H), jnp.float32),
        pltpu.VMEM((RW, H), jnp.float32),
        pltpu.VMEM((RW, H), jnp.float32),
        pltpu.VMEM_SHARED((N, H), jnp.float32),
        pltpu.VMEM_SHARED((NP, H), jnp.float32),
        pltpu.VMEM_SHARED((NP,), jnp.float32),
        pltpu.SemaphoreType.DMA,
        pltpu.SemaphoreType.DMA,
        pltpu.SemaphoreType.DMA,
        pltpu.SemaphoreType.DMA,
    ],
)
def _agg_kernel(h_hbm, deg_hbm, src_hbm, dst_hbm, w_hbm, zeros_hbm,
                out_hbm, dis_hbm_out,
                sidx, didx, wv, dis_t, degl0, degl1, norm_b,
                rows0, rows1, msg0, msg1,
                h_sh, out_sh, dis_sh, gsem0, gsem1, ssem0, ssem1):
    c = lax.axis_index("c")
    s = lax.axis_index("s")
    wid = s * 2 + c
    pltpu.sync_copy(zeros_hbm.at[pl.ds(s * TSLAB, TSLAB)],
                    out_sh.at[pl.ds(s * TSLAB, TSLAB)])

    @pl.when(s < 15)
    def _():
        pltpu.sync_copy(h_hbm.at[pl.ds(s * TSLAB, TSLAB)],
                        h_sh.at[pl.ds(s * TSLAB, TSLAB)])

    @pl.when(s == 15)
    def _():
        pltpu.sync_copy(h_hbm.at[pl.ds(15 * TSLAB, N - 15 * TSLAB)],
                        h_sh.at[pl.ds(15 * TSLAB, N - 15 * TSLAB)])

    pltpu.sync_copy(src_hbm.at[pl.ds(wid * RPW, RPW)], sidx)
    pltpu.sync_copy(dst_hbm.at[pl.ds(wid * RPW, RPW)], didx)
    pltpu.sync_copy(w_hbm.at[pl.ds(wid * RPW, RPW)], wv)

    pltpu.sync_copy(deg_hbm.at[0].at[pl.ds(s * TSLAB, TSLAB)], degl0)
    pltpu.sync_copy(deg_hbm.at[1].at[pl.ds(s * TSLAB, TSLAB)], degl1)

    @plsc.parallel_loop(0, TSLAB // 16, unroll=4)
    def _(v):
        x = degl0[pl.ds(16 * v, 16)] + degl1[pl.ds(16 * v, 16)] + 1.0
        i = plsc.bitcast(x, jnp.int32)
        y = plsc.bitcast(jnp.int32(0x5F3759DF) - (i >> 1), jnp.float32)
        hx = 0.5 * x
        y = y * (1.5 - hx * y * y)
        y = y * (1.5 - hx * y * y)
        y = y * (1.5 - hx * y * y)
        degl0[pl.ds(16 * v, 16)] = y

    pltpu.sync_copy(degl0, dis_sh.at[pl.ds(s * TSLAB, TSLAB)])

    @pl.when(c == 0)
    def _():
        pltpu.sync_copy(degl0, dis_hbm_out.at[pl.ds(s * TSLAB, TSLAB)])

    plsc.subcore_barrier()
    pltpu.sync_copy(dis_sh, dis_t)

    lanes = jnp.arange(16, dtype=jnp.int32)
    rep = lanes // 8
    col = lanes - 8 * rep

    def compute_row(j, rows, msg):
        @plsc.parallel_loop(0, RW // 16, unroll=8)
        def _(v):
            s16 = sidx[j, pl.ds(16 * v, 16)]
            d16 = didx[j, pl.ds(16 * v, 16)]
            w16 = wv[j, pl.ds(16 * v, 16)]
            nrm = plsc.load_gather(dis_t, [s16]) * w16 * \
                plsc.load_gather(dis_t, [d16])
            norm_b[pl.ds(16 * v, 16)] = nrm

        @plsc.parallel_loop(0, RW // 2, unroll=8)
        def _(t):
            rowp = 2 * t + rep
            vals = plsc.load_gather(rows, [rowp, col])
            nrm16 = plsc.load_gather(norm_b, [rowp])
            plsc.store_scatter(msg, [rowp, col], vals * nrm16)

    def gather_wait(j, rows, gsem):
        pltpu.make_async_copy(h_sh.at[sidx.at[j]], rows, gsem).wait()

    def scatter_wait(j, msg, ssem):
        pltpu.make_async_copy(msg, out_sh.at[didx.at[j]], ssem).wait()

    pltpu.async_copy(h_sh.at[sidx.at[0]], rows0, gsem0)

    @pl.loop(0, RPW // 2)
    def _(p):
        j0 = 2 * p
        j1 = 2 * p + 1
        pltpu.async_copy(h_sh.at[sidx.at[j1]], rows1, gsem1)
        gather_wait(j0, rows0, gsem0)

        @pl.when(p > 0)
        def _():
            scatter_wait(j0 - 2, msg0, ssem0)

        compute_row(j0, rows0, msg0)
        pltpu.async_copy(msg0, out_sh.at[didx.at[j0]], ssem0, add=True)

        @pl.when(p < RPW // 2 - 1)
        def _():
            pltpu.async_copy(h_sh.at[sidx.at[j0 + 2]], rows0, gsem0)

        gather_wait(j1, rows1, gsem1)

        @pl.when(p > 0)
        def _():
            scatter_wait(j1 - 2, msg1, ssem1)

        compute_row(j1, rows1, msg1)
        pltpu.async_copy(msg1, out_sh.at[didx.at[j1]], ssem1, add=True)

    scatter_wait(RPW - 2, msg0, ssem0)
    scatter_wait(RPW - 1, msg1, ssem1)
    plsc.subcore_barrier()
    pltpu.sync_copy(out_sh.at[pl.ds(s * TSLAB, TSLAB)],
                    out_hbm.at[c].at[pl.ds(s * TSLAB, TSLAB)])


def _mm1_body(x_ref, w_ref, o_ref):
    o_ref[...] = jnp.dot(x_ref[...], w_ref[...],
                         preferred_element_type=jnp.float32)


def _layer1_body(agg_ref, h_ref, dis_ref, b_ref, w_ref, o_ref):
    z = (agg_ref[0, :N] + agg_ref[1, :N]
         + h_ref[...] * dis_ref[:N] * dis_ref[:N] + b_ref[...])
    z = jnp.maximum(z, 0.0)
    o_ref[...] = jnp.dot(z, w_ref[...], preferred_element_type=jnp.float32)


def _layer2_body(agg_ref, h_ref, dis_ref, b_ref, o_ref):
    z = (agg_ref[0, :N] + agg_ref[1, :N]
         + h_ref[...] * dis_ref[:N] * dis_ref[:N] + b_ref[...])
    m = jnp.max(z, axis=1, keepdims=True)
    e = jnp.exp(z - m)
    o_ref[...] = (z - m) - jnp.log(jnp.sum(e, axis=1, keepdims=True))


def kernel(x, edge_index, edge_attr, W1, b1, W2, b2):
    ei = edge_index.astype(jnp.int32)
    src = jnp.pad(ei[0], (0, EP - E)).reshape(NROWS, RW)
    dst = jnp.pad(ei[1], (0, EP - E)).reshape(NROWS, RW)
    w2d = jnp.pad(edge_attr, (0, EP - E)).reshape(NROWS, RW)
    zeros_nh = jnp.zeros((NP, H), jnp.float32)
    zeros_n = jnp.zeros((NP,), jnp.float32)

    deg2 = _deg_kernel(dst, w2d, zeros_n)

    h1 = pl.pallas_call(
        _mm1_body,
        out_shape=jax.ShapeDtypeStruct((N, H), jnp.float32),
    )(x, W1)

    agg1, dis = _agg_kernel(h1, deg2, src, dst, w2d, zeros_nh)
    dis_col = dis.reshape(NP, 1)

    h2 = pl.pallas_call(
        _layer1_body,
        out_shape=jax.ShapeDtypeStruct((N, H), jnp.float32),
    )(agg1, h1, dis_col, b1.reshape(1, H), W2)

    agg2, _unused_dis = _agg_kernel(h2, deg2, src, dst, w2d, zeros_nh)

    out = pl.pallas_call(
        _layer2_body,
        out_shape=jax.ShapeDtypeStruct((N, H), jnp.float32),
    )(agg2, h2, dis_col, b2.reshape(1, H))
    return out

# --- scband reference (transcript-rebuilt; emitter-appended) ---
"""Pipeline reference for scband-net-24558622999235 (READ-ONLY COPY).

The authoritative reference and input builder live on the scoring server;
editing this copy changes nothing except your own understanding.
"""

import jax, jax.numpy as jnp
import numpy as np

N = 10000
E = 320000
D = 128
H = 8


def setup_inputs(seed: int = 0) -> dict:
    key = jax.random.key(seed)
    k = jax.random.split(key, 8)
    x = jax.random.normal(k[0], (N, D), dtype=jnp.float32)
    edge_index = jax.random.randint(k[1], (2, E), 0, N, dtype=jnp.int64) if jax.config.jax_enable_x64 else jax.random.randint(k[1], (2, E), 0, N)
    edge_attr = jax.random.uniform(k[2], (E,), dtype=jnp.float32)
    W1 = jax.random.normal(k[3], (D, H), dtype=jnp.float32) * (1.0 / np.sqrt(D))
    b1 = jnp.zeros((H,), dtype=jnp.float32)
    W2 = jax.random.normal(k[4], (H, H), dtype=jnp.float32) * (1.0 / np.sqrt(H))
    b2 = jnp.zeros((H,), dtype=jnp.float32)
    return {"x": x, "edge_index": edge_index, "edge_attr": edge_attr,
            "W1": W1, "b1": b1, "W2": W2, "b2": b2}


def _gcn_conv(x, src, dst, edge_weight, W, b):
    # Faithful PyG GCNConv: add self-loops (weight 1), symmetric normalization,
    # linear transform, weighted sum aggregation, bias.
    n = x.shape[0]
    loop = jnp.arange(n, dtype=src.dtype)
    s = jnp.concatenate([src, loop])
    d = jnp.concatenate([dst, loop])
    w = jnp.concatenate([edge_weight, jnp.ones((n,), dtype=edge_weight.dtype)])
    deg = jnp.zeros((n,), dtype=x.dtype).at[d].add(w)
    deg_inv_sqrt = jnp.where(deg > 0, jax.lax.rsqrt(jnp.where(deg > 0, deg, 1.0)), 0.0)
    norm = deg_inv_sqrt[s] * w * deg_inv_sqrt[d]
    h = x @ W
    msg = jnp.take(h, s, axis=0) * norm[:, None]
    out = jnp.zeros((n, W.shape[1]), dtype=x.dtype).at[d].add(msg)
    return out + b


def reference(x, edge_index, edge_attr, W1, b1, W2, b2):
    # Net.forward: conv1 -> relu -> conv2 -> log_softmax (double cast kept as fp32 in jax)
    src = edge_index[0]
    dst = edge_index[1]
    h = _gcn_conv(x, src, dst, edge_attr, W1, b1)
    h = jax.nn.relu(h)
    h = _gcn_conv(h, src, dst, edge_attr, W2, b2)
    return jax.nn.log_softmax(h, axis=1)

if __name__ == "__main__":
    import jax
    _d = setup_inputs()
    print(jax.jit(kernel)(*tuple(_d.values())))

</pallas_src>

<mosaic_0001>
#map = affine_map<(d0, d1) -> (0, 0)>
#map1 = affine_map<(d0, d1) -> (0)>
module attributes {stable_mosaic.version = 14 : i64} {
  func.func @_deg_kernel(%arg0: i32, %arg1: i32, %arg2: memref<2560x128xi32, #tpu.memory_space<hbm>>, %arg3: memref<2560x128xf32, #tpu.memory_space<hbm>>, %arg4: memref<10240xf32, #tpu.memory_space<hbm>>, %arg5: memref<2x10240xf32, #tpu.memory_space<hbm>>, %arg6: memref<80x128xi32, #tpu.memory_space<vmem>>, %arg7: memref<80x128xf32, #tpu.memory_space<vmem>>, %arg8: memref<10240xf32, #tpu.memory_space<vmem_shared>>, %arg9: memref<!tpu.dma_semaphore, #tpu.memory_space<semaphore_mem>>) attributes {dimension_semantics = [#tpu.dimension_semantics<core_parallel>, #tpu.dimension_semantics<subcore_parallel>], iteration_bounds = array<i64: 2, 16>, scalar_prefetch = 0 : i64, scratch_operands = 4 : i64, tpu.core_type = #tpu.core_type<sc_vector_subcore>, window_params = [{transform_indices = #map}, {transform_indices = #map}, {transform_indices = #map1}, {transform_indices = #map}]} {
    %mul3A = arith.constant 2 : i32
    %mul3A_0 = arith.muli %arg1, %mul3A : i32
    %add3A = arith.addi %mul3A_0, %arg0 : i32
    %mul3A_1 = arith.constant 640 : i32
    %mul3A_2 = arith.muli %arg1, %mul3A_1 : i32
    %mul3A_3 = arith.constant 640 : i32
    %mul3A_4 = arith.muli %arg1, %mul3A_3 : i32
    "tpu.region"() ({
      %run_scoped3A = tpu.sem_alloc : memref<!tpu.dma_semaphore, #tpu.memory_space<semaphore_mem>>
      %dma_start3A = tpu.memref_slice %arg8[%mul3A_4] : memref<10240xf32, #tpu.memory_space<vmem_shared>> -> memref<640xf32, #tpu.memory_space<vmem_shared>>
      %dma_start3A_23 = tpu.memref_slice %arg4[%mul3A_2] : memref<10240xf32, #tpu.memory_space<hbm>> -> memref<640xf32, #tpu.memory_space<hbm>>
      tpu.enqueue_dma source(%dma_start3A_23 : memref<640xf32, #tpu.memory_space<hbm>>) target(%dma_start3A : memref<640xf32, #tpu.memory_space<vmem_shared>>) target_semaphore(%run_scoped3A : memref<!tpu.dma_semaphore, #tpu.memory_space<semaphore_mem>>)
      %dma_wait3A = tpu.memref_slice %arg8[%mul3A_4] : memref<10240xf32, #tpu.memory_space<vmem_shared>> -> memref<640xf32, #tpu.memory_space<vmem_shared>>
      %dma_wait3A_24 = tpu.memref_slice %arg4[%mul3A_2] : memref<10240xf32, #tpu.memory_space<hbm>> -> memref<640xf32, #tpu.memory_space<hbm>>
      tpu.wait_dma2 semaphore(%run_scoped3A : memref<!tpu.dma_semaphore, #tpu.memory_space<semaphore_mem>>) src(%dma_wait3A_24 : memref<640xf32, #tpu.memory_space<hbm>>) dst(%dma_wait3A : memref<640xf32, #tpu.memory_space<vmem_shared>>)
      tpu.yield
    }) : () -> ()
    %mul3A_5 = arith.constant 80 : i32
    %mul3A_6 = arith.muli %add3A, %mul3A_5 : i32
    "tpu.region"() ({
      %run_scoped3A = tpu.sem_alloc : memref<!tpu.dma_semaphore, #tpu.memory_space<semaphore_mem>>
      %dma_start3A = arith.constant 0 : i32
      %dma_start3A_23 = tpu.memref_slice %arg2[%mul3A_6, %dma_start3A] : memref<2560x128xi32, #tpu.memory_space<hbm>> -> memref<80x128xi32, #tpu.memory_space<hbm>>
      %dma_start3A_24 = arith.constant 0 : i32
      %dma_start3A_25 = tpu.memref_slice %arg2[%mul3A_6, %dma_start3A_24] : memref<2560x128xi32, #tpu.memory_space<hbm>> -> memref<80x128xi32, #tpu.memory_space<hbm>>
      tpu.enqueue_dma source(%dma_start3A_25 : memref<80x128xi32, #tpu.memory_space<hbm>>) target(%arg6 : memref<80x128xi32, #tpu.memory_space<vmem>>) target_semaphore(%run_scoped3A : memref<!tpu.dma_semaphore, #tpu.memory_space<semaphore_mem>>)
      %dma_wait3A = arith.constant 0 : i32
      %dma_wait3A_26 = tpu.memref_slice %arg2[%mul3A_6, %dma_wait3A] : memref<2560x128xi32, #tpu.memory_space<hbm>> -> memref<80x128xi32, #tpu.memory_space<hbm>>
      %dma_wait3A_27 = arith.constant 0 : i32
      %dma_wait3A_28 = tpu.memref_slice %arg2[%mul3A_6, %dma_wait3A_27] : memref<2560x128xi32, #tpu.memory_space<hbm>> -> memref<80x128xi32, #tpu.memory_space<hbm>>
      tpu.wait_dma2 semaphore(%run_scoped3A : memref<!tpu.dma_semaphore, #tpu.memory_space<semaphore_mem>>) src(%dma_wait3A_28 : memref<80x128xi32, #tpu.memory_space<hbm>>) dst(%arg6 : memref<80x128xi32, #tpu.memory_space<vmem>>)
      tpu.yield
    }) : () -> ()
    %mul3A_7 = arith.constant 80 : i32
    %mul3A_8 = arith.muli %add3A, %mul3A_7 : i32
    "tpu.region"() ({
      %run_scoped3A = tpu.sem_alloc : memref<!tpu.dma_semaphore, #tpu.memory_space<semaphore_mem>>
      %dma_start3A = arith.constant 0 : i32
      %dma_start3A_23 = tpu.memref_slice %arg3[%mul3A_8, %dma_start3A] : memref<2560x128xf32, #tpu.memory_space<hbm>> -> memref<80x128xf32, #tpu.memory_space<hbm>>
      %dma_start3A_24 = arith.constant 0 : i32
      %dma_start3A_25 = tpu.memref_slice %arg3[%mul3A_8, %dma_start3A_24] : memref<2560x128xf32, #tpu.memory_space<hbm>> -> memref<80x128xf32, #tpu.memory_space<hbm>>
      tpu.enqueue_dma source(%dma_start3A_25 : memref<80x128xf32, #tpu.memory_space<hbm>>) target(%arg7 : memref<80x128xf32, #tpu.memory_space<vmem>>) target_semaphore(%run_scoped3A : memref<!tpu.dma_semaphore, #tpu.memory_space<semaphore_mem>>)
      %dma_wait3A = arith.constant 0 : i32
      %dma_wait3A_26 = tpu.memref_slice %arg3[%mul3A_8, %dma_wait3A] : memref<2560x128xf32, #tpu.memory_space<hbm>> -> memref<80x128xf32, #tpu.memory_space<hbm>>
      %dma_wait3A_27 = arith.constant 0 : i32
      %dma_wait3A_28 = tpu.memref_slice %arg3[%mul3A_8, %dma_wait3A_27] : memref<2560x128xf32, #tpu.memory_space<hbm>> -> memref<80x128xf32, #tpu.memory_space<hbm>>
      tpu.wait_dma2 semaphore(%run_scoped3A : memref<!tpu.dma_semaphore, #tpu.memory_space<semaphore_mem>>) src(%dma_wait3A_28 : memref<80x128xf32, #tpu.memory_space<hbm>>) dst(%arg7 : memref<80x128xf32, #tpu.memory_space<vmem>>)
      tpu.yield
    }) : () -> ()
    %barrier3A = arith.constant 0 : index
    tpu.barrier barrier_id(%barrier3A)
    %scan3A = arith.constant 0 : i32
    %scan3A_9 = arith.constant 80 : i32
    %scan3A_10 = arith.addi %scan3A, %scan3A_9 : i32
    %scan3A_11 = arith.constant 1 : i32
    scf.for %scan3A_23 = %scan3A to %scan3A_10 step %scan3A_11  : i32 {
      %mul3A_24 = arith.constant 1 : i32
      %mul3A_25 = arith.muli %scan3A_23, %mul3A_24 : i32
      %add3A_26 = arith.constant 0 : i32
      %add3A_27 = arith.addi %add3A_26, %mul3A_25 : i32
      %dma_start3A = arith.constant 0 : i32
      %dma_start3A_28 = tpu.memref_slice %arg7[%add3A_27, %dma_start3A] : memref<80x128xf32, #tpu.memory_space<vmem>> -> memref<1x128xf32, #tpu.memory_space<vmem>>
      %dma_start3A_29 = tpu.memref_squeeze %dma_start3A_28 : memref<1x128xf32, #tpu.memory_space<vmem>> -> memref<128xf32, #tpu.memory_space<vmem>>
      %dma_start3A_30 = arith.constant 0 : i32
      %dma_start3A_31 = tpu.memref_slice %arg6[%add3A_27, %dma_start3A_30] : memref<80x128xi32, #tpu.memory_space<vmem>> -> memref<1x128xi32, #tpu.memory_space<vmem>>
      %dma_start3A_32 = tpu.memref_squeeze %dma_start3A_31 : memref<1x128xi32, #tpu.memory_space<vmem>> -> memref<128xi32, #tpu.memory_space<vmem>>
      %dma_start3A_33 = arith.constant 0 : i32
      %dma_start3A_34 = tpu.memref_slice %arg8[%dma_start3A_33] : memref<10240xf32, #tpu.memory_space<vmem_shared>> -> memref<10240xf32, #tpu.memory_space<vmem_shared>>
      tpu.enqueue_indirect_dma source(%dma_start3A_29 : memref<128xf32, #tpu.memory_space<vmem>>) target(%dma_start3A_34 : memref<10240xf32, #tpu.memory_space<vmem_shared>>) offsets(%dma_start3A_32 : memref<128xi32, #tpu.memory_space<vmem>>) semaphore(%arg9 : memref<!tpu.dma_semaphore, #tpu.memory_space<semaphore_mem>>) {add = true}
    }
    %scan3A_12 = arith.constant 80 : i32
    %scan3A_13 = arith.constant 0 : i32
    %scan3A_14 = arith.constant 80 : i32
    %scan3A_15 = arith.addi %scan3A_13, %scan3A_14 : i32
    %scan3A_16 = arith.constant 1 : i32
    scf.for %scan3A_23 = %scan3A_13 to %scan3A_15 step %scan3A_16  : i32 {
      %mul3A_24 = arith.constant 1 : i32
      %mul3A_25 = arith.muli %scan3A_23, %mul3A_24 : i32
      %add3A_26 = arith.constant 0 : i32
      %add3A_27 = arith.addi %add3A_26, %mul3A_25 : i32
      %dma_wait3A = arith.constant 0 : i32
      %dma_wait3A_28 = tpu.memref_slice %arg7[%add3A_27, %dma_wait3A] : memref<80x128xf32, #tpu.memory_space<vmem>> -> memref<1x128xf32, #tpu.memory_space<vmem>>
      %dma_wait3A_29 = tpu.memref_squeeze %dma_wait3A_28 : memref<1x128xf32, #tpu.memory_space<vmem>> -> memref<128xf32, #tpu.memory_space<vmem>>
      %dma_wait3A_30 = arith.constant 0 : i32
      %dma_wait3A_31 = tpu.memref_slice %arg6[%add3A_27, %dma_wait3A_30] : memref<80x128xi32, #tpu.memory_space<vmem>> -> memref<1x128xi32, #tpu.memory_space<vmem>>
      %dma_wait3A_32 = tpu.memref_squeeze %dma_wait3A_31 : memref<1x128xi32, #tpu.memory_space<vmem>> -> memref<128xi32, #tpu.memory_space<vmem>>
      %dma_wait3A_33 = arith.constant 0 : i32
      %dma_wait3A_34 = tpu.memref_slice %arg8[%dma_wait3A_33] : memref<10240xf32, #tpu.memory_space<vmem_shared>> -> memref<10240xf32, #tpu.memory_space<vmem_shared>>
      tpu.wait_indirect_dma semaphore(%arg9 : memref<!tpu.dma_semaphore, #tpu.memory_space<semaphore_mem>>) src(%dma_wait3A_29 : memref<128xf32, #tpu.memory_space<vmem>>) dst(%dma_wait3A_34 : memref<10240xf32, #tpu.memory_space<vmem_shared>>)
    }
    %scan3A_17 = arith.constant 80 : i32
    %barrier3A_18 = arith.constant 0 : index
    tpu.barrier barrier_id(%barrier3A_18)
    %mul3A_19 = arith.constant 640 : i32
    %mul3A_20 = arith.muli %arg1, %mul3A_19 : i32
    %mul3A_21 = arith.constant 640 : i32
    %mul3A_22 = arith.muli %arg1, %mul3A_21 : i32
    "tpu.region"() ({
      %run_scoped3A = tpu.sem_alloc : memref<!tpu.dma_semaphore, #tpu.memory_space<semaphore_mem>>
      %dma_start3A = arith.constant 0 : i32
      %dma_start3A_23 = tpu.memref_slice %arg5[%arg0, %dma_start3A] : memref<2x10240xf32, #tpu.memory_space<hbm>> -> memref<1x10240xf32, #tpu.memory_space<hbm>>
      %dma_start3A_24 = tpu.memref_squeeze %dma_start3A_23 : memref<1x10240xf32, #tpu.memory_space<hbm>> -> memref<10240xf32, #tpu.memory_space<hbm>>
      %dma_start3A_25 = tpu.memref_slice %dma_start3A_24[%mul3A_22] : memref<10240xf32, #tpu.memory_space<hbm>> -> memref<640xf32, #tpu.memory_space<hbm>>
      %dma_start3A_26 = tpu.memref_slice %arg8[%mul3A_20] : memref<10240xf32, #tpu.memory_space<vmem_shared>> -> memref<640xf32, #tpu.memory_space<vmem_shared>>
      tpu.enqueue_dma source(%dma_start3A_26 : memref<640xf32, #tpu.memory_space<vmem_shared>>) target(%dma_start3A_25 : memref<640xf32, #tpu.memory_space<hbm>>) target_semaphore(%run_scoped3A : memref<!tpu.dma_semaphore, #tpu.memory_space<semaphore_mem>>)
      %dma_wait3A = arith.constant 0 : i32
      %dma_wait3A_27 = tpu.memref_slice %arg5[%arg0, %dma_wait3A] : memref<2x10240xf32, #tpu.memory_space<hbm>> -> memref<1x10240xf32, #tpu.memory_space<hbm>>
      %dma_wait3A_28 = tpu.memref_squeeze %dma_wait3A_27 : memref<1x10240xf32, #tpu.memory_space<hbm>> -> memref<10240xf32, #tpu.memory_space<hbm>>
      %dma_wait3A_29 = tpu.memref_slice %dma_wait3A_28[%mul3A_22] : memref<10240xf32, #tpu.memory_space<hbm>> -> memref<640xf32, #tpu.memory_space<hbm>>
      %dma_wait3A_30 = tpu.memref_slice %arg8[%mul3A_20] : memref<10240xf32, #tpu.memory_space<vmem_shared>> -> memref<640xf32, #tpu.memory_space<vmem_shared>>
      tpu.wait_dma2 semaphore(%run_scoped3A : memref<!tpu.dma_semaphore, #tpu.memory_space<semaphore_mem>>) src(%dma_wait3A_30 : memref<640xf32, #tpu.memory_space<vmem_shared>>) dst(%dma_wait3A_29 : memref<640xf32, #tpu.memory_space<hbm>>)
      tpu.yield
    }) : () -> ()
    return
  }
}

#map = affine_map<(d0, d1) -> (0, 0)>
#map1 = affine_map<(d0, d1) -> (0, 0, 0)>
#map2 = affine_map<(d0, d1) -> (0)>
module attributes {stable_mosaic.version = 14 : i64} {
  func.func @_agg_kernel(%arg0: i32, %arg1: i32, %arg2: memref<10000x8xf32, #tpu.memory_space<hbm>>, %arg3: memref<2x10240xf32, #tpu.memory_space<hbm>>, %arg4: memref<2560x128xi32, #tpu.memory_space<hbm>>, %arg5: memref<2560x128xi32, #tpu.memory_space<hbm>>, %arg6: memref<2560x128xf32, #tpu.memory_space<hbm>>, %arg7: memref<10240x8xf32, #tpu.memory_space<hbm>>, %arg8: memref<2x10240x8xf32, #tpu.memory_space<hbm>>, %arg9: memref<10240xf32, #tpu.memory_space<hbm>>, %arg10: memref<80x128xi32, #tpu.memory_space<vmem>>, %arg11: memref<80x128xi32, #tpu.memory_space<vmem>>, %arg12: memref<80x128xf32, #tpu.memory_space<vmem>>, %arg13: memref<10240xf32, #tpu.memory_space<vmem>>, %arg14: memref<640xf32, #tpu.memory_space<vmem>>, %arg15: memref<640xf32, #tpu.memory_space<vmem>>, %arg16: memref<128xf32, #tpu.memory_space<vmem>>, %arg17: memref<128x8xf32, #tpu.memory_space<vmem>>, %arg18: memref<128x8xf32, #tpu.memory_space<vmem>>, %arg19: memref<128x8xf32, #tpu.memory_space<vmem>>, %arg20: memref<128x8xf32, #tpu.memory_space<vmem>>, %arg21: memref<10000x8xf32, #tpu.memory_space<vmem_shared>>, %arg22: memref<10240x8xf32, #tpu.memory_space<vmem_shared>>, %arg23: memref<10240xf32, #tpu.memory_space<vmem_shared>>, %arg24: memref<!tpu.dma_semaphore, #tpu.memory_space<semaphore_mem>>, %arg25: memref<!tpu.dma_semaphore, #tpu.memory_space<semaphore_mem>>, %arg26: memref<!tpu.dma_semaphore, #tpu.memory_space<semaphore_mem>>, %arg27: memref<!tpu.dma_semaphore, #tpu.memory_space<semaphore_mem>>) attributes {dimension_semantics = [#tpu.dimension_semantics<core_parallel>, #tpu.dimension_semantics<subcore_parallel>], iteration_bounds = array<i64: 2, 16>, scalar_prefetch = 0 : i64, scratch_operands = 18 : i64, tpu.core_type = #tpu.core_type<sc_vector_subcore>, window_params = [{transform_indices = #map}, {transform_indices = #map}, {transform_indices = #map}, {transform_indices = #map}, {transform_indices = #map}, {transform_indices = #map}, {transform_indices = #map1}, {transform_indices = #map2}]} {
    %mul3A = arith.constant 2 : i32
    %mul3A_0 = arith.muli %arg1, %mul3A : i32
    %add3A = arith.addi %mul3A_0, %arg0 : i32
    %mul3A_1 = arith.constant 640 : i32
    %mul3A_2 = arith.muli %arg1, %mul3A_1 : i32
    %mul3A_3 = arith.constant 640 : i32
    %mul3A_4 = arith.muli %arg1, %mul3A_3 : i32
    "tpu.region"() ({
      %run_scoped3A_86 = tpu.sem_alloc : memref<!tpu.dma_semaphore, #tpu.memory_space<semaphore_mem>>
      %dma_start3A_87 = arith.constant 0 : i32
      %dma_start3A_88 = tpu.memref_slice %arg22[%mul3A_4, %dma_start3A_87] : memref<10240x8xf32, #tpu.memory_space<vmem_shared>> -> memref<640x8xf32, #tpu.memory_space<vmem_shared>>
      %dma_start3A_89 = arith.constant 0 : i32
      %dma_start3A_90 = tpu.memref_slice %arg7[%mul3A_2, %dma_start3A_89] : memref<10240x8xf32, #tpu.memory_space<hbm>> -> memref<640x8xf32, #tpu.memory_space<hbm>>
      tpu.enqueue_dma source(%dma_start3A_90 : memref<640x8xf32, #tpu.memory_space<hbm>>) target(%dma_start3A_88 : memref<640x8xf32, #tpu.memory_space<vmem_shared>>) target_semaphore(%run_scoped3A_86 : memref<!tpu.dma_semaphore, #tpu.memory_space<semaphore_mem>>)
      %dma_wait3A_91 = arith.constant 0 : i32
      %dma_wait3A_92 = tpu.memref_slice %arg22[%mul3A_4, %dma_wait3A_91] : memref<10240x8xf32, #tpu.memory_space<vmem_shared>> -> memref<640x8xf32, #tpu.memory_space<vmem_shared>>
      %dma_wait3A_93 = arith.constant 0 : i32
      %dma_wait3A_94 = tpu.memref_slice %arg7[%mul3A_2, %dma_wait3A_93] : memref<10240x8xf32, #tpu.memory_space<hbm>> -> memref<640x8xf32, #tpu.memory_space<hbm>>
      tpu.wait_dma2 semaphore(%run_scoped3A_86 : memref<!tpu.dma_semaphore, #tpu.memory_space<semaphore_mem>>) src(%dma_wait3A_94 : memref<640x8xf32, #tpu.memory_space<hbm>>) dst(%dma_wait3A_92 : memref<640x8xf32, #tpu.memory_space<vmem_shared>>)
      tpu.yield
    }) : () -> ()
    %lt3A = arith.constant 15 : i32
    %lt3A_5 = arith.cmpi slt, %arg1, %lt3A : i32
    %convert_element_type3A = arith.extui %lt3A_5 : i1 to i32
    %cond3A = arith.constant 0 : i32
    %cond3A_6 = arith.cmpi ne, %convert_element_type3A, %cond3A : i32
    scf.if %cond3A_6 {
      %mul3A_86 = arith.constant 640 : i32
      %mul3A_87 = arith.muli %arg1, %mul3A_86 : i32
      %mul3A_88 = arith.constant 640 : i32
      %mul3A_89 = arith.muli %arg1, %mul3A_88 : i32
      "tpu.region"() ({
        %run_scoped3A_90 = tpu.sem_alloc : memref<!tpu.dma_semaphore, #tpu.memory_space<semaphore_mem>>
        %dma_start3A_91 = arith.constant 0 : i32
        %dma_start3A_92 = tpu.memref_slice %arg21[%mul3A_89, %dma_start3A_91] : memref<10000x8xf32, #tpu.memory_space<vmem_shared>> -> memref<640x8xf32, #tpu.memory_space<vmem_shared>>
        %dma_start3A_93 = arith.constant 0 : i32
        %dma_start3A_94 = tpu.memref_slice %arg2[%mul3A_87, %dma_start3A_93] : memref<10000x8xf32, #tpu.memory_space<hbm>> -> memref<640x8xf32, #tpu.memory_space<hbm>>
        tpu.enqueue_dma source(%dma_start3A_94 : memref<640x8xf32, #tpu.memory_space<hbm>>) target(%dma_start3A_92 : memref<640x8xf32, #tpu.memory_space<vmem_shared>>) target_semaphore(%run_scoped3A_90 : memref<!tpu.dma_semaphore, #tpu.memory_space<semaphore_mem>>)
        %dma_wait3A_95 = arith.constant 0 : i32
        %dma_wait3A_96 = tpu.memref_slice %arg21[%mul3A_89, %dma_wait3A_95] : memref<10000x8xf32, #tpu.memory_space<vmem_shared>> -> memref<640x8xf32, #tpu.memory_space<vmem_shared>>
        %dma_wait3A_97 = arith.constant 0 : i32
        %dma_wait3A_98 = tpu.memref_slice %arg2[%mul3A_87, %dma_wait3A_97] : memref<10000x8xf32, #tpu.memory_space<hbm>> -> memref<640x8xf32, #tpu.memory_space<hbm>>
        tpu.wait_dma2 semaphore(%run_scoped3A_90 : memref<!tpu.dma_semaphore, #tpu.memory_space<semaphore_mem>>) src(%dma_wait3A_98 : memref<640x8xf32, #tpu.memory_space<hbm>>) dst(%dma_wait3A_96 : memref<640x8xf32, #tpu.memory_space<vmem_shared>>)
        tpu.yield
      }) : () -> ()
    } else {
    }
    %eq3A = arith.constant 15 : i32
    %eq3A_7 = arith.cmpi eq, %arg1, %eq3A : i32
    %convert_element_type3A_8 = arith.extui %eq3A_7 : i1 to i32
    %cond3A_9 = arith.constant 0 : i32
    %cond3A_10 = arith.cmpi ne, %convert_element_type3A_8, %cond3A_9 : i32
    scf.if %cond3A_10 {
      "tpu.region"() ({
        %run_scoped3A_86 = tpu.sem_alloc : memref<!tpu.dma_semaphore, #tpu.memory_space<semaphore_mem>>
        %dma_start3A_87 = arith.constant 9600 : i32
        %dma_start3A_88 = arith.constant 0 : i32
        %dma_start3A_89 = tpu.memref_slice %arg21[%dma_start3A_87, %dma_start3A_88] : memref<10000x8xf32, #tpu.memory_space<vmem_shared>> -> memref<400x8xf32, #tpu.memory_space<vmem_shared>>
        %dma_start3A_90 = arith.constant 9600 : i32
        %dma_start3A_91 = arith.constant 0 : i32
        %dma_start3A_92 = tpu.memref_slice %arg2[%dma_start3A_90, %dma_start3A_91] : memref<10000x8xf32, #tpu.memory_space<hbm>> -> memref<400x8xf32, #tpu.memory_space<hbm>>
        tpu.enqueue_dma source(%dma_start3A_92 : memref<400x8xf32, #tpu.memory_space<hbm>>) target(%dma_start3A_89 : memref<400x8xf32, #tpu.memory_space<vmem_shared>>) target_semaphore(%run_scoped3A_86 : memref<!tpu.dma_semaphore, #tpu.memory_space<semaphore_mem>>)
        %dma_wait3A_93 = arith.constant 9600 : i32
        %dma_wait3A_94 = arith.constant 0 : i32
        %dma_wait3A_95 = tpu.memref_slice %arg21[%dma_wait3A_93, %dma_wait3A_94] : memref<10000x8xf32, #tpu.memory_space<vmem_shared>> -> memref<400x8xf32, #tpu.memory_space<vmem_shared>>
        %dma_wait3A_96 = arith.constant 9600 : i32
        %dma_wait3A_97 = arith.constant 0 : i32
        %dma_wait3A_98 = tpu.memref_slice %arg2[%dma_wait3A_96, %dma_wait3A_97] : memref<10000x8xf32, #tpu.memory_space<hbm>> -> memref<400x8xf32, #tpu.memory_space<hbm>>
        tpu.wait_dma2 semaphore(%run_scoped3A_86 : memref<!tpu.dma_semaphore, #tpu.memory_space<semaphore_mem>>) src(%dma_wait3A_98 : memref<400x8xf32, #tpu.memory_space<hbm>>) dst(%dma_wait3A_95 : memref<400x8xf32, #tpu.memory_space<vmem_shared>>)
        tpu.yield
      }) : () -> ()
    } else {
    }
    %mul3A_11 = arith.constant 80 : i32
    %mul3A_12 = arith.muli %add3A, %mul3A_11 : i32
    "tpu.region"() ({
      %run_scoped3A_86 = tpu.sem_alloc : memref<!tpu.dma_semaphore, #tpu.memory_space<semaphore_mem>>
      %dma_start3A_87 = arith.constant 0 : i32
      %dma_start3A_88 = tpu.memref_slice %arg4[%mul3A_12, %dma_start3A_87] : memref<2560x128xi32, #tpu.memory_space<hbm>> -> memref<80x128xi32, #tpu.memory_space<hbm>>
      %dma_start3A_89 = arith.constant 0 : i32
      %dma_start3A_90 = tpu.memref_slice %arg4[%mul3A_12, %dma_start3A_89] : memref<2560x128xi32, #tpu.memory_space<hbm>> -> memref<80x128xi32, #tpu.memory_space<hbm>>
      tpu.enqueue_dma source(%dma_start3A_90 : memref<80x128xi32, #tpu.memory_space<hbm>>) target(%arg10 : memref<80x128xi32, #tpu.memory_space<vmem>>) target_semaphore(%run_scoped3A_86 : memref<!tpu.dma_semaphore, #tpu.memory_space<semaphore_mem>>)
      %dma_wait3A_91 = arith.constant 0 : i32
      %dma_wait3A_92 = tpu.memref_slice %arg4[%mul3A_12, %dma_wait3A_91] : memref<2560x128xi32, #tpu.memory_space<hbm>> -> memref<80x128xi32, #tpu.memory_space<hbm>>
      %dma_wait3A_93 = arith.constant 0 : i32
      %dma_wait3A_94 = tpu.memref_slice %arg4[%mul3A_12, %dma_wait3A_93] : memref<2560x128xi32, #tpu.memory_space<hbm>> -> memref<80x128xi32, #tpu.memory_space<hbm>>
      tpu.wait_dma2 semaphore(%run_scoped3A_86 : memref<!tpu.dma_semaphore, #tpu.memory_space<semaphore_mem>>) src(%dma_wait3A_94 : memref<80x128xi32, #tpu.memory_space<hbm>>) dst(%arg10 : memref<80x128xi32, #tpu.memory_space<vmem>>)
      tpu.yield
    }) : () -> ()
    %mul3A_13 = arith.constant 80 : i32
    %mul3A_14 = arith.muli %add3A, %mul3A_13 : i32
    "tpu.region"() ({
      %run_scoped3A_86 = tpu.sem_alloc : memref<!tpu.dma_semaphore, #tpu.memory_space<semaphore_mem>>
      %dma_start3A_87 = arith.constant 0 : i32
      %dma_start3A_88 = tpu.memref_slice %arg5[%mul3A_14, %dma_start3A_87] : memref<2560x128xi32, #tpu.memory_space<hbm>> -> memref<80x128xi32, #tpu.memory_space<hbm>>
      %dma_start3A_89 = arith.constant 0 : i32
      %dma_start3A_90 = tpu.memref_slice %arg5[%mul3A_14, %dma_start3A_89] : memref<2560x128xi32, #tpu.memory_space<hbm>> -> memref<80x128xi32, #tpu.memory_space<hbm>>
      tpu.enqueue_dma source(%dma_start3A_90 : memref<80x128xi32, #tpu.memory_space<hbm>>) target(%arg11 : memref<80x128xi32, #tpu.memory_space<vmem>>) target_semaphore(%run_scoped3A_86 : memref<!tpu.dma_semaphore, #tpu.memory_space<semaphore_mem>>)
      %dma_wait3A_91 = arith.constant 0 : i32
      %dma_wait3A_92 = tpu.memref_slice %arg5[%mul3A_14, %dma_wait3A_91] : memref<2560x128xi32, #tpu.memory_space<hbm>> -> memref<80x128xi32, #tpu.memory_space<hbm>>
      %dma_wait3A_93 = arith.constant 0 : i32
      %dma_wait3A_94 = tpu.memref_slice %arg5[%mul3A_14, %dma_wait3A_93] : memref<2560x128xi32, #tpu.memory_space<hbm>> -> memref<80x128xi32, #tpu.memory_space<hbm>>
      tpu.wait_dma2 semaphore(%run_scoped3A_86 : memref<!tpu.dma_semaphore, #tpu.memory_space<semaphore_mem>>) src(%dma_wait3A_94 : memref<80x128xi32, #tpu.memory_space<hbm>>) dst(%arg11 : memref<80x128xi32, #tpu.memory_space<vmem>>)
      tpu.yield
    }) : () -> ()
    %mul3A_15 = arith.constant 80 : i32
    %mul3A_16 = arith.muli %add3A, %mul3A_15 : i32
    "tpu.region"() ({
      %run_scoped3A_86 = tpu.sem_alloc : memref<!tpu.dma_semaphore, #tpu.memory_space<semaphore_mem>>
      %dma_start3A_87 = arith.constant 0 : i32
      %dma_start3A_88 = tpu.memref_slice %arg6[%mul3A_16, %dma_start3A_87] : memref<2560x128xf32, #tpu.memory_space<hbm>> -> memref<80x128xf32, #tpu.memory_space<hbm>>
      %dma_start3A_89 = arith.constant 0 : i32
      %dma_start3A_90 = tpu.memref_slice %arg6[%mul3A_16, %dma_start3A_89] : memref<2560x128xf32, #tpu.memory_space<hbm>> -> memref<80x128xf32, #tpu.memory_space<hbm>>
      tpu.enqueue_dma source(%dma_start3A_90 : memref<80x128xf32, #tpu.memory_space<hbm>>) target(%arg12 : memref<80x128xf32, #tpu.memory_space<vmem>>) target_semaphore(%run_scoped3A_86 : memref<!tpu.dma_semaphore, #tpu.memory_space<semaphore_mem>>)
      %dma_wait3A_91 = arith.constant 0 : i32
      %dma_wait3A_92 = tpu.memref_slice %arg6[%mul3A_16, %dma_wait3A_91] : memref<2560x128xf32, #tpu.memory_space<hbm>> -> memref<80x128xf32, #tpu.memory_space<hbm>>
      %dma_wait3A_93 = arith.constant 0 : i32
      %dma_wait3A_94 = tpu.memref_slice %arg6[%mul3A_16, %dma_wait3A_93] : memref<2560x128xf32, #tpu.memory_space<hbm>> -> memref<80x128xf32, #tpu.memory_space<hbm>>
      tpu.wait_dma2 semaphore(%run_scoped3A_86 : memref<!tpu.dma_semaphore, #tpu.memory_space<semaphore_mem>>) src(%dma_wait3A_94 : memref<80x128xf32, #tpu.memory_space<hbm>>) dst(%arg12 : memref<80x128xf32, #tpu.memory_space<vmem>>)
      tpu.yield
    }) : () -> ()
    %mul3A_17 = arith.constant 640 : i32
    %mul3A_18 = arith.muli %arg1, %mul3A_17 : i32
    %run_scoped3A = arith.constant 0 : i32
    "tpu.region"() ({
      %run_scoped3A_86 = tpu.sem_alloc : memref<!tpu.dma_semaphore, #tpu.memory_space<semaphore_mem>>
      %dma_start3A_87 = arith.constant 0 : i32
      %dma_start3A_88 = tpu.memref_slice %arg3[%run_scoped3A, %dma_start3A_87] : memref<2x10240xf32, #tpu.memory_space<hbm>> -> memref<1x10240xf32, #tpu.memory_space<hbm>>
      %dma_start3A_89 = tpu.memref_squeeze %dma_start3A_88 : memref<1x10240xf32, #tpu.memory_space<hbm>> -> memref<10240xf32, #tpu.memory_space<hbm>>
      %dma_start3A_90 = tpu.memref_slice %dma_start3A_89[%mul3A_18] : memref<10240xf32, #tpu.memory_space<hbm>> -> memref<640xf32, #tpu.memory_space<hbm>>
      %dma_start3A_91 = arith.constant 0 : i32
      %dma_start3A_92 = tpu.memref_slice %arg3[%run_scoped3A, %dma_start3A_91] : memref<2x10240xf32, #tpu.memory_space<hbm>> -> memref<1x10240xf32, #tpu.memory_space<hbm>>
      %dma_start3A_93 = tpu.memref_squeeze %dma_start3A_92 : memref<1x10240xf32, #tpu.memory_space<hbm>> -> memref<10240xf32, #tpu.memory_space<hbm>>
      %dma_start3A_94 = tpu.memref_slice %dma_start3A_93[%mul3A_18] : memref<10240xf32, #tpu.memory_space<hbm>> -> memref<640xf32, #tpu.memory_space<hbm>>
      tpu.enqueue_dma source(%dma_start3A_94 : memref<640xf32, #tpu.memory_space<hbm>>) target(%arg14 : memref<640xf32, #tpu.memory_space<vmem>>) target_semaphore(%run_scoped3A_86 : memref<!tpu.dma_semaphore, #tpu.memory_space<semaphore_mem>>)
      %dma_wait3A_95 = arith.constant 0 : i32
      %dma_wait3A_96 = tpu.memref_slice %arg3[%run_scoped3A, %dma_wait3A_95] : memref<2x10240xf32, #tpu.memory_space<hbm>> -> memref<1x10240xf32, #tpu.memory_space<hbm>>
      %dma_wait3A_97 = tpu.memref_squeeze %dma_wait3A_96 : memref<1x10240xf32, #tpu.memory_space<hbm>> -> memref<10240xf32, #tpu.memory_space<hbm>>
      %dma_wait3A_98 = tpu.memref_slice %dma_wait3A_97[%mul3A_18] : memref<10240xf32, #tpu.memory_space<hbm>> -> memref<640xf32, #tpu.memory_space<hbm>>
      %dma_wait3A_99 = arith.constant 0 : i32
      %dma_wait3A_100 = tpu.memref_slice %arg3[%run_scoped3A, %dma_wait3A_99] : memref<2x10240xf32, #tpu.memory_space<hbm>> -> memref<1x10240xf32, #tpu.memory_space<hbm>>
      %dma_wait3A_101 = tpu.memref_squeeze %dma_wait3A_100 : memref<1x10240xf32, #tpu.memory_space<hbm>> -> memref<10240xf32, #tpu.memory_space<hbm>>
      %dma_wait3A_102 = tpu.memref_slice %dma_wait3A_101[%mul3A_18] : memref<10240xf32, #tpu.memory_space<hbm>> -> memref<640xf32, #tpu.memory_space<hbm>>
      tpu.wait_dma2 semaphore(%run_scoped3A_86 : memref<!tpu.dma_semaphore, #tpu.memory_space<semaphore_mem>>) src(%dma_wait3A_102 : memref<640xf32, #tpu.memory_space<hbm>>) dst(%arg14 : memref<640xf32, #tpu.memory_space<vmem>>)
      tpu.yield
    }) : () -> ()
    %mul3A_19 = arith.constant 640 : i32
    %mul3A_20 = arith.muli %arg1, %mul3A_19 : i32
    %run_scoped3A_21 = arith.constant 1 : i32
    "tpu.region"() ({
      %run_scoped3A_86 = tpu.sem_alloc : memref<!tpu.dma_semaphore, #tpu.memory_space<semaphore_mem>>
      %dma_start3A_87 = arith.constant 0 : i32
      %dma_start3A_88 = tpu.memref_slice %arg3[%run_scoped3A_21, %dma_start3A_87] : memref<2x10240xf32, #tpu.memory_space<hbm>> -> memref<1x10240xf32, #tpu.memory_space<hbm>>
      %dma_start3A_89 = tpu.memref_squeeze %dma_start3A_88 : memref<1x10240xf32, #tpu.memory_space<hbm>> -> memref<10240xf32, #tpu.memory_space<hbm>>
      %dma_start3A_90 = tpu.memref_slice %dma_start3A_89[%mul3A_20] : memref<10240xf32, #tpu.memory_space<hbm>> -> memref<640xf32, #tpu.memory_space<hbm>>
      %dma_start3A_91 = arith.constant 0 : i32
      %dma_start3A_92 = tpu.memref_slice %arg3[%run_scoped3A_21, %dma_start3A_91] : memref<2x10240xf32, #tpu.memory_space<hbm>> -> memref<1x10240xf32, #tpu.memory_space<hbm>>
      %dma_start3A_93 = tpu.memref_squeeze %dma_start3A_92 : memref<1x10240xf32, #tpu.memory_space<hbm>> -> memref<10240xf32, #tpu.memory_space<hbm>>
      %dma_start3A_94 = tpu.memref_slice %dma_start3A_93[%mul3A_20] : memref<10240xf32, #tpu.memory_space<hbm>> -> memref<640xf32, #tpu.memory_space<hbm>>
      tpu.enqueue_dma source(%dma_start3A_94 : memref<640xf32, #tpu.memory_space<hbm>>) target(%arg15 : memref<640xf32, #tpu.memory_space<vmem>>) target_semaphore(%run_scoped3A_86 : memref<!tpu.dma_semaphore, #tpu.memory_space<semaphore_mem>>)
      %dma_wait3A_95 = arith.constant 0 : i32
      %dma_wait3A_96 = tpu.memref_slice %arg3[%run_scoped3A_21, %dma_wait3A_95] : memref<2x10240xf32, #tpu.memory_space<hbm>> -> memref<1x10240xf32, #tpu.memory_space<hbm>>
      %dma_wait3A_97 = tpu.memref_squeeze %dma_wait3A_96 : memref<1x10240xf32, #tpu.memory_space<hbm>> -> memref<10240xf32, #tpu.memory_space<hbm>>
      %dma_wait3A_98 = tpu.memref_slice %dma_wait3A_97[%mul3A_20] : memref<10240xf32, #tpu.memory_space<hbm>> -> memref<640xf32, #tpu.memory_space<hbm>>
      %dma_wait3A_99 = arith.constant 0 : i32
      %dma_wait3A_100 = tpu.memref_slice %arg3[%run_scoped3A_21, %dma_wait3A_99] : memref<2x10240xf32, #tpu.memory_space<hbm>> -> memref<1x10240xf32, #tpu.memory_space<hbm>>
      %dma_wait3A_101 = tpu.memref_squeeze %dma_wait3A_100 : memref<1x10240xf32, #tpu.memory_space<hbm>> -> memref<10240xf32, #tpu.memory_space<hbm>>
      %dma_wait3A_102 = tpu.memref_slice %dma_wait3A_101[%mul3A_20] : memref<10240xf32, #tpu.memory_space<hbm>> -> memref<640xf32, #tpu.memory_space<hbm>>
      tpu.wait_dma2 semaphore(%run_scoped3A_86 : memref<!tpu.dma_semaphore, #tpu.memory_space<semaphore_mem>>) src(%dma_wait3A_102 : memref<640xf32, #tpu.memory_space<hbm>>) dst(%arg15 : memref<640xf32, #tpu.memory_space<vmem>>)
      tpu.yield
    }) : () -> ()
    %parallel_loop3A = arith.constant 0 : i32
    %parallel_loop3A_22 = arith.constant 40 : i32
    %parallel_loop3A_23 = arith.constant 1 : i32
    scf.for %parallel_loop3A_86 = %parallel_loop3A to %parallel_loop3A_22 step %parallel_loop3A_23  : i32 {
      %parallel_loop3A_87 = arith.constant 16 : i32
      %parallel_loop3A_88 = arith.muli %parallel_loop3A_87, %parallel_loop3A_86 : i32
      %parallel_loop3A_89 = arith.index_cast %parallel_loop3A_88 : i32 to index
      %parallel_loop3A_90 = tpu.vector_load %arg14[%parallel_loop3A_89] {strides = array<i32>} : memref<640xf32, #tpu.memory_space<vmem>>, vector<16xf32>,
      %parallel_loop3A_91 = arith.constant 16 : i32
      %parallel_loop3A_92 = arith.muli %parallel_loop3A_91, %parallel_loop3A_86 : i32
      %parallel_loop3A_93 = arith.index_cast %parallel_loop3A_92 : i32 to index
      %parallel_loop3A_94 = tpu.vector_load %arg15[%parallel_loop3A_93] {strides = array<i32>} : memref<640xf32, #tpu.memory_space<vmem>>, vector<16xf32>,
      %parallel_loop3A_95 = arith.addf %parallel_loop3A_90, %parallel_loop3A_94 : vector<16xf32>
      %parallel_loop3A_96 = arith.constant 1.000000e+00 : f32
      %parallel_loop3A_97 = vector.broadcast %parallel_loop3A_96 : f32 to vector<16xf32>
      %parallel_loop3A_98 = arith.addf %parallel_loop3A_95, %parallel_loop3A_97 : vector<16xf32>
      %parallel_loop3A_99 = vector.bitcast %parallel_loop3A_98 : vector<16xf32> to vector<16xi32>
      %parallel_loop3A_100 = arith.constant 1 : i32
      %parallel_loop3A_101 = vector.broadcast %parallel_loop3A_100 : i32 to vector<16xi32>
      %parallel_loop3A_102 = arith.shrsi %parallel_loop3A_99, %parallel_loop3A_101 : vector<16xi32>
      %parallel_loop3A_103 = arith.constant 1597463007 : i32
      %parallel_loop3A_104 = vector.broadcast %parallel_loop3A_103 : i32 to vector<16xi32>
      %parallel_loop3A_105 = arith.subi %parallel_loop3A_104, %parallel_loop3A_102 : vector<16xi32>
      %parallel_loop3A_106 = vector.bitcast %parallel_loop3A_105 : vector<16xi32> to vector<16xf32>
      %parallel_loop3A_107 = arith.constant 5.000000e-01 : f32
      %parallel_loop3A_108 = vector.broadcast %parallel_loop3A_107 : f32 to vector<16xf32>
      %parallel_loop3A_109 = arith.mulf %parallel_loop3A_108, %parallel_loop3A_98 : vector<16xf32>
      %parallel_loop3A_110 = arith.mulf %parallel_loop3A_109, %parallel_loop3A_106 : vector<16xf32>
      %parallel_loop3A_111 = arith.mulf %parallel_loop3A_110, %parallel_loop3A_106 : vector<16xf32>
      %parallel_loop3A_112 = arith.constant 1.500000e+00 : f32
      %parallel_loop3A_113 = vector.broadcast %parallel_loop3A_112 : f32 to vector<16xf32>
      %parallel_loop3A_114 = arith.subf %parallel_loop3A_113, %parallel_loop3A_111 : vector<16xf32>
      %parallel_loop3A_115 = arith.mulf %parallel_loop3A_106, %parallel_loop3A_114 : vector<16xf32>
      %parallel_loop3A_116 = arith.mulf %parallel_loop3A_109, %parallel_loop3A_115 : vector<16xf32>
      %parallel_loop3A_117 = arith.mulf %parallel_loop3A_116, %parallel_loop3A_115 : vector<16xf32>
      %parallel_loop3A_118 = arith.constant 1.500000e+00 : f32
      %parallel_loop3A_119 = vector.broadcast %parallel_loop3A_118 : f32 to vector<16xf32>
      %parallel_loop3A_120 = arith.subf %parallel_loop3A_119, %parallel_loop3A_117 : vector<16xf32>
      %parallel_loop3A_121 = arith.mulf %parallel_loop3A_115, %parallel_loop3A_120 : vector<16xf32>
      %parallel_loop3A_122 = arith.mulf %parallel_loop3A_109, %parallel_loop3A_121 : vector<16xf32>
      %parallel_loop3A_123 = arith.mulf %parallel_loop3A_122, %parallel_loop3A_121 : vector<16xf32>
      %parallel_loop3A_124 = arith.constant 1.500000e+00 : f32
      %parallel_loop3A_125 = vector.broadcast %parallel_loop3A_124 : f32 to vector<16xf32>
      %parallel_loop3A_126 = arith.subf %parallel_loop3A_125, %parallel_loop3A_123 : vector<16xf32>
      %parallel_loop3A_127 = arith.mulf %parallel_loop3A_121, %parallel_loop3A_126 : vector<16xf32>
      %parallel_loop3A_128 = arith.constant 16 : i32
      %parallel_loop3A_129 = arith.muli %parallel_loop3A_128, %parallel_loop3A_86 : i32
      %parallel_loop3A_130 = arith.index_cast %parallel_loop3A_129 : i32 to index
      %parallel_loop3A_131 = tpu.vector_load %arg14[%parallel_loop3A_130] {strides = array<i32>} : memref<640xf32, #tpu.memory_space<vmem>>, vector<16xf32>,
      tpu.vector_store %arg14[%parallel_loop3A_130], %parallel_loop3A_127 {strides = array<i32>} : memref<640xf32, #tpu.memory_space<vmem>>, vector<16xf32>,
    } {sc.loop_unroll_factor = 4 : i64, sc.parallel_access}
    %mul3A_24 = arith.constant 640 : i32
    %mul3A_25 = arith.muli %arg1, %mul3A_24 : i32
    "tpu.region"() ({
      %run_scoped3A_86 = tpu.sem_alloc : memref<!tpu.dma_semaphore, #tpu.memory_space<semaphore_mem>>
      %dma_start3A_87 = tpu.memref_slice %arg23[%mul3A_25] : memref<10240xf32, #tpu.memory_space<vmem_shared>> -> memref<640xf32, #tpu.memory_space<vmem_shared>>
      %dma_start3A_88 = tpu.memref_slice %arg23[%mul3A_25] : memref<10240xf32, #tpu.memory_space<vmem_shared>> -> memref<640xf32, #tpu.memory_space<vmem_shared>>
      tpu.enqueue_dma source(%arg14 : memref<640xf32, #tpu.memory_space<vmem>>) target(%dma_start3A_88 : memref<640xf32, #tpu.memory_space<vmem_shared>>) target_semaphore(%run_scoped3A_86 : memref<!tpu.dma_semaphore, #tpu.memory_space<semaphore_mem>>)
      %dma_wait3A_89 = tpu.memref_slice %arg23[%mul3A_25] : memref<10240xf32, #tpu.memory_space<vmem_shared>> -> memref<640xf32, #tpu.memory_space<vmem_shared>>
      %dma_wait3A_90 = tpu.memref_slice %arg23[%mul3A_25] : memref<10240xf32, #tpu.memory_space<vmem_shared>> -> memref<640xf32, #tpu.memory_space<vmem_shared>>
      tpu.wait_dma2 semaphore(%run_scoped3A_86 : memref<!tpu.dma_semaphore, #tpu.memory_space<semaphore_mem>>) src(%arg14 : memref<640xf32, #tpu.memory_space<vmem>>) dst(%dma_wait3A_90 : memref<640xf32, #tpu.memory_space<vmem_shared>>)
      tpu.yield
    }) : () -> ()
    %eq3A_26 = arith.constant 0 : i32
    %eq3A_27 = arith.cmpi eq, %arg0, %eq3A_26 : i32
    %convert_element_type3A_28 = arith.extui %eq3A_27 : i1 to i32
    %cond3A_29 = arith.constant 0 : i32
    %cond3A_30 = arith.cmpi ne, %convert_element_type3A_28, %cond3A_29 : i32
    scf.if %cond3A_30 {
      %mul3A_86 = arith.constant 640 : i32
      %mul3A_87 = arith.muli %arg1, %mul3A_86 : i32
      "tpu.region"() ({
        %run_scoped3A_88 = tpu.sem_alloc : memref<!tpu.dma_semaphore, #tpu.memory_space<semaphore_mem>>
        %dma_start3A_89 = tpu.memref_slice %arg9[%mul3A_87] : memref<10240xf32, #tpu.memory_space<hbm>> -> memref<640xf32, #tpu.memory_space<hbm>>
        %dma_start3A_90 = tpu.memref_slice %arg9[%mul3A_87] : memref<10240xf32, #tpu.memory_space<hbm>> -> memref<640xf32, #tpu.memory_space<hbm>>
        tpu.enqueue_dma source(%arg14 : memref<640xf32, #tpu.memory_space<vmem>>) target(%dma_start3A_90 : memref<640xf32, #tpu.memory_space<hbm>>) target_semaphore(%run_scoped3A_88 : memref<!tpu.dma_semaphore, #tpu.memory_space<semaphore_mem>>)
        %dma_wait3A_91 = tpu.memref_slice %arg9[%mul3A_87] : memref<10240xf32, #tpu.memory_space<hbm>> -> memref<640xf32, #tpu.memory_space<hbm>>
        %dma_wait3A_92 = tpu.memref_slice %arg9[%mul3A_87] : memref<10240xf32, #tpu.memory_space<hbm>> -> memref<640xf32, #tpu.memory_space<hbm>>
        tpu.wait_dma2 semaphore(%run_scoped3A_88 : memref<!tpu.dma_semaphore, #tpu.memory_space<semaphore_mem>>) src(%arg14 : memref<640xf32, #tpu.memory_space<vmem>>) dst(%dma_wait3A_92 : memref<640xf32, #tpu.memory_space<hbm>>)
        tpu.yield
      }) : () -> ()
    } else {
    }
    %barrier3A = arith.constant 0 : index
    tpu.barrier barrier_id(%barrier3A)
    "tpu.region"() ({
      %run_scoped3A_86 = tpu.sem_alloc : memref<!tpu.dma_semaphore, #tpu.memory_space<semaphore_mem>>
      tpu.enqueue_dma source(%arg23 : memref<10240xf32, #tpu.memory_space<vmem_shared>>) target(%arg13 : memref<10240xf32, #tpu.memory_space<vmem>>) target_semaphore(%run_scoped3A_86 : memref<!tpu.dma_semaphore, #tpu.memory_space<semaphore_mem>>)
      tpu.wait_dma2 semaphore(%run_scoped3A_86 : memref<!tpu.dma_semaphore, #tpu.memory_space<semaphore_mem>>) src(%arg23 : memref<10240xf32, #tpu.memory_space<vmem_shared>>) dst(%arg13 : memref<10240xf32, #tpu.memory_space<vmem>>)
      tpu.yield
    }) : () -> ()
    %iota3A = tpu.iota {dimensions = array<i32: 0>} : vector<16xi32>
    %jit3A = arith.constant 8 : i32
    %div3A = vector.broadcast %jit3A : i32 to vector<16xi32>
    %div3A_31 = arith.divsi %iota3A, %div3A : vector<16xi32>
    %sign3A = arith.constant 0 : i32
    %sign3A_32 = vector.broadcast %sign3A : i32 to vector<16xi32>
    %sign3A_33 = arith.cmpi sgt, %iota3A, %sign3A_32 : vector<16xi32>
    %sign3A_34 = arith.extui %sign3A_33 : vector<16xi1> to vector<16xi32>
    %sign3A_35 = arith.constant 0 : i32
    %sign3A_36 = vector.broadcast %sign3A_35 : i32 to vector<16xi32>
    %sign3A_37 = arith.cmpi slt, %iota3A, %sign3A_36 : vector<16xi32>
    %sign3A_38 = arith.extui %sign3A_37 : vector<16xi1> to vector<16xi32>
    %sign3A_39 = arith.subi %sign3A_34, %sign3A_38 : vector<16xi32>
    %sign3A_40 = arith.constant 0 : i32
    %sign3A_41 = arith.cmpi sgt, %jit3A, %sign3A_40 : i32
    %sign3A_42 = arith.extui %sign3A_41 : i1 to i32
    %sign3A_43 = arith.constant 0 : i32
    %sign3A_44 = arith.cmpi slt, %jit3A, %sign3A_43 : i32
    %sign3A_45 = arith.extui %sign3A_44 : i1 to i32
    %sign3A_46 = arith.subi %sign3A_42, %sign3A_45 : i32
    %ne3A = vector.broadcast %sign3A_46 : i32 to vector<16xi32>
    %ne3A_47 = arith.cmpi ne, %sign3A_39, %ne3A : vector<16xi32>
    %rem3A = vector.broadcast %jit3A : i32 to vector<16xi32>
    %rem3A_48 = arith.remsi %iota3A, %rem3A : vector<16xi32>
    %ne3A_49 = arith.constant 0 : i32
    %ne3A_50 = vector.broadcast %ne3A_49 : i32 to vector<16xi32>
    %ne3A_51 = arith.cmpi ne, %rem3A_48, %ne3A_50 : vector<16xi32>
    %and3A = arith.andi %ne3A_47, %ne3A_51 : vector<16xi1>
    %sub3A = arith.constant 1 : i32
    %sub3A_52 = vector.broadcast %sub3A : i32 to vector<16xi32>
    %sub3A_53 = arith.subi %div3A_31, %sub3A_52 : vector<16xi32>
    %select_n3A = arith.select %and3A, %sub3A_53, %div3A_31 : vector<16xi1>, vector<16xi32>
    %mul3A_54 = arith.constant 8 : i32
    %mul3A_55 = vector.broadcast %mul3A_54 : i32 to vector<16xi32>
    %mul3A_56 = arith.muli %mul3A_55, %select_n3A : vector<16xi32>
    %sub3A_57 = arith.subi %iota3A, %mul3A_56 : vector<16xi32>
    %dma_start3A = arith.constant 0 : i32
    %dma_start3A_58 = arith.constant 0 : i32
    %dma_start3A_59 = tpu.memref_slice %arg10[%dma_start3A, %dma_start3A_58] : memref<80x128xi32, #tpu.memory_space<vmem>> -> memref<1x128xi32, #tpu.memory_space<vmem>>
    %dma_start3A_60 = tpu.memref_squeeze %dma_start3A_59 : memref<1x128xi32, #tpu.memory_space<vmem>> -> memref<128xi32, #tpu.memory_space<vmem>>
    %dma_start3A_61 = arith.constant 0 : i32
    %dma_start3A_62 = arith.constant 0 : i32
    %dma_start3A_63 = tpu.memref_slice %arg21[%dma_start3A_61, %dma_start3A_62] : memref<10000x8xf32, #tpu.memory_space<vmem_shared>> -> memref<10000x8xf32, #tpu.memory_space<vmem_shared>>
    tpu.enqueue_indirect_dma source(%dma_start3A_63 : memref<10000x8xf32, #tpu.memory_space<vmem_shared>>) target(%arg17 : memref<128x8xf32, #tpu.memory_space<vmem>>) offsets(%dma_start3A_60 : memref<128xi32, #tpu.memory_space<vmem>>) semaphore(%arg24 : memref<!tpu.dma_semaphore, #tpu.memory_space<semaphore_mem>>)
    %scan3A = arith.constant 0 : i32
    %scan3A_64 = arith.constant 40 : i32
    %scan3A_65 = arith.addi %scan3A, %scan3A_64 : i32
    %scan3A_66 = arith.constant 1 : i32
    scf.for %scan3A_86 = %scan3A to %scan3A_65 step %scan3A_66  : i32 {
      %mul3A_87 = arith.constant 1 : i32
      %mul3A_88 = arith.muli %scan3A_86, %mul3A_87 : i32
      %add3A_89 = arith.constant 0 : i32
      %add3A_90 = arith.addi %add3A_89, %mul3A_88 : i32
      %mul3A_91 = arith.constant 2 : i32
      %mul3A_92 = arith.muli %mul3A_91, %add3A_90 : i32
      %mul3A_93 = arith.constant 2 : i32
      %mul3A_94 = arith.muli %mul3A_93, %add3A_90 : i32
      %add3A_95 = arith.constant 1 : i32
      %add3A_96 = arith.addi %mul3A_94, %add3A_95 : i32
      %dma_start3A_97 = arith.constant 0 : i32
      %dma_start3A_98 = tpu.memref_slice %arg10[%add3A_96, %dma_start3A_97] : memref<80x128xi32, #tpu.memory_space<vmem>> -> memref<1x128xi32, #tpu.memory_space<vmem>>
      %dma_start3A_99 = tpu.memref_squeeze %dma_start3A_98 : memref<1x128xi32, #tpu.memory_space<vmem>> -> memref<128xi32, #tpu.memory_space<vmem>>
      %dma_start3A_100 = arith.constant 0 : i32
      %dma_start3A_101 = arith.constant 0 : i32
      %dma_start3A_102 = tpu.memref_slice %arg21[%dma_start3A_100, %dma_start3A_101] : memref<10000x8xf32, #tpu.memory_space<vmem_shared>> -> memref<10000x8xf32, #tpu.memory_space<vmem_shared>>
      tpu.enqueue_indirect_dma source(%dma_start3A_102 : memref<10000x8xf32, #tpu.memory_space<vmem_shared>>) target(%arg18 : memref<128x8xf32, #tpu.memory_space<vmem>>) offsets(%dma_start3A_99 : memref<128xi32, #tpu.memory_space<vmem>>) semaphore(%arg25 : memref<!tpu.dma_semaphore, #tpu.memory_space<semaphore_mem>>)
      %dma_wait3A_103 = arith.constant 0 : i32
      %dma_wait3A_104 = tpu.memref_slice %arg10[%mul3A_92, %dma_wait3A_103] : memref<80x128xi32, #tpu.memory_space<vmem>> -> memref<1x128xi32, #tpu.memory_space<vmem>>
      %dma_wait3A_105 = tpu.memref_squeeze %dma_wait3A_104 : memref<1x128xi32, #tpu.memory_space<vmem>> -> memref<128xi32, #tpu.memory_space<vmem>>
      %dma_wait3A_106 = arith.constant 0 : i32
      %dma_wait3A_107 = arith.constant 0 : i32
      %dma_wait3A_108 = tpu.memref_slice %arg21[%dma_wait3A_106, %dma_wait3A_107] : memref<10000x8xf32, #tpu.memory_space<vmem_shared>> -> memref<10000x8xf32, #tpu.memory_space<vmem_shared>>
      tpu.wait_indirect_dma semaphore(%arg24 : memref<!tpu.dma_semaphore, #tpu.memory_space<semaphore_mem>>) src(%dma_wait3A_108 : memref<10000x8xf32, #tpu.memory_space<vmem_shared>>) dst(%arg17 : memref<128x8xf32, #tpu.memory_space<vmem>>)
      %gt3A = arith.constant 0 : i32
      %gt3A_109 = arith.cmpi sgt, %add3A_90, %gt3A : i32
      %convert_element_type3A_110 = arith.extui %gt3A_109 : i1 to i32
      %cond3A_111 = arith.constant 0 : i32
      %cond3A_112 = arith.cmpi ne, %convert_element_type3A_110, %cond3A_111 : i32
      scf.if %cond3A_112 {
        %sub3A_153 = arith.constant 2 : i32
        %sub3A_154 = arith.subi %mul3A_92, %sub3A_153 : i32
        %dma_wait3A_155 = arith.constant 0 : i32
        %dma_wait3A_156 = tpu.memref_slice %arg11[%sub3A_154, %dma_wait3A_155] : memref<80x128xi32, #tpu.memory_space<vmem>> -> memref<1x128xi32, #tpu.memory_space<vmem>>
        %dma_wait3A_157 = tpu.memref_squeeze %dma_wait3A_156 : memref<1x128xi32, #tpu.memory_space<vmem>> -> memref<128xi32, #tpu.memory_space<vmem>>
        %dma_wait3A_158 = arith.constant 0 : i32
        %dma_wait3A_159 = arith.constant 0 : i32
        %dma_wait3A_160 = tpu.memref_slice %arg22[%dma_wait3A_158, %dma_wait3A_159] : memref<10240x8xf32, #tpu.memory_space<vmem_shared>> -> memref<10240x8xf32, #tpu.memory_space<vmem_shared>>
        tpu.wait_indirect_dma semaphore(%arg26 : memref<!tpu.dma_semaphore, #tpu.memory_space<semaphore_mem>>) src(%arg19 : memref<128x8xf32, #tpu.memory_space<vmem>>) dst(%dma_wait3A_160 : memref<10240x8xf32, #tpu.memory_space<vmem_shared>>)
      } else {
      }
      %parallel_loop3A_113 = arith.constant 0 : i32
      %parallel_loop3A_114 = arith.constant 8 : i32
      %parallel_loop3A_115 = arith.constant 1 : i32
      scf.for %parallel_loop3A_153 = %parallel_loop3A_113 to %parallel_loop3A_114 step %parallel_loop3A_115  : i32 {
        %parallel_loop3A_154 = arith.constant 16 : i32
        %parallel_loop3A_155 = arith.muli %parallel_loop3A_154, %parallel_loop3A_153 : i32
        %parallel_loop3A_156 = arith.index_cast %mul3A_92 : i32 to index
        %parallel_loop3A_157 = arith.index_cast %parallel_loop3A_155 : i32 to index
        %parallel_loop3A_158 = tpu.vector_load %arg10[%parallel_loop3A_156, %parallel_loop3A_157] {strides = array<i32>} : memref<80x128xi32, #tpu.memory_space<vmem>>, vector<16xi32>,
        %parallel_loop3A_159 = arith.constant 16 : i32
        %parallel_loop3A_160 = arith.muli %parallel_loop3A_159, %parallel_loop3A_153 : i32
        %parallel_loop3A_161 = arith.index_cast %mul3A_92 : i32 to index
        %parallel_loop3A_162 = arith.index_cast %parallel_loop3A_160 : i32 to index
        %parallel_loop3A_163 = tpu.vector_load %arg11[%parallel_loop3A_161, %parallel_loop3A_162] {strides = array<i32>} : memref<80x128xi32, #tpu.memory_space<vmem>>, vector<16xi32>,
        %parallel_loop3A_164 = arith.constant 16 : i32
        %parallel_loop3A_165 = arith.muli %parallel_loop3A_164, %parallel_loop3A_153 : i32
        %parallel_loop3A_166 = arith.index_cast %mul3A_92 : i32 to index
        %parallel_loop3A_167 = arith.index_cast %parallel_loop3A_165 : i32 to index
        %parallel_loop3A_168 = tpu.vector_load %arg12[%parallel_loop3A_166, %parallel_loop3A_167] {strides = array<i32>} : memref<80x128xf32, #tpu.memory_space<vmem>>, vector<16xf32>,
        %parallel_loop3A_169 = tpu.vector_load_idx %arg13[%parallel_loop3A_158] : memref<10240xf32, #tpu.memory_space<vmem>>[vector<16xi32>], vector<16xf32>,
        %parallel_loop3A_170 = arith.mulf %parallel_loop3A_169, %parallel_loop3A_168 : vector<16xf32>
        %parallel_loop3A_171 = tpu.vector_load_idx %arg13[%parallel_loop3A_163] : memref<10240xf32, #tpu.memory_space<vmem>>[vector<16xi32>], vector<16xf32>,
        %parallel_loop3A_172 = arith.mulf %parallel_loop3A_170, %parallel_loop3A_171 : vector<16xf32>
        %parallel_loop3A_173 = arith.constant 16 : i32
        %parallel_loop3A_174 = arith.muli %parallel_loop3A_173, %parallel_loop3A_153 : i32
        %parallel_loop3A_175 = arith.index_cast %parallel_loop3A_174 : i32 to index
        %parallel_loop3A_176 = tpu.vector_load %arg16[%parallel_loop3A_175] {strides = array<i32>} : memref<128xf32, #tpu.memory_space<vmem>>, vector<16xf32>,
        tpu.vector_store %arg16[%parallel_loop3A_175], %parallel_loop3A_172 {strides = array<i32>} : memref<128xf32, #tpu.memory_space<vmem>>, vector<16xf32>,
      } {sc.loop_unroll_factor = 8 : i64, sc.parallel_access}
      %parallel_loop3A_116 = arith.constant 0 : i32
      %parallel_loop3A_117 = arith.constant 64 : i32
      %parallel_loop3A_118 = arith.constant 1 : i32
      scf.for %parallel_loop3A_153 = %parallel_loop3A_116 to %parallel_loop3A_117 step %parallel_loop3A_118  : i32 {
        %parallel_loop3A_154 = arith.constant 2 : i32
        %parallel_loop3A_155 = arith.muli %parallel_loop3A_154, %parallel_loop3A_153 : i32
        %parallel_loop3A_156 = vector.broadcast %parallel_loop3A_155 : i32 to vector<16xi32>
        %parallel_loop3A_157 = arith.addi %parallel_loop3A_156, %select_n3A : vector<16xi32>
        %parallel_loop3A_158 = tpu.vector_load_idx %arg17[%parallel_loop3A_157, %sub3A_57] : memref<128x8xf32, #tpu.memory_space<vmem>>[vector<16xi32>, vector<16xi32>], vector<16xf32>,
        %parallel_loop3A_159 = tpu.vector_load_idx %arg16[%parallel_loop3A_157] : memref<128xf32, #tpu.memory_space<vmem>>[vector<16xi32>], vector<16xf32>,
        %parallel_loop3A_160 = arith.mulf %parallel_loop3A_158, %parallel_loop3A_159 : vector<16xf32>
        tpu.vector_store_idx %arg19[%parallel_loop3A_157, %sub3A_57], %parallel_loop3A_160 : memref<128x8xf32, #tpu.memory_space<vmem>>[vector<16xi32>, vector<16xi32>], vector<16xf32>,
      } {sc.loop_unroll_factor = 8 : i64, sc.parallel_access}
      %dma_start3A_119 = arith.constant 0 : i32
      %dma_start3A_120 = tpu.memref_slice %arg11[%mul3A_92, %dma_start3A_119] : memref<80x128xi32, #tpu.memory_space<vmem>> -> memref<1x128xi32, #tpu.memory_space<vmem>>
      %dma_start3A_121 = tpu.memref_squeeze %dma_start3A_120 : memref<1x128xi32, #tpu.memory_space<vmem>> -> memref<128xi32, #tpu.memory_space<vmem>>
      %dma_start3A_122 = arith.constant 0 : i32
      %dma_start3A_123 = arith.constant 0 : i32
      %dma_start3A_124 = tpu.memref_slice %arg22[%dma_start3A_122, %dma_start3A_123] : memref<10240x8xf32, #tpu.memory_space<vmem_shared>> -> memref<10240x8xf32, #tpu.memory_space<vmem_shared>>
      tpu.enqueue_indirect_dma source(%arg19 : memref<128x8xf32, #tpu.memory_space<vmem>>) target(%dma_start3A_124 : memref<10240x8xf32, #tpu.memory_space<vmem_shared>>) offsets(%dma_start3A_121 : memref<128xi32, #tpu.memory_space<vmem>>) semaphore(%arg26 : memref<!tpu.dma_semaphore, #tpu.memory_space<semaphore_mem>>) {add = true}
      %lt3A_125 = arith.constant 39 : i32
      %lt3A_126 = arith.cmpi slt, %add3A_90, %lt3A_125 : i32
      %convert_element_type3A_127 = arith.extui %lt3A_126 : i1 to i32
      %cond3A_128 = arith.constant 0 : i32
      %cond3A_129 = arith.cmpi ne, %convert_element_type3A_127, %cond3A_128 : i32
      scf.if %cond3A_129 {
        %add3A_153 = arith.constant 2 : i32
        %add3A_154 = arith.addi %mul3A_92, %add3A_153 : i32
        %dma_start3A_155 = arith.constant 0 : i32
        %dma_start3A_156 = tpu.memref_slice %arg10[%add3A_154, %dma_start3A_155] : memref<80x128xi32, #tpu.memory_space<vmem>> -> memref<1x128xi32, #tpu.memory_space<vmem>>
        %dma_start3A_157 = tpu.memref_squeeze %dma_start3A_156 : memref<1x128xi32, #tpu.memory_space<vmem>> -> memref<128xi32, #tpu.memory_space<vmem>>
        %dma_start3A_158 = arith.constant 0 : i32
        %dma_start3A_159 = arith.constant 0 : i32
        %dma_start3A_160 = tpu.memref_slice %arg21[%dma_start3A_158, %dma_start3A_159] : memref<10000x8xf32, #tpu.memory_space<vmem_shared>> -> memref<10000x8xf32, #tpu.memory_space<vmem_shared>>
        tpu.enqueue_indirect_dma source(%dma_start3A_160 : memref<10000x8xf32, #tpu.memory_space<vmem_shared>>) target(%arg17 : memref<128x8xf32, #tpu.memory_space<vmem>>) offsets(%dma_start3A_157 : memref<128xi32, #tpu.memory_space<vmem>>) semaphore(%arg24 : memref<!tpu.dma_semaphore, #tpu.memory_space<semaphore_mem>>)
      } else {
      }
      %dma_wait3A_130 = arith.constant 0 : i32
      %dma_wait3A_131 = tpu.memref_slice %arg10[%add3A_96, %dma_wait3A_130] : memref<80x128xi32, #tpu.memory_space<vmem>> -> memref<1x128xi32, #tpu.memory_space<vmem>>
      %dma_wait3A_132 = tpu.memref_squeeze %dma_wait3A_131 : memref<1x128xi32, #tpu.memory_space<vmem>> -> memref<128xi32, #tpu.memory_space<vmem>>
      %dma_wait3A_133 = arith.constant 0 : i32
      %dma_wait3A_134 = arith.constant 0 : i32
      %dma_wait3A_135 = tpu.memref_slice %arg21[%dma_wait3A_133, %dma_wait3A_134] : memref<10000x8xf32, #tpu.memory_space<vmem_shared>> -> memref<10000x8xf32, #tpu.memory_space<vmem_shared>>
      tpu.wait_indirect_dma semaphore(%arg25 : memref<!tpu.dma_semaphore, #tpu.memory_space<semaphore_mem>>) src(%dma_wait3A_135 : memref<10000x8xf32, #tpu.memory_space<vmem_shared>>) dst(%arg18 : memref<128x8xf32, #tpu.memory_space<vmem>>)
      %gt3A_136 = arith.constant 0 : i32
      %gt3A_137 = arith.cmpi sgt, %add3A_90, %gt3A_136 : i32
      %convert_element_type3A_138 = arith.extui %gt3A_137 : i1 to i32
      %cond3A_139 = arith.constant 0 : i32
      %cond3A_140 = arith.cmpi ne, %convert_element_type3A_138, %cond3A_139 : i32
      scf.if %cond3A_140 {
        %sub3A_153 = arith.constant 2 : i32
        %sub3A_154 = arith.subi %add3A_96, %sub3A_153 : i32
        %dma_wait3A_155 = arith.constant 0 : i32
        %dma_wait3A_156 = tpu.memref_slice %arg11[%sub3A_154, %dma_wait3A_155] : memref<80x128xi32, #tpu.memory_space<vmem>> -> memref<1x128xi32, #tpu.memory_space<vmem>>
        %dma_wait3A_157 = tpu.memref_squeeze %dma_wait3A_156 : memref<1x128xi32, #tpu.memory_space<vmem>> -> memref<128xi32, #tpu.memory_space<vmem>>
        %dma_wait3A_158 = arith.constant 0 : i32
        %dma_wait3A_159 = arith.constant 0 : i32
        %dma_wait3A_160 = tpu.memref_slice %arg22[%dma_wait3A_158, %dma_wait3A_159] : memref<10240x8xf32, #tpu.memory_space<vmem_shared>> -> memref<10240x8xf32, #tpu.memory_space<vmem_shared>>
        tpu.wait_indirect_dma semaphore(%arg27 : memref<!tpu.dma_semaphore, #tpu.memory_space<semaphore_mem>>) src(%arg20 : memref<128x8xf32, #tpu.memory_space<vmem>>) dst(%dma_wait3A_160 : memref<10240x8xf32, #tpu.memory_space<vmem_shared>>)
      } else {
      }
      %parallel_loop3A_141 = arith.constant 0 : i32
      %parallel_loop3A_142 = arith.constant 8 : i32
      %parallel_loop3A_143 = arith.constant 1 : i32
      scf.for %parallel_loop3A_153 = %parallel_loop3A_141 to %parallel_loop3A_142 step %parallel_loop3A_143  : i32 {
        %parallel_loop3A_154 = arith.constant 16 : i32
        %parallel_loop3A_155 = arith.muli %parallel_loop3A_154, %parallel_loop3A_153 : i32
        %parallel_loop3A_156 = arith.index_cast %add3A_96 : i32 to index
        %parallel_loop3A_157 = arith.index_cast %parallel_loop3A_155 : i32 to index
        %parallel_loop3A_158 = tpu.vector_load %arg10[%parallel_loop3A_156, %parallel_loop3A_157] {strides = array<i32>} : memref<80x128xi32, #tpu.memory_space<vmem>>, vector<16xi32>,
        %parallel_loop3A_159 = arith.constant 16 : i32
        %parallel_loop3A_160 = arith.muli %parallel_loop3A_159, %parallel_loop3A_153 : i32
        %parallel_loop3A_161 = arith.index_cast %add3A_96 : i32 to index
        %parallel_loop3A_162 = arith.index_cast %parallel_loop3A_160 : i32 to index
        %parallel_loop3A_163 = tpu.vector_load %arg11[%parallel_loop3A_161, %parallel_loop3A_162] {strides = array<i32>} : memref<80x128xi32, #tpu.memory_space<vmem>>, vector<16xi32>,
        %parallel_loop3A_164 = arith.constant 16 : i32
        %parallel_loop3A_165 = arith.muli %parallel_loop3A_164, %parallel_loop3A_153 : i32
        %parallel_loop3A_166 = arith.index_cast %add3A_96 : i32 to index
        %parallel_loop3A_167 = arith.index_cast %parallel_loop3A_165 : i32 to index
        %parallel_loop3A_168 = tpu.vector_load %arg12[%parallel_loop3A_166, %parallel_loop3A_167] {strides = array<i32>} : memref<80x128xf32, #tpu.memory_space<vmem>>, vector<16xf32>,
        %parallel_loop3A_169 = tpu.vector_load_idx %arg13[%parallel_loop3A_158] : memref<10240xf32, #tpu.memory_space<vmem>>[vector<16xi32>], vector<16xf32>,
        %parallel_loop3A_170 = arith.mulf %parallel_loop3A_169, %parallel_loop3A_168 : vector<16xf32>
        %parallel_loop3A_171 = tpu.vector_load_idx %arg13[%parallel_loop3A_163] : memref<10240xf32, #tpu.memory_space<vmem>>[vector<16xi32>], vector<16xf32>,
        %parallel_loop3A_172 = arith.mulf %parallel_loop3A_170, %parallel_loop3A_171 : vector<16xf32>
        %parallel_loop3A_173 = arith.constant 16 : i32
        %parallel_loop3A_174 = arith.muli %parallel_loop3A_173, %parallel_loop3A_153 : i32
        %parallel_loop3A_175 = arith.index_cast %parallel_loop3A_174 : i32 to index
        %parallel_loop3A_176 = tpu.vector_load %arg16[%parallel_loop3A_175] {strides = array<i32>} : memref<128xf32, #tpu.memory_space<vmem>>, vector<16xf32>,
        tpu.vector_store %arg16[%parallel_loop3A_175], %parallel_loop3A_172 {strides = array<i32>} : memref<128xf32, #tpu.memory_space<vmem>>, vector<16xf32>,
      } {sc.loop_unroll_factor = 8 : i64, sc.parallel_access}
      %parallel_loop3A_144 = arith.constant 0 : i32
      %parallel_loop3A_145 = arith.constant 64 : i32
      %parallel_loop3A_146 = arith.constant 1 : i32
      scf.for %parallel_loop3A_153 = %parallel_loop3A_144 to %parallel_loop3A_145 step %parallel_loop3A_146  : i32 {
        %parallel_loop3A_154 = arith.constant 2 : i32
        %parallel_loop3A_155 = arith.muli %parallel_loop3A_154, %parallel_loop3A_153 : i32
        %parallel_loop3A_156 = vector.broadcast %parallel_loop3A_155 : i32 to vector<16xi32>
        %parallel_loop3A_157 = arith.addi %parallel_loop3A_156, %select_n3A : vector<16xi32>
        %parallel_loop3A_158 = tpu.vector_load_idx %arg18[%parallel_loop3A_157, %sub3A_57] : memref<128x8xf32, #tpu.memory_space<vmem>>[vector<16xi32>, vector<16xi32>], vector<16xf32>,
        %parallel_loop3A_159 = tpu.vector_load_idx %arg16[%parallel_loop3A_157] : memref<128xf32, #tpu.memory_space<vmem>>[vector<16xi32>], vector<16xf32>,
        %parallel_loop3A_160 = arith.mulf %parallel_loop3A_158, %parallel_loop3A_159 : vector<16xf32>
        tpu.vector_store_idx %arg20[%parallel_loop3A_157, %sub3A_57], %parallel_loop3A_160 : memref<128x8xf32, #tpu.memory_space<vmem>>[vector<16xi32>, vector<16xi32>], vector<16xf32>,
      } {sc.loop_unroll_factor = 8 : i64, sc.parallel_access}
      %dma_start3A_147 = arith.constant 0 : i32
      %dma_start3A_148 = tpu.memref_slice %arg11[%add3A_96, %dma_start3A_147] : memref<80x128xi32, #tpu.memory_space<vmem>> -> memref<1x128xi32, #tpu.memory_space<vmem>>
      %dma_start3A_149 = tpu.memref_squeeze %dma_start3A_148 : memref<1x128xi32, #tpu.memory_space<vmem>> -> memref<128xi32, #tpu.memory_space<vmem>>
      %dma_start3A_150 = arith.constant 0 : i32
      %dma_start3A_151 = arith.constant 0 : i32
      %dma_start3A_152 = tpu.memref_slice %arg22[%dma_start3A_150, %dma_start3A_151] : memref<10240x8xf32, #tpu.memory_space<vmem_shared>> -> memref<10240x8xf32, #tpu.memory_space<vmem_shared>>
      tpu.enqueue_indirect_dma source(%arg20 : memref<128x8xf32, #tpu.memory_space<vmem>>) target(%dma_start3A_152 : memref<10240x8xf32, #tpu.memory_space<vmem_shared>>) offsets(%dma_start3A_149 : memref<128xi32, #tpu.memory_space<vmem>>) semaphore(%arg27 : memref<!tpu.dma_semaphore, #tpu.memory_space<semaphore_mem>>) {add = true}
    }
    %scan3A_67 = arith.constant 40 : i32
    %dma_wait3A = arith.constant 78 : i32
    %dma_wait3A_68 = arith.constant 0 : i32
    %dma_wait3A_69 = tpu.memref_slice %arg11[%dma_wait3A, %dma_wait3A_68] : memref<80x128xi32, #tpu.memory_space<vmem>> -> memref<1x128xi32, #tpu.memory_space<vmem>>
    %dma_wait3A_70 = tpu.memref_squeeze %dma_wait3A_69 : memref<1x128xi32, #tpu.memory_space<vmem>> -> memref<128xi32, #tpu.memory_space<vmem>>
    %dma_wait3A_71 = arith.constant 0 : i32
    %dma_wait3A_72 = arith.constant 0 : i32
    %dma_wait3A_73 = tpu.memref_slice %arg22[%dma_wait3A_71, %dma_wait3A_72] : memref<10240x8xf32, #tpu.memory_space<vmem_shared>> -> memref<10240x8xf32, #tpu.memory_space<vmem_shared>>
    tpu.wait_indirect_dma semaphore(%arg26 : memref<!tpu.dma_semaphore, #tpu.memory_space<semaphore_mem>>) src(%arg19 : memref<128x8xf32, #tpu.memory_space<vmem>>) dst(%dma_wait3A_73 : memref<10240x8xf32, #tpu.memory_space<vmem_shared>>)
    %dma_wait3A_74 = arith.constant 79 : i32
    %dma_wait3A_75 = arith.constant 0 : i32
    %dma_wait3A_76 = tpu.memref_slice %arg11[%dma_wait3A_74, %dma_wait3A_75] : memref<80x128xi32, #tpu.memory_space<vmem>> -> memref<1x128xi32, #tpu.memory_space<vmem>>
    %dma_wait3A_77 = tpu.memref_squeeze %dma_wait3A_76 : memref<1x128xi32, #tpu.memory_space<vmem>> -> memref<128xi32, #tpu.memory_space<vmem>>
    %dma_wait3A_78 = arith.constant 0 : i32
    %dma_wait3A_79 = arith.constant 0 : i32
    %dma_wait3A_80 = tpu.memref_slice %arg22[%dma_wait3A_78, %dma_wait3A_79] : memref<10240x8xf32, #tpu.memory_space<vmem_shared>> -> memref<10240x8xf32, #tpu.memory_space<vmem_shared>>
    tpu.wait_indirect_dma semaphore(%arg27 : memref<!tpu.dma_semaphore, #tpu.memory_space<semaphore_mem>>) src(%arg20 : memref<128x8xf32, #tpu.memory_space<vmem>>) dst(%dma_wait3A_80 : memref<10240x8xf32, #tpu.memory_space<vmem_shared>>)
    %barrier3A_81 = arith.constant 0 : index
    tpu.barrier barrier_id(%barrier3A_81)
    %mul3A_82 = arith.constant 640 : i32
    %mul3A_83 = arith.muli %arg1, %mul3A_82 : i32
    %mul3A_84 = arith.constant 640 : i32
    %mul3A_85 = arith.muli %arg1, %mul3A_84 : i32
    "tpu.region"() ({
      %run_scoped3A_86 = tpu.sem_alloc : memref<!tpu.dma_semaphore, #tpu.memory_space<semaphore_mem>>
      %dma_start3A_87 = arith.constant 0 : i32
      %dma_start3A_88 = arith.constant 0 : i32
      %dma_start3A_89 = tpu.memref_slice %arg8[%arg0, %dma_start3A_87, %dma_start3A_88] : memref<2x10240x8xf32, #tpu.memory_space<hbm>> -> memref<1x10240x8xf32, #tpu.memory_space<hbm>>
      %dma_start3A_90 = tpu.memref_squeeze %dma_start3A_89 : memref<1x10240x8xf32, #tpu.memory_space<hbm>> -> memref<10240x8xf32, #tpu.memory_space<hbm>>
      %dma_start3A_91 = arith.constant 0 : i32
      %dma_start3A_92 = tpu.memref_slice %dma_start3A_90[%mul3A_85, %dma_start3A_91] : memref<10240x8xf32, #tpu.memory_space<hbm>> -> memref<640x8xf32, #tpu.memory_space<hbm>>
      %dma_start3A_93 = arith.constant 0 : i32
      %dma_start3A_94 = tpu.memref_slice %arg22[%mul3A_83, %dma_start3A_93] : memref<10240x8xf32, #tpu.memory_space<vmem_shared>> -> memref<640x8xf32, #tpu.memory_space<vmem_shared>>
      tpu.enqueue_dma source(%dma_start3A_94 : memref<640x8xf32, #tpu.memory_space<vmem_shared>>) target(%dma_start3A_92 : memref<640x8xf32, #tpu.memory_space<hbm>>) target_semaphore(%run_scoped3A_86 : memref<!tpu.dma_semaphore, #tpu.memory_space<semaphore_mem>>)
      %dma_wait3A_95 = arith.constant 0 : i32
      %dma_wait3A_96 = arith.constant 0 : i32
      %dma_wait3A_97 = tpu.memref_slice %arg8[%arg0, %dma_wait3A_95, %dma_wait3A_96] : memref<2x10240x8xf32, #tpu.memory_space<hbm>> -> memref<1x10240x8xf32, #tpu.memory_space<hbm>>
      %dma_wait3A_98 = tpu.memref_squeeze %dma_wait3A_97 : memref<1x10240x8xf32, #tpu.memory_space<hbm>> -> memref<10240x8xf32, #tpu.memory_space<hbm>>
      %dma_wait3A_99 = arith.constant 0 : i32
      %dma_wait3A_100 = tpu.memref_slice %dma_wait3A_98[%mul3A_85, %dma_wait3A_99] : memref<10240x8xf32, #tpu.memory_space<hbm>> -> memref<640x8xf32, #tpu.memory_space<hbm>>
      %dma_wait3A_101 = arith.constant 0 : i32
      %dma_wait3A_102 = tpu.memref_slice %arg22[%mul3A_83, %dma_wait3A_101] : memref<10240x8xf32, #tpu.memory_space<vmem_shared>> -> memref<640x8xf32, #tpu.memory_space<vmem_shared>>
      tpu.wait_dma2 semaphore(%run_scoped3A_86 : memref<!tpu.dma_semaphore, #tpu.memory_space<semaphore_mem>>) src(%dma_wait3A_102 : memref<640x8xf32, #tpu.memory_space<vmem_shared>>) dst(%dma_wait3A_100 : memref<640x8xf32, #tpu.memory_space<hbm>>)
      tpu.yield
    }) : () -> ()
    return
  }
}

#map = affine_map<(d0, d1) -> (0, 0)>
#map1 = affine_map<(d0, d1) -> (0, 0, 0)>
#map2 = affine_map<(d0, d1) -> (0)>
module attributes {stable_mosaic.version = 14 : i64} {
  func.func @_agg_kernel(%arg0: i32, %arg1: i32, %arg2: memref<10000x8xf32, #tpu.memory_space<hbm>>, %arg3: memref<2x10240xf32, #tpu.memory_space<hbm>>, %arg4: memref<2560x128xi32, #tpu.memory_space<hbm>>, %arg5: memref<2560x128xi32, #tpu.memory_space<hbm>>, %arg6: memref<2560x128xf32, #tpu.memory_space<hbm>>, %arg7: memref<10240x8xf32, #tpu.memory_space<hbm>>, %arg8: memref<2x10240x8xf32, #tpu.memory_space<hbm>>, %arg9: memref<10240xf32, #tpu.memory_space<hbm>>, %arg10: memref<80x128xi32, #tpu.memory_space<vmem>>, %arg11: memref<80x128xi32, #tpu.memory_space<vmem>>, %arg12: memref<80x128xf32, #tpu.memory_space<vmem>>, %arg13: memref<10240xf32, #tpu.memory_space<vmem>>, %arg14: memref<640xf32, #tpu.memory_space<vmem>>, %arg15: memref<640xf32, #tpu.memory_space<vmem>>, %arg16: memref<128xf32, #tpu.memory_space<vmem>>, %arg17: memref<128x8xf32, #tpu.memory_space<vmem>>, %arg18: memref<128x8xf32, #tpu.memory_space<vmem>>, %arg19: memref<128x8xf32, #tpu.memory_space<vmem>>, %arg20: memref<128x8xf32, #tpu.memory_space<vmem>>, %arg21: memref<10000x8xf32, #tpu.memory_space<vmem_shared>>, %arg22: memref<10240x8xf32, #tpu.memory_space<vmem_shared>>, %arg23: memref<10240xf32, #tpu.memory_space<vmem_shared>>, %arg24: memref<!tpu.dma_semaphore, #tpu.memory_space<semaphore_mem>>, %arg25: memref<!tpu.dma_semaphore, #tpu.memory_space<semaphore_mem>>, %arg26: memref<!tpu.dma_semaphore, #tpu.memory_space<semaphore_mem>>, %arg27: memref<!tpu.dma_semaphore, #tpu.memory_space<semaphore_mem>>) attributes {dimension_semantics = [#tpu.dimension_semantics<core_parallel>, #tpu.dimension_semantics<subcore_parallel>], iteration_bounds = array<i64: 2, 16>, scalar_prefetch = 0 : i64, scratch_operands = 18 : i64, tpu.core_type = #tpu.core_type<sc_vector_subcore>, window_params = [{transform_indices = #map}, {transform_indices = #map}, {transform_indices = #map}, {transform_indices = #map}, {transform_indices = #map}, {transform_indices = #map}, {transform_indices = #map1}, {transform_indices = #map2}]} {
    %mul3A = arith.constant 2 : i32
    %mul3A_0 = arith.muli %arg1, %mul3A : i32
    %add3A = arith.addi %mul3A_0, %arg0 : i32
    %mul3A_1 = arith.constant 640 : i32
    %mul3A_2 = arith.muli %arg1, %mul3A_1 : i32
    %mul3A_3 = arith.constant 640 : i32
    %mul3A_4 = arith.muli %arg1, %mul3A_3 : i32
    "tpu.region"() ({
      %run_scoped3A_86 = tpu.sem_alloc : memref<!tpu.dma_semaphore, #tpu.memory_space<semaphore_mem>>
      %dma_start3A_87 = arith.constant 0 : i32
      %dma_start3A_88 = tpu.memref_slice %arg22[%mul3A_4, %dma_start3A_87] : memref<10240x8xf32, #tpu.memory_space<vmem_shared>> -> memref<640x8xf32, #tpu.memory_space<vmem_shared>>
      %dma_start3A_89 = arith.constant 0 : i32
      %dma_start3A_90 = tpu.memref_slice %arg7[%mul3A_2, %dma_start3A_89] : memref<10240x8xf32, #tpu.memory_space<hbm>> -> memref<640x8xf32, #tpu.memory_space<hbm>>
      tpu.enqueue_dma source(%dma_start3A_90 : memref<640x8xf32, #tpu.memory_space<hbm>>) target(%dma_start3A_88 : memref<640x8xf32, #tpu.memory_space<vmem_shared>>) target_semaphore(%run_scoped3A_86 : memref<!tpu.dma_semaphore, #tpu.memory_space<semaphore_mem>>)
      %dma_wait3A_91 = arith.constant 0 : i32
      %dma_wait3A_92 = tpu.memref_slice %arg22[%mul3A_4, %dma_wait3A_91] : memref<10240x8xf32, #tpu.memory_space<vmem_shared>> -> memref<640x8xf32, #tpu.memory_space<vmem_shared>>
      %dma_wait3A_93 = arith.constant 0 : i32
      %dma_wait3A_94 = tpu.memref_slice %arg7[%mul3A_2, %dma_wait3A_93] : memref<10240x8xf32, #tpu.memory_space<hbm>> -> memref<640x8xf32, #tpu.memory_space<hbm>>
      tpu.wait_dma2 semaphore(%run_scoped3A_86 : memref<!tpu.dma_semaphore, #tpu.memory_space<semaphore_mem>>) src(%dma_wait3A_94 : memref<640x8xf32, #tpu.memory_space<hbm>>) dst(%dma_wait3A_92 : memref<640x8xf32, #tpu.memory_space<vmem_shared>>)
      tpu.yield
    }) : () -> ()
    %lt3A = arith.constant 15 : i32
    %lt3A_5 = arith.cmpi slt, %arg1, %lt3A : i32
    %convert_element_type3A = arith.extui %lt3A_5 : i1 to i32
    %cond3A = arith.constant 0 : i32
    %cond3A_6 = arith.cmpi ne, %convert_element_type3A, %cond3A : i32
    scf.if %cond3A_6 {
      %mul3A_86 = arith.constant 640 : i32
      %mul3A_87 = arith.muli %arg1, %mul3A_86 : i32
      %mul3A_88 = arith.constant 640 : i32
      %mul3A_89 = arith.muli %arg1, %mul3A_88 : i32
      "tpu.region"() ({
        %run_scoped3A_90 = tpu.sem_alloc : memref<!tpu.dma_semaphore, #tpu.memory_space<semaphore_mem>>
        %dma_start3A_91 = arith.constant 0 : i32
        %dma_start3A_92 = tpu.memref_slice %arg21[%mul3A_89, %dma_start3A_91] : memref<10000x8xf32, #tpu.memory_space<vmem_shared>> -> memref<640x8xf32, #tpu.memory_space<vmem_shared>>
        %dma_start3A_93 = arith.constant 0 : i32
        %dma_start3A_94 = tpu.memref_slice %arg2[%mul3A_87, %dma_start3A_93] : memref<10000x8xf32, #tpu.memory_space<hbm>> -> memref<640x8xf32, #tpu.memory_space<hbm>>
        tpu.enqueue_dma source(%dma_start3A_94 : memref<640x8xf32, #tpu.memory_space<hbm>>) target(%dma_start3A_92 : memref<640x8xf32, #tpu.memory_space<vmem_shared>>) target_semaphore(%run_scoped3A_90 : memref<!tpu.dma_semaphore, #tpu.memory_space<semaphore_mem>>)
        %dma_wait3A_95 = arith.constant 0 : i32
        %dma_wait3A_96 = tpu.memref_slice %arg21[%mul3A_89, %dma_wait3A_95] : memref<10000x8xf32, #tpu.memory_space<vmem_shared>> -> memref<640x8xf32, #tpu.memory_space<vmem_shared>>
        %dma_wait3A_97 = arith.constant 0 : i32
        %dma_wait3A_98 = tpu.memref_slice %arg2[%mul3A_87, %dma_wait3A_97] : memref<10000x8xf32, #tpu.memory_space<hbm>> -> memref<640x8xf32, #tpu.memory_space<hbm>>
        tpu.wait_dma2 semaphore(%run_scoped3A_90 : memref<!tpu.dma_semaphore, #tpu.memory_space<semaphore_mem>>) src(%dma_wait3A_98 : memref<640x8xf32, #tpu.memory_space<hbm>>) dst(%dma_wait3A_96 : memref<640x8xf32, #tpu.memory_space<vmem_shared>>)
        tpu.yield
      }) : () -> ()
    } else {
    }
    %eq3A = arith.constant 15 : i32
    %eq3A_7 = arith.cmpi eq, %arg1, %eq3A : i32
    %convert_element_type3A_8 = arith.extui %eq3A_7 : i1 to i32
    %cond3A_9 = arith.constant 0 : i32
    %cond3A_10 = arith.cmpi ne, %convert_element_type3A_8, %cond3A_9 : i32
    scf.if %cond3A_10 {
      "tpu.region"() ({
        %run_scoped3A_86 = tpu.sem_alloc : memref<!tpu.dma_semaphore, #tpu.memory_space<semaphore_mem>>
        %dma_start3A_87 = arith.constant 9600 : i32
        %dma_start3A_88 = arith.constant 0 : i32
        %dma_start3A_89 = tpu.memref_slice %arg21[%dma_start3A_87, %dma_start3A_88] : memref<10000x8xf32, #tpu.memory_space<vmem_shared>> -> memref<400x8xf32, #tpu.memory_space<vmem_shared>>
        %dma_start3A_90 = arith.constant 9600 : i32
        %dma_start3A_91 = arith.constant 0 : i32
        %dma_start3A_92 = tpu.memref_slice %arg2[%dma_start3A_90, %dma_start3A_91] : memref<10000x8xf32, #tpu.memory_space<hbm>> -> memref<400x8xf32, #tpu.memory_space<hbm>>
        tpu.enqueue_dma source(%dma_start3A_92 : memref<400x8xf32, #tpu.memory_space<hbm>>) target(%dma_start3A_89 : memref<400x8xf32, #tpu.memory_space<vmem_shared>>) target_semaphore(%run_scoped3A_86 : memref<!tpu.dma_semaphore, #tpu.memory_space<semaphore_mem>>)
        %dma_wait3A_93 = arith.constant 9600 : i32
        %dma_wait3A_94 = arith.constant 0 : i32
        %dma_wait3A_95 = tpu.memref_slice %arg21[%dma_wait3A_93, %dma_wait3A_94] : memref<10000x8xf32, #tpu.memory_space<vmem_shared>> -> memref<400x8xf32, #tpu.memory_space<vmem_shared>>
        %dma_wait3A_96 = arith.constant 9600 : i32
        %dma_wait3A_97 = arith.constant 0 : i32
        %dma_wait3A_98 = tpu.memref_slice %arg2[%dma_wait3A_96, %dma_wait3A_97] : memref<10000x8xf32, #tpu.memory_space<hbm>> -> memref<400x8xf32, #tpu.memory_space<hbm>>
        tpu.wait_dma2 semaphore(%run_scoped3A_86 : memref<!tpu.dma_semaphore, #tpu.memory_space<semaphore_mem>>) src(%dma_wait3A_98 : memref<400x8xf32, #tpu.memory_space<hbm>>) dst(%dma_wait3A_95 : memref<400x8xf32, #tpu.memory_space<vmem_shared>>)
        tpu.yield
      }) : () -> ()
    } else {
    }
    %mul3A_11 = arith.constant 80 : i32
    %mul3A_12 = arith.muli %add3A, %mul3A_11 : i32
    "tpu.region"() ({
      %run_scoped3A_86 = tpu.sem_alloc : memref<!tpu.dma_semaphore, #tpu.memory_space<semaphore_mem>>
      %dma_start3A_87 = arith.constant 0 : i32
      %dma_start3A_88 = tpu.memref_slice %arg4[%mul3A_12, %dma_start3A_87] : memref<2560x128xi32, #tpu.memory_space<hbm>> -> memref<80x128xi32, #tpu.memory_space<hbm>>
      %dma_start3A_89 = arith.constant 0 : i32
      %dma_start3A_90 = tpu.memref_slice %arg4[%mul3A_12, %dma_start3A_89] : memref<2560x128xi32, #tpu.memory_space<hbm>> -> memref<80x128xi32, #tpu.memory_space<hbm>>
      tpu.enqueue_dma source(%dma_start3A_90 : memref<80x128xi32, #tpu.memory_space<hbm>>) target(%arg10 : memref<80x128xi32, #tpu.memory_space<vmem>>) target_semaphore(%run_scoped3A_86 : memref<!tpu.dma_semaphore, #tpu.memory_space<semaphore_mem>>)
      %dma_wait3A_91 = arith.constant 0 : i32
      %dma_wait3A_92 = tpu.memref_slice %arg4[%mul3A_12, %dma_wait3A_91] : memref<2560x128xi32, #tpu.memory_space<hbm>> -> memref<80x128xi32, #tpu.memory_space<hbm>>
      %dma_wait3A_93 = arith.constant 0 : i32
      %dma_wait3A_94 = tpu.memref_slice %arg4[%mul3A_12, %dma_wait3A_93] : memref<2560x128xi32, #tpu.memory_space<hbm>> -> memref<80x128xi32, #tpu.memory_space<hbm>>
      tpu.wait_dma2 semaphore(%run_scoped3A_86 : memref<!tpu.dma_semaphore, #tpu.memory_space<semaphore_mem>>) src(%dma_wait3A_94 : memref<80x128xi32, #tpu.memory_space<hbm>>) dst(%arg10 : memref<80x128xi32, #tpu.memory_space<vmem>>)
      tpu.yield
    }) : () -> ()
    %mul3A_13 = arith.constant 80 : i32
    %mul3A_14 = arith.muli %add3A, %mul3A_13 : i32
    "tpu.region"() ({
      %run_scoped3A_86 = tpu.sem_alloc : memref<!tpu.dma_semaphore, #tpu.memory_space<semaphore_mem>>
      %dma_start3A_87 = arith.constant 0 : i32
      %dma_start3A_88 = tpu.memref_slice %arg5[%mul3A_14, %dma_start3A_87] : memref<2560x128xi32, #tpu.memory_space<hbm>> -> memref<80x128xi32, #tpu.memory_space<hbm>>
      %dma_start3A_89 = arith.constant 0 : i32
      %dma_start3A_90 = tpu.memref_slice %arg5[%mul3A_14, %dma_start3A_89] : memref<2560x128xi32, #tpu.memory_space<hbm>> -> memref<80x128xi32, #tpu.memory_space<hbm>>
      tpu.enqueue_dma source(%dma_start3A_90 : memref<80x128xi32, #tpu.memory_space<hbm>>) target(%arg11 : memref<80x128xi32, #tpu.memory_space<vmem>>) target_semaphore(%run_scoped3A_86 : memref<!tpu.dma_semaphore, #tpu.memory_space<semaphore_mem>>)
      %dma_wait3A_91 = arith.constant 0 : i32
      %dma_wait3A_92 = tpu.memref_slice %arg5[%mul3A_14, %dma_wait3A_91] : memref<2560x128xi32, #tpu.memory_space<hbm>> -> memref<80x128xi32, #tpu.memory_space<hbm>>
      %dma_wait3A_93 = arith.constant 0 : i32
      %dma_wait3A_94 = tpu.memref_slice %arg5[%mul3A_14, %dma_wait3A_93] : memref<2560x128xi32, #tpu.memory_space<hbm>> -> memref<80x128xi32, #tpu.memory_space<hbm>>
      tpu.wait_dma2 semaphore(%run_scoped3A_86 : memref<!tpu.dma_semaphore, #tpu.memory_space<semaphore_mem>>) src(%dma_wait3A_94 : memref<80x128xi32, #tpu.memory_space<hbm>>) dst(%arg11 : memref<80x128xi32, #tpu.memory_space<vmem>>)
      tpu.yield
    }) : () -> ()
    %mul3A_15 = arith.constant 80 : i32
    %mul3A_16 = arith.muli %add3A, %mul3A_15 : i32
    "tpu.region"() ({
      %run_scoped3A_86 = tpu.sem_alloc : memref<!tpu.dma_semaphore, #tpu.memory_space<semaphore_mem>>
      %dma_start3A_87 = arith.constant 0 : i32
      %dma_start3A_88 = tpu.memref_slice %arg6[%mul3A_16, %dma_start3A_87] : memref<2560x128xf32, #tpu.memory_space<hbm>> -> memref<80x128xf32, #tpu.memory_space<hbm>>
      %dma_start3A_89 = arith.constant 0 : i32
      %dma_start3A_90 = tpu.memref_slice %arg6[%mul3A_16, %dma_start3A_89] : memref<2560x128xf32, #tpu.memory_space<hbm>> -> memref<80x128xf32, #tpu.memory_space<hbm>>
      tpu.enqueue_dma source(%dma_start3A_90 : memref<80x128xf32, #tpu.memory_space<hbm>>) target(%arg12 : memref<80x128xf32, #tpu.memory_space<vmem>>) target_semaphore(%run_scoped3A_86 : memref<!tpu.dma_semaphore, #tpu.memory_space<semaphore_mem>>)
      %dma_wait3A_91 = arith.constant 0 : i32
      %dma_wait3A_92 = tpu.memref_slice %arg6[%mul3A_16, %dma_wait3A_91] : memref<2560x128xf32, #tpu.memory_space<hbm>> -> memref<80x128xf32, #tpu.memory_space<hbm>>
      %dma_wait3A_93 = arith.constant 0 : i32
      %dma_wait3A_94 = tpu.memref_slice %arg6[%mul3A_16, %dma_wait3A_93] : memref<2560x128xf32, #tpu.memory_space<hbm>> -> memref<80x128xf32, #tpu.memory_space<hbm>>
      tpu.wait_dma2 semaphore(%run_scoped3A_86 : memref<!tpu.dma_semaphore, #tpu.memory_space<semaphore_mem>>) src(%dma_wait3A_94 : memref<80x128xf32, #tpu.memory_space<hbm>>) dst(%arg12 : memref<80x128xf32, #tpu.memory_space<vmem>>)
      tpu.yield
    }) : () -> ()
    %mul3A_17 = arith.constant 640 : i32
    %mul3A_18 = arith.muli %arg1, %mul3A_17 : i32
    %run_scoped3A = arith.constant 0 : i32
    "tpu.region"() ({
      %run_scoped3A_86 = tpu.sem_alloc : memref<!tpu.dma_semaphore, #tpu.memory_space<semaphore_mem>>
      %dma_start3A_87 = arith.constant 0 : i32
      %dma_start3A_88 = tpu.memref_slice %arg3[%run_scoped3A, %dma_start3A_87] : memref<2x10240xf32, #tpu.memory_space<hbm>> -> memref<1x10240xf32, #tpu.memory_space<hbm>>
      %dma_start3A_89 = tpu.memref_squeeze %dma_start3A_88 : memref<1x10240xf32, #tpu.memory_space<hbm>> -> memref<10240xf32, #tpu.memory_space<hbm>>
      %dma_start3A_90 = tpu.memref_slice %dma_start3A_89[%mul3A_18] : memref<10240xf32, #tpu.memory_space<hbm>> -> memref<640xf32, #tpu.memory_space<hbm>>
      %dma_start3A_91 = arith.constant 0 : i32
      %dma_start3A_92 = tpu.memref_slice %arg3[%run_scoped3A, %dma_start3A_91] : memref<2x10240xf32, #tpu.memory_space<hbm>> -> memref<1x10240xf32, #tpu.memory_space<hbm>>
      %dma_start3A_93 = tpu.memref_squeeze %dma_start3A_92 : memref<1x10240xf32, #tpu.memory_space<hbm>> -> memref<10240xf32, #tpu.memory_space<hbm>>
      %dma_start3A_94 = tpu.memref_slice %dma_start3A_93[%mul3A_18] : memref<10240xf32, #tpu.memory_space<hbm>> -> memref<640xf32, #tpu.memory_space<hbm>>
      tpu.enqueue_dma source(%dma_start3A_94 : memref<640xf32, #tpu.memory_space<hbm>>) target(%arg14 : memref<640xf32, #tpu.memory_space<vmem>>) target_semaphore(%run_scoped3A_86 : memref<!tpu.dma_semaphore, #tpu.memory_space<semaphore_mem>>)
      %dma_wait3A_95 = arith.constant 0 : i32
      %dma_wait3A_96 = tpu.memref_slice %arg3[%run_scoped3A, %dma_wait3A_95] : memref<2x10240xf32, #tpu.memory_space<hbm>> -> memref<1x10240xf32, #tpu.memory_space<hbm>>
      %dma_wait3A_97 = tpu.memref_squeeze %dma_wait3A_96 : memref<1x10240xf32, #tpu.memory_space<hbm>> -> memref<10240xf32, #tpu.memory_space<hbm>>
      %dma_wait3A_98 = tpu.memref_slice %dma_wait3A_97[%mul3A_18] : memref<10240xf32, #tpu.memory_space<hbm>> -> memref<640xf32, #tpu.memory_space<hbm>>
      %dma_wait3A_99 = arith.constant 0 : i32
      %dma_wait3A_100 = tpu.memref_slice %arg3[%run_scoped3A, %dma_wait3A_99] : memref<2x10240xf32, #tpu.memory_space<hbm>> -> memref<1x10240xf32, #tpu.memory_space<hbm>>
      %dma_wait3A_101 = tpu.memref_squeeze %dma_wait3A_100 : memref<1x10240xf32, #tpu.memory_space<hbm>> -> memref<10240xf32, #tpu.memory_space<hbm>>
      %dma_wait3A_102 = tpu.memref_slice %dma_wait3A_101[%mul3A_18] : memref<10240xf32, #tpu.memory_space<hbm>> -> memref<640xf32, #tpu.memory_space<hbm>>
      tpu.wait_dma2 semaphore(%run_scoped3A_86 : memref<!tpu.dma_semaphore, #tpu.memory_space<semaphore_mem>>) src(%dma_wait3A_102 : memref<640xf32, #tpu.memory_space<hbm>>) dst(%arg14 : memref<640xf32, #tpu.memory_space<vmem>>)
      tpu.yield
    }) : () -> ()
    %mul3A_19 = arith.constant 640 : i32
    %mul3A_20 = arith.muli %arg1, %mul3A_19 : i32
    %run_scoped3A_21 = arith.constant 1 : i32
    "tpu.region"() ({
      %run_scoped3A_86 = tpu.sem_alloc : memref<!tpu.dma_semaphore, #tpu.memory_space<semaphore_mem>>
      %dma_start3A_87 = arith.constant 0 : i32
      %dma_start3A_88 = tpu.memref_slice %arg3[%run_scoped3A_21, %dma_start3A_87] : memref<2x10240xf32, #tpu.memory_space<hbm>> -> memref<1x10240xf32, #tpu.memory_space<hbm>>
      %dma_start3A_89 = tpu.memref_squeeze %dma_start3A_88 : memref<1x10240xf32, #tpu.memory_space<hbm>> -> memref<10240xf32, #tpu.memory_space<hbm>>
      %dma_start3A_90 = tpu.memref_slice %dma_start3A_89[%mul3A_20] : memref<10240xf32, #tpu.memory_space<hbm>> -> memref<640xf32, #tpu.memory_space<hbm>>
      %dma_start3A_91 = arith.constant 0 : i32
      %dma_start3A_92 = tpu.memref_slice %arg3[%run_scoped3A_21, %dma_start3A_91] : memref<2x10240xf32, #tpu.memory_space<hbm>> -> memref<1x10240xf32, #tpu.memory_space<hbm>>
      %dma_start3A_93 = tpu.memref_squeeze %dma_start3A_92 : memref<1x10240xf32, #tpu.memory_space<hbm>> -> memref<10240xf32, #tpu.memory_space<hbm>>
      %dma_start3A_94 = tpu.memref_slice %dma_start3A_93[%mul3A_20] : memref<10240xf32, #tpu.memory_space<hbm>> -> memref<640xf32, #tpu.memory_space<hbm>>
      tpu.enqueue_dma source(%dma_start3A_94 : memref<640xf32, #tpu.memory_space<hbm>>) target(%arg15 : memref<640xf32, #tpu.memory_space<vmem>>) target_semaphore(%run_scoped3A_86 : memref<!tpu.dma_semaphore, #tpu.memory_space<semaphore_mem>>)
      %dma_wait3A_95 = arith.constant 0 : i32
      %dma_wait3A_96 = tpu.memref_slice %arg3[%run_scoped3A_21, %dma_wait3A_95] : memref<2x10240xf32, #tpu.memory_space<hbm>> -> memref<1x10240xf32, #tpu.memory_space<hbm>>
      %dma_wait3A_97 = tpu.memref_squeeze %dma_wait3A_96 : memref<1x10240xf32, #tpu.memory_space<hbm>> -> memref<10240xf32, #tpu.memory_space<hbm>>
      %dma_wait3A_98 = tpu.memref_slice %dma_wait3A_97[%mul3A_20] : memref<10240xf32, #tpu.memory_space<hbm>> -> memref<640xf32, #tpu.memory_space<hbm>>
      %dma_wait3A_99 = arith.constant 0 : i32
      %dma_wait3A_100 = tpu.memref_slice %arg3[%run_scoped3A_21, %dma_wait3A_99] : memref<2x10240xf32, #tpu.memory_space<hbm>> -> memref<1x10240xf32, #tpu.memory_space<hbm>>
      %dma_wait3A_101 = tpu.memref_squeeze %dma_wait3A_100 : memref<1x10240xf32, #tpu.memory_space<hbm>> -> memref<10240xf32, #tpu.memory_space<hbm>>
      %dma_wait3A_102 = tpu.memref_slice %dma_wait3A_101[%mul3A_20] : memref<10240xf32, #tpu.memory_space<hbm>> -> memref<640xf32, #tpu.memory_space<hbm>>
      tpu.wait_dma2 semaphore(%run_scoped3A_86 : memref<!tpu.dma_semaphore, #tpu.memory_space<semaphore_mem>>) src(%dma_wait3A_102 : memref<640xf32, #tpu.memory_space<hbm>>) dst(%arg15 : memref<640xf32, #tpu.memory_space<vmem>>)
      tpu.yield
    }) : () -> ()
    %parallel_loop3A = arith.constant 0 : i32
    %parallel_loop3A_22 = arith.constant 40 : i32
    %parallel_loop3A_23 = arith.constant 1 : i32
    scf.for %parallel_loop3A_86 = %parallel_loop3A to %parallel_loop3A_22 step %parallel_loop3A_23  : i32 {
      %parallel_loop3A_87 = arith.constant 16 : i32
      %parallel_loop3A_88 = arith.muli %parallel_loop3A_87, %parallel_loop3A_86 : i32
      %parallel_loop3A_89 = arith.index_cast %parallel_loop3A_88 : i32 to index
      %parallel_loop3A_90 = tpu.vector_load %arg14[%parallel_loop3A_89] {strides = array<i32>} : memref<640xf32, #tpu.memory_space<vmem>>, vector<16xf32>,
      %parallel_loop3A_91 = arith.constant 16 : i32
      %parallel_loop3A_92 = arith.muli %parallel_loop3A_91, %parallel_loop3A_86 : i32
      %parallel_loop3A_93 = arith.index_cast %parallel_loop3A_92 : i32 to index
      %parallel_loop3A_94 = tpu.vector_load %arg15[%parallel_loop3A_93] {strides = array<i32>} : memref<640xf32, #tpu.memory_space<vmem>>, vector<16xf32>,
      %parallel_loop3A_95 = arith.addf %parallel_loop3A_90, %parallel_loop3A_94 : vector<16xf32>
      %parallel_loop3A_96 = arith.constant 1.000000e+00 : f32
      %parallel_loop3A_97 = vector.broadcast %parallel_loop3A_96 : f32 to vector<16xf32>
      %parallel_loop3A_98 = arith.addf %parallel_loop3A_95, %parallel_loop3A_97 : vector<16xf32>
      %parallel_loop3A_99 = vector.bitcast %parallel_loop3A_98 : vector<16xf32> to vector<16xi32>
      %parallel_loop3A_100 = arith.constant 1 : i32
      %parallel_loop3A_101 = vector.broadcast %parallel_loop3A_100 : i32 to vector<16xi32>
      %parallel_loop3A_102 = arith.shrsi %parallel_loop3A_99, %parallel_loop3A_101 : vector<16xi32>
      %parallel_loop3A_103 = arith.constant 1597463007 : i32
      %parallel_loop3A_104 = vector.broadcast %parallel_loop3A_103 : i32 to vector<16xi32>
      %parallel_loop3A_105 = arith.subi %parallel_loop3A_104, %parallel_loop3A_102 : vector<16xi32>
      %parallel_loop3A_106 = vector.bitcast %parallel_loop3A_105 : vector<16xi32> to vector<16xf32>
      %parallel_loop3A_107 = arith.constant 5.000000e-01 : f32
      %parallel_loop3A_108 = vector.broadcast %parallel_loop3A_107 : f32 to vector<16xf32>
      %parallel_loop3A_109 = arith.mulf %parallel_loop3A_108, %parallel_loop3A_98 : vector<16xf32>
      %parallel_loop3A_110 = arith.mulf %parallel_loop3A_109, %parallel_loop3A_106 : vector<16xf32>
      %parallel_loop3A_111 = arith.mulf %parallel_loop3A_110, %parallel_loop3A_106 : vector<16xf32>
      %parallel_loop3A_112 = arith.constant 1.500000e+00 : f32
      %parallel_loop3A_113 = vector.broadcast %parallel_loop3A_112 : f32 to vector<16xf32>
      %parallel_loop3A_114 = arith.subf %parallel_loop3A_113, %parallel_loop3A_111 : vector<16xf32>
      %parallel_loop3A_115 = arith.mulf %parallel_loop3A_106, %parallel_loop3A_114 : vector<16xf32>
      %parallel_loop3A_116 = arith.mulf %parallel_loop3A_109, %parallel_loop3A_115 : vector<16xf32>
      %parallel_loop3A_117 = arith.mulf %parallel_loop3A_116, %parallel_loop3A_115 : vector<16xf32>
      %parallel_loop3A_118 = arith.constant 1.500000e+00 : f32
      %parallel_loop3A_119 = vector.broadcast %parallel_loop3A_118 : f32 to vector<16xf32>
      %parallel_loop3A_120 = arith.subf %parallel_loop3A_119, %parallel_loop3A_117 : vector<16xf32>
      %parallel_loop3A_121 = arith.mulf %parallel_loop3A_115, %parallel_loop3A_120 : vector<16xf32>
      %parallel_loop3A_122 = arith.mulf %parallel_loop3A_109, %parallel_loop3A_121 : vector<16xf32>
      %parallel_loop3A_123 = arith.mulf %parallel_loop3A_122, %parallel_loop3A_121 : vector<16xf32>
      %parallel_loop3A_124 = arith.constant 1.500000e+00 : f32
      %parallel_loop3A_125 = vector.broadcast %parallel_loop3A_124 : f32 to vector<16xf32>
      %parallel_loop3A_126 = arith.subf %parallel_loop3A_125, %parallel_loop3A_123 : vector<16xf32>
      %parallel_loop3A_127 = arith.mulf %parallel_loop3A_121, %parallel_loop3A_126 : vector<16xf32>
      %parallel_loop3A_128 = arith.constant 16 : i32
      %parallel_loop3A_129 = arith.muli %parallel_loop3A_128, %parallel_loop3A_86 : i32
      %parallel_loop3A_130 = arith.index_cast %parallel_loop3A_129 : i32 to index
      %parallel_loop3A_131 = tpu.vector_load %arg14[%parallel_loop3A_130] {strides = array<i32>} : memref<640xf32, #tpu.memory_space<vmem>>, vector<16xf32>,
      tpu.vector_store %arg14[%parallel_loop3A_130], %parallel_loop3A_127 {strides = array<i32>} : memref<640xf32, #tpu.memory_space<vmem>>, vector<16xf32>,
    } {sc.loop_unroll_factor = 4 : i64, sc.parallel_access}
    %mul3A_24 = arith.constant 640 : i32
    %mul3A_25 = arith.muli %arg1, %mul3A_24 : i32
    "tpu.region"() ({
      %run_scoped3A_86 = tpu.sem_alloc : memref<!tpu.dma_semaphore, #tpu.memory_space<semaphore_mem>>
      %dma_start3A_87 = tpu.memref_slice %arg23[%mul3A_25] : memref<10240xf32, #tpu.memory_space<vmem_shared>> -> memref<640xf32, #tpu.memory_space<vmem_shared>>
      %dma_start3A_88 = tpu.memref_slice %arg23[%mul3A_25] : memref<10240xf32, #tpu.memory_space<vmem_shared>> -> memref<640xf32, #tpu.memory_space<vmem_shared>>
      tpu.enqueue_dma source(%arg14 : memref<640xf32, #tpu.memory_space<vmem>>) target(%dma_start3A_88 : memref<640xf32, #tpu.memory_space<vmem_shared>>) target_semaphore(%run_scoped3A_86 : memref<!tpu.dma_semaphore, #tpu.memory_space<semaphore_mem>>)
      %dma_wait3A_89 = tpu.memref_slice %arg23[%mul3A_25] : memref<10240xf32, #tpu.memory_space<vmem_shared>> -> memref<640xf32, #tpu.memory_space<vmem_shared>>
      %dma_wait3A_90 = tpu.memref_slice %arg23[%mul3A_25] : memref<10240xf32, #tpu.memory_space<vmem_shared>> -> memref<640xf32, #tpu.memory_space<vmem_shared>>
      tpu.wait_dma2 semaphore(%run_scoped3A_86 : memref<!tpu.dma_semaphore, #tpu.memory_space<semaphore_mem>>) src(%arg14 : memref<640xf32, #tpu.memory_space<vmem>>) dst(%dma_wait3A_90 : memref<640xf32, #tpu.memory_space<vmem_shared>>)
      tpu.yield
    }) : () -> ()
    %eq3A_26 = arith.constant 0 : i32
    %eq3A_27 = arith.cmpi eq, %arg0, %eq3A_26 : i32
    %convert_element_type3A_28 = arith.extui %eq3A_27 : i1 to i32
    %cond3A_29 = arith.constant 0 : i32
    %cond3A_30 = arith.cmpi ne, %convert_element_type3A_28, %cond3A_29 : i32
    scf.if %cond3A_30 {
      %mul3A_86 = arith.constant 640 : i32
      %mul3A_87 = arith.muli %arg1, %mul3A_86 : i32
      "tpu.region"() ({
        %run_scoped3A_88 = tpu.sem_alloc : memref<!tpu.dma_semaphore, #tpu.memory_space<semaphore_mem>>
        %dma_start3A_89 = tpu.memref_slice %arg9[%mul3A_87] : memref<10240xf32, #tpu.memory_space<hbm>> -> memref<640xf32, #tpu.memory_space<hbm>>
        %dma_start3A_90 = tpu.memref_slice %arg9[%mul3A_87] : memref<10240xf32, #tpu.memory_space<hbm>> -> memref<640xf32, #tpu.memory_space<hbm>>
        tpu.enqueue_dma source(%arg14 : memref<640xf32, #tpu.memory_space<vmem>>) target(%dma_start3A_90 : memref<640xf32, #tpu.memory_space<hbm>>) target_semaphore(%run_scoped3A_88 : memref<!tpu.dma_semaphore, #tpu.memory_space<semaphore_mem>>)
        %dma_wait3A_91 = tpu.memref_slice %arg9[%mul3A_87] : memref<10240xf32, #tpu.memory_space<hbm>> -> memref<640xf32, #tpu.memory_space<hbm>>
        %dma_wait3A_92 = tpu.memref_slice %arg9[%mul3A_87] : memref<10240xf32, #tpu.memory_space<hbm>> -> memref<640xf32, #tpu.memory_space<hbm>>
        tpu.wait_dma2 semaphore(%run_scoped3A_88 : memref<!tpu.dma_semaphore, #tpu.memory_space<semaphore_mem>>) src(%arg14 : memref<640xf32, #tpu.memory_space<vmem>>) dst(%dma_wait3A_92 : memref<640xf32, #tpu.memory_space<hbm>>)
        tpu.yield
      }) : () -> ()
    } else {
    }
    %barrier3A = arith.constant 0 : index
    tpu.barrier barrier_id(%barrier3A)
    "tpu.region"() ({
      %run_scoped3A_86 = tpu.sem_alloc : memref<!tpu.dma_semaphore, #tpu.memory_space<semaphore_mem>>
      tpu.enqueue_dma source(%arg23 : memref<10240xf32, #tpu.memory_space<vmem_shared>>) target(%arg13 : memref<10240xf32, #tpu.memory_space<vmem>>) target_semaphore(%run_scoped3A_86 : memref<!tpu.dma_semaphore, #tpu.memory_space<semaphore_mem>>)
      tpu.wait_dma2 semaphore(%run_scoped3A_86 : memref<!tpu.dma_semaphore, #tpu.memory_space<semaphore_mem>>) src(%arg23 : memref<10240xf32, #tpu.memory_space<vmem_shared>>) dst(%arg13 : memref<10240xf32, #tpu.memory_space<vmem>>)
      tpu.yield
    }) : () -> ()
    %iota3A = tpu.iota {dimensions = array<i32: 0>} : vector<16xi32>
    %jit3A = arith.constant 8 : i32
    %div3A = vector.broadcast %jit3A : i32 to vector<16xi32>
    %div3A_31 = arith.divsi %iota3A, %div3A : vector<16xi32>
    %sign3A = arith.constant 0 : i32
    %sign3A_32 = vector.broadcast %sign3A : i32 to vector<16xi32>
    %sign3A_33 = arith.cmpi sgt, %iota3A, %sign3A_32 : vector<16xi32>
    %sign3A_34 = arith.extui %sign3A_33 : vector<16xi1> to vector<16xi32>
    %sign3A_35 = arith.constant 0 : i32
    %sign3A_36 = vector.broadcast %sign3A_35 : i32 to vector<16xi32>
    %sign3A_37 = arith.cmpi slt, %iota3A, %sign3A_36 : vector<16xi32>
    %sign3A_38 = arith.extui %sign3A_37 : vector<16xi1> to vector<16xi32>
    %sign3A_39 = arith.subi %sign3A_34, %sign3A_38 : vector<16xi32>
    %sign3A_40 = arith.constant 0 : i32
    %sign3A_41 = arith.cmpi sgt, %jit3A, %sign3A_40 : i32
    %sign3A_42 = arith.extui %sign3A_41 : i1 to i32
    %sign3A_43 = arith.constant 0 : i32
    %sign3A_44 = arith.cmpi slt, %jit3A, %sign3A_43 : i32
    %sign3A_45 = arith.extui %sign3A_44 : i1 to i32
    %sign3A_46 = arith.subi %sign3A_42, %sign3A_45 : i32
    %ne3A = vector.broadcast %sign3A_46 : i32 to vector<16xi32>
    %ne3A_47 = arith.cmpi ne, %sign3A_39, %ne3A : vector<16xi32>
    %rem3A = vector.broadcast %jit3A : i32 to vector<16xi32>
    %rem3A_48 = arith.remsi %iota3A, %rem3A : vector<16xi32>
    %ne3A_49 = arith.constant 0 : i32
    %ne3A_50 = vector.broadcast %ne3A_49 : i32 to vector<16xi32>
    %ne3A_51 = arith.cmpi ne, %rem3A_48, %ne3A_50 : vector<16xi32>
    %and3A = arith.andi %ne3A_47, %ne3A_51 : vector<16xi1>
    %sub3A = arith.constant 1 : i32
    %sub3A_52 = vector.broadcast %sub3A : i32 to vector<16xi32>
    %sub3A_53 = arith.subi %div3A_31, %sub3A_52 : vector<16xi32>
    %select_n3A = arith.select %and3A, %sub3A_53, %div3A_31 : vector<16xi1>, vector<16xi32>
    %mul3A_54 = arith.constant 8 : i32
    %mul3A_55 = vector.broadcast %mul3A_54 : i32 to vector<16xi32>
    %mul3A_56 = arith.muli %mul3A_55, %select_n3A : vector<16xi32>
    %sub3A_57 = arith.subi %iota3A, %mul3A_56 : vector<16xi32>
    %dma_start3A = arith.constant 0 : i32
    %dma_start3A_58 = arith.constant 0 : i32
    %dma_start3A_59 = tpu.memref_slice %arg10[%dma_start3A, %dma_start3A_58] : memref<80x128xi32, #tpu.memory_space<vmem>> -> memref<1x128xi32, #tpu.memory_space<vmem>>
    %dma_start3A_60 = tpu.memref_squeeze %dma_start3A_59 : memref<1x128xi32, #tpu.memory_space<vmem>> -> memref<128xi32, #tpu.memory_space<vmem>>
    %dma_start3A_61 = arith.constant 0 : i32
    %dma_start3A_62 = arith.constant 0 : i32
    %dma_start3A_63 = tpu.memref_slice %arg21[%dma_start3A_61, %dma_start3A_62] : memref<10000x8xf32, #tpu.memory_space<vmem_shared>> -> memref<10000x8xf32, #tpu.memory_space<vmem_shared>>
    tpu.enqueue_indirect_dma source(%dma_start3A_63 : memref<10000x8xf32, #tpu.memory_space<vmem_shared>>) target(%arg17 : memref<128x8xf32, #tpu.memory_space<vmem>>) offsets(%dma_start3A_60 : memref<128xi32, #tpu.memory_space<vmem>>) semaphore(%arg24 : memref<!tpu.dma_semaphore, #tpu.memory_space<semaphore_mem>>)
    %scan3A = arith.constant 0 : i32
    %scan3A_64 = arith.constant 40 : i32
    %scan3A_65 = arith.addi %scan3A, %scan3A_64 : i32
    %scan3A_66 = arith.constant 1 : i32
    scf.for %scan3A_86 = %scan3A to %scan3A_65 step %scan3A_66  : i32 {
      %mul3A_87 = arith.constant 1 : i32
      %mul3A_88 = arith.muli %scan3A_86, %mul3A_87 : i32
      %add3A_89 = arith.constant 0 : i32
      %add3A_90 = arith.addi %add3A_89, %mul3A_88 : i32
      %mul3A_91 = arith.constant 2 : i32
      %mul3A_92 = arith.muli %mul3A_91, %add3A_90 : i32
      %mul3A_93 = arith.constant 2 : i32
      %mul3A_94 = arith.muli %mul3A_93, %add3A_90 : i32
      %add3A_95 = arith.constant 1 : i32
      %add3A_96 = arith.addi %mul3A_94, %add3A_95 : i32
      %dma_start3A_97 = arith.constant 0 : i32
      %dma_start3A_98 = tpu.memref_slice %arg10[%add3A_96, %dma_start3A_97] : memref<80x128xi32, #tpu.memory_space<vmem>> -> memref<1x128xi32, #tpu.memory_space<vmem>>
      %dma_start3A_99 = tpu.memref_squeeze %dma_start3A_98 : memref<1x128xi32, #tpu.memory_space<vmem>> -> memref<128xi32, #tpu.memory_space<vmem>>
      %dma_start3A_100 = arith.constant 0 : i32
      %dma_start3A_101 = arith.constant 0 : i32
      %dma_start3A_102 = tpu.memref_slice %arg21[%dma_start3A_100, %dma_start3A_101] : memref<10000x8xf32, #tpu.memory_space<vmem_shared>> -> memref<10000x8xf32, #tpu.memory_space<vmem_shared>>
      tpu.enqueue_indirect_dma source(%dma_start3A_102 : memref<10000x8xf32, #tpu.memory_space<vmem_shared>>) target(%arg18 : memref<128x8xf32, #tpu.memory_space<vmem>>) offsets(%dma_start3A_99 : memref<128xi32, #tpu.memory_space<vmem>>) semaphore(%arg25 : memref<!tpu.dma_semaphore, #tpu.memory_space<semaphore_mem>>)
      %dma_wait3A_103 = arith.constant 0 : i32
      %dma_wait3A_104 = tpu.memref_slice %arg10[%mul3A_92, %dma_wait3A_103] : memref<80x128xi32, #tpu.memory_space<vmem>> -> memref<1x128xi32, #tpu.memory_space<vmem>>
      %dma_wait3A_105 = tpu.memref_squeeze %dma_wait3A_104 : memref<1x128xi32, #tpu.memory_space<vmem>> -> memref<128xi32, #tpu.memory_space<vmem>>
      %dma_wait3A_106 = arith.constant 0 : i32
      %dma_wait3A_107 = arith.constant 0 : i32
      %dma_wait3A_108 = tpu.memref_slice %arg21[%dma_wait3A_106, %dma_wait3A_107] : memref<10000x8xf32, #tpu.memory_space<vmem_shared>> -> memref<10000x8xf32, #tpu.memory_space<vmem_shared>>
      tpu.wait_indirect_dma semaphore(%arg24 : memref<!tpu.dma_semaphore, #tpu.memory_space<semaphore_mem>>) src(%dma_wait3A_108 : memref<10000x8xf32, #tpu.memory_space<vmem_shared>>) dst(%arg17 : memref<128x8xf32, #tpu.memory_space<vmem>>)
      %gt3A = arith.constant 0 : i32
      %gt3A_109 = arith.cmpi sgt, %add3A_90, %gt3A : i32
      %convert_element_type3A_110 = arith.extui %gt3A_109 : i1 to i32
      %cond3A_111 = arith.constant 0 : i32
      %cond3A_112 = arith.cmpi ne, %convert_element_type3A_110, %cond3A_111 : i32
      scf.if %cond3A_112 {
        %sub3A_153 = arith.constant 2 : i32
        %sub3A_154 = arith.subi %mul3A_92, %sub3A_153 : i32
        %dma_wait3A_155 = arith.constant 0 : i32
        %dma_wait3A_156 = tpu.memref_slice %arg11[%sub3A_154, %dma_wait3A_155] : memref<80x128xi32, #tpu.memory_space<vmem>> -> memref<1x128xi32, #tpu.memory_space<vmem>>
        %dma_wait3A_157 = tpu.memref_squeeze %dma_wait3A_156 : memref<1x128xi32, #tpu.memory_space<vmem>> -> memref<128xi32, #tpu.memory_space<vmem>>
        %dma_wait3A_158 = arith.constant 0 : i32
        %dma_wait3A_159 = arith.constant 0 : i32
        %dma_wait3A_160 = tpu.memref_slice %arg22[%dma_wait3A_158, %dma_wait3A_159] : memref<10240x8xf32, #tpu.memory_space<vmem_shared>> -> memref<10240x8xf32, #tpu.memory_space<vmem_shared>>
        tpu.wait_indirect_dma semaphore(%arg26 : memref<!tpu.dma_semaphore, #tpu.memory_space<semaphore_mem>>) src(%arg19 : memref<128x8xf32, #tpu.memory_space<vmem>>) dst(%dma_wait3A_160 : memref<10240x8xf32, #tpu.memory_space<vmem_shared>>)
      } else {
      }
      %parallel_loop3A_113 = arith.constant 0 : i32
      %parallel_loop3A_114 = arith.constant 8 : i32
      %parallel_loop3A_115 = arith.constant 1 : i32
      scf.for %parallel_loop3A_153 = %parallel_loop3A_113 to %parallel_loop3A_114 step %parallel_loop3A_115  : i32 {
        %parallel_loop3A_154 = arith.constant 16 : i32
        %parallel_loop3A_155 = arith.muli %parallel_loop3A_154, %parallel_loop3A_153 : i32
        %parallel_loop3A_156 = arith.index_cast %mul3A_92 : i32 to index
        %parallel_loop3A_157 = arith.index_cast %parallel_loop3A_155 : i32 to index
        %parallel_loop3A_158 = tpu.vector_load %arg10[%parallel_loop3A_156, %parallel_loop3A_157] {strides = array<i32>} : memref<80x128xi32, #tpu.memory_space<vmem>>, vector<16xi32>,
        %parallel_loop3A_159 = arith.constant 16 : i32
        %parallel_loop3A_160 = arith.muli %parallel_loop3A_159, %parallel_loop3A_153 : i32
        %parallel_loop3A_161 = arith.index_cast %mul3A_92 : i32 to index
        %parallel_loop3A_162 = arith.index_cast %parallel_loop3A_160 : i32 to index
        %parallel_loop3A_163 = tpu.vector_load %arg11[%parallel_loop3A_161, %parallel_loop3A_162] {strides = array<i32>} : memref<80x128xi32, #tpu.memory_space<vmem>>, vector<16xi32>,
        %parallel_loop3A_164 = arith.constant 16 : i32
        %parallel_loop3A_165 = arith.muli %parallel_loop3A_164, %parallel_loop3A_153 : i32
        %parallel_loop3A_166 = arith.index_cast %mul3A_92 : i32 to index
        %parallel_loop3A_167 = arith.index_cast %parallel_loop3A_165 : i32 to index
        %parallel_loop3A_168 = tpu.vector_load %arg12[%parallel_loop3A_166, %parallel_loop3A_167] {strides = array<i32>} : memref<80x128xf32, #tpu.memory_space<vmem>>, vector<16xf32>,
        %parallel_loop3A_169 = tpu.vector_load_idx %arg13[%parallel_loop3A_158] : memref<10240xf32, #tpu.memory_space<vmem>>[vector<16xi32>], vector<16xf32>,
        %parallel_loop3A_170 = arith.mulf %parallel_loop3A_169, %parallel_loop3A_168 : vector<16xf32>
        %parallel_loop3A_171 = tpu.vector_load_idx %arg13[%parallel_loop3A_163] : memref<10240xf32, #tpu.memory_space<vmem>>[vector<16xi32>], vector<16xf32>,
        %parallel_loop3A_172 = arith.mulf %parallel_loop3A_170, %parallel_loop3A_171 : vector<16xf32>
        %parallel_loop3A_173 = arith.constant 16 : i32
        %parallel_loop3A_174 = arith.muli %parallel_loop3A_173, %parallel_loop3A_153 : i32
        %parallel_loop3A_175 = arith.index_cast %parallel_loop3A_174 : i32 to index
        %parallel_loop3A_176 = tpu.vector_load %arg16[%parallel_loop3A_175] {strides = array<i32>} : memref<128xf32, #tpu.memory_space<vmem>>, vector<16xf32>,
        tpu.vector_store %arg16[%parallel_loop3A_175], %parallel_loop3A_172 {strides = array<i32>} : memref<128xf32, #tpu.memory_space<vmem>>, vector<16xf32>,
      } {sc.loop_unroll_factor = 8 : i64, sc.parallel_access}
      %parallel_loop3A_116 = arith.constant 0 : i32
      %parallel_loop3A_117 = arith.constant 64 : i32
      %parallel_loop3A_118 = arith.constant 1 : i32
      scf.for %parallel_loop3A_153 = %parallel_loop3A_116 to %parallel_loop3A_117 step %parallel_loop3A_118  : i32 {
        %parallel_loop3A_154 = arith.constant 2 : i32
        %parallel_loop3A_155 = arith.muli %parallel_loop3A_154, %parallel_loop3A_153 : i32
        %parallel_loop3A_156 = vector.broadcast %parallel_loop3A_155 : i32 to vector<16xi32>
        %parallel_loop3A_157 = arith.addi %parallel_loop3A_156, %select_n3A : vector<16xi32>
        %parallel_loop3A_158 = tpu.vector_load_idx %arg17[%parallel_loop3A_157, %sub3A_57] : memref<128x8xf32, #tpu.memory_space<vmem>>[vector<16xi32>, vector<16xi32>], vector<16xf32>,
        %parallel_loop3A_159 = tpu.vector_load_idx %arg16[%parallel_loop3A_157] : memref<128xf32, #tpu.memory_space<vmem>>[vector<16xi32>], vector<16xf32>,
        %parallel_loop3A_160 = arith.mulf %parallel_loop3A_158, %parallel_loop3A_159 : vector<16xf32>
        tpu.vector_store_idx %arg19[%parallel_loop3A_157, %sub3A_57], %parallel_loop3A_160 : memref<128x8xf32, #tpu.memory_space<vmem>>[vector<16xi32>, vector<16xi32>], vector<16xf32>,
      } {sc.loop_unroll_factor = 8 : i64, sc.parallel_access}
      %dma_start3A_119 = arith.constant 0 : i32
      %dma_start3A_120 = tpu.memref_slice %arg11[%mul3A_92, %dma_start3A_119] : memref<80x128xi32, #tpu.memory_space<vmem>> -> memref<1x128xi32, #tpu.memory_space<vmem>>
      %dma_start3A_121 = tpu.memref_squeeze %dma_start3A_120 : memref<1x128xi32, #tpu.memory_space<vmem>> -> memref<128xi32, #tpu.memory_space<vmem>>
      %dma_start3A_122 = arith.constant 0 : i32
      %dma_start3A_123 = arith.constant 0 : i32
      %dma_start3A_124 = tpu.memref_slice %arg22[%dma_start3A_122, %dma_start3A_123] : memref<10240x8xf32, #tpu.memory_space<vmem_shared>> -> memref<10240x8xf32, #tpu.memory_space<vmem_shared>>
      tpu.enqueue_indirect_dma source(%arg19 : memref<128x8xf32, #tpu.memory_space<vmem>>) target(%dma_start3A_124 : memref<10240x8xf32, #tpu.memory_space<vmem_shared>>) offsets(%dma_start3A_121 : memref<128xi32, #tpu.memory_space<vmem>>) semaphore(%arg26 : memref<!tpu.dma_semaphore, #tpu.memory_space<semaphore_mem>>) {add = true}
      %lt3A_125 = arith.constant 39 : i32
      %lt3A_126 = arith.cmpi slt, %add3A_90, %lt3A_125 : i32
      %convert_element_type3A_127 = arith.extui %lt3A_126 : i1 to i32
      %cond3A_128 = arith.constant 0 : i32
      %cond3A_129 = arith.cmpi ne, %convert_element_type3A_127, %cond3A_128 : i32
      scf.if %cond3A_129 {
        %add3A_153 = arith.constant 2 : i32
        %add3A_154 = arith.addi %mul3A_92, %add3A_153 : i32
        %dma_start3A_155 = arith.constant 0 : i32
        %dma_start3A_156 = tpu.memref_slice %arg10[%add3A_154, %dma_start3A_155] : memref<80x128xi32, #tpu.memory_space<vmem>> -> memref<1x128xi32, #tpu.memory_space<vmem>>
        %dma_start3A_157 = tpu.memref_squeeze %dma_start3A_156 : memref<1x128xi32, #tpu.memory_space<vmem>> -> memref<128xi32, #tpu.memory_space<vmem>>
        %dma_start3A_158 = arith.constant 0 : i32
        %dma_start3A_159 = arith.constant 0 : i32
        %dma_start3A_160 = tpu.memref_slice %arg21[%dma_start3A_158, %dma_start3A_159] : memref<10000x8xf32, #tpu.memory_space<vmem_shared>> -> memref<10000x8xf32, #tpu.memory_space<vmem_shared>>
        tpu.enqueue_indirect_dma source(%dma_start3A_160 : memref<10000x8xf32, #tpu.memory_space<vmem_shared>>) target(%arg17 : memref<128x8xf32, #tpu.memory_space<vmem>>) offsets(%dma_start3A_157 : memref<128xi32, #tpu.memory_space<vmem>>) semaphore(%arg24 : memref<!tpu.dma_semaphore, #tpu.memory_space<semaphore_mem>>)
      } else {
      }
      %dma_wait3A_130 = arith.constant 0 : i32
      %dma_wait3A_131 = tpu.memref_slice %arg10[%add3A_96, %dma_wait3A_130] : memref<80x128xi32, #tpu.memory_space<vmem>> -> memref<1x128xi32, #tpu.memory_space<vmem>>
      %dma_wait3A_132 = tpu.memref_squeeze %dma_wait3A_131 : memref<1x128xi32, #tpu.memory_space<vmem>> -> memref<128xi32, #tpu.memory_space<vmem>>
      %dma_wait3A_133 = arith.constant 0 : i32
      %dma_wait3A_134 = arith.constant 0 : i32
      %dma_wait3A_135 = tpu.memref_slice %arg21[%dma_wait3A_133, %dma_wait3A_134] : memref<10000x8xf32, #tpu.memory_space<vmem_shared>> -> memref<10000x8xf32, #tpu.memory_space<vmem_shared>>
      tpu.wait_indirect_dma semaphore(%arg25 : memref<!tpu.dma_semaphore, #tpu.memory_space<semaphore_mem>>) src(%dma_wait3A_135 : memref<10000x8xf32, #tpu.memory_space<vmem_shared>>) dst(%arg18 : memref<128x8xf32, #tpu.memory_space<vmem>>)
      %gt3A_136 = arith.constant 0 : i32
      %gt3A_137 = arith.cmpi sgt, %add3A_90, %gt3A_136 : i32
      %convert_element_type3A_138 = arith.extui %gt3A_137 : i1 to i32
      %cond3A_139 = arith.constant 0 : i32
      %cond3A_140 = arith.cmpi ne, %convert_element_type3A_138, %cond3A_139 : i32
      scf.if %cond3A_140 {
        %sub3A_153 = arith.constant 2 : i32
        %sub3A_154 = arith.subi %add3A_96, %sub3A_153 : i32
        %dma_wait3A_155 = arith.constant 0 : i32
        %dma_wait3A_156 = tpu.memref_slice %arg11[%sub3A_154, %dma_wait3A_155] : memref<80x128xi32, #tpu.memory_space<vmem>> -> memref<1x128xi32, #tpu.memory_space<vmem>>
        %dma_wait3A_157 = tpu.memref_squeeze %dma_wait3A_156 : memref<1x128xi32, #tpu.memory_space<vmem>> -> memref<128xi32, #tpu.memory_space<vmem>>
        %dma_wait3A_158 = arith.constant 0 : i32
        %dma_wait3A_159 = arith.constant 0 : i32
        %dma_wait3A_160 = tpu.memref_slice %arg22[%dma_wait3A_158, %dma_wait3A_159] : memref<10240x8xf32, #tpu.memory_space<vmem_shared>> -> memref<10240x8xf32, #tpu.memory_space<vmem_shared>>
        tpu.wait_indirect_dma semaphore(%arg27 : memref<!tpu.dma_semaphore, #tpu.memory_space<semaphore_mem>>) src(%arg20 : memref<128x8xf32, #tpu.memory_space<vmem>>) dst(%dma_wait3A_160 : memref<10240x8xf32, #tpu.memory_space<vmem_shared>>)
      } else {
      }
      %parallel_loop3A_141 = arith.constant 0 : i32
      %parallel_loop3A_142 = arith.constant 8 : i32
      %parallel_loop3A_143 = arith.constant 1 : i32
      scf.for %parallel_loop3A_153 = %parallel_loop3A_141 to %parallel_loop3A_142 step %parallel_loop3A_143  : i32 {
        %parallel_loop3A_154 = arith.constant 16 : i32
        %parallel_loop3A_155 = arith.muli %parallel_loop3A_154, %parallel_loop3A_153 : i32
        %parallel_loop3A_156 = arith.index_cast %add3A_96 : i32 to index
        %parallel_loop3A_157 = arith.index_cast %parallel_loop3A_155 : i32 to index
        %parallel_loop3A_158 = tpu.vector_load %arg10[%parallel_loop3A_156, %parallel_loop3A_157] {strides = array<i32>} : memref<80x128xi32, #tpu.memory_space<vmem>>, vector<16xi32>,
        %parallel_loop3A_159 = arith.constant 16 : i32
        %parallel_loop3A_160 = arith.muli %parallel_loop3A_159, %parallel_loop3A_153 : i32
        %parallel_loop3A_161 = arith.index_cast %add3A_96 : i32 to index
        %parallel_loop3A_162 = arith.index_cast %parallel_loop3A_160 : i32 to index
        %parallel_loop3A_163 = tpu.vector_load %arg11[%parallel_loop3A_161, %parallel_loop3A_162] {strides = array<i32>} : memref<80x128xi32, #tpu.memory_space<vmem>>, vector<16xi32>,
        %parallel_loop3A_164 = arith.constant 16 : i32
        %parallel_loop3A_165 = arith.muli %parallel_loop3A_164, %parallel_loop3A_153 : i32
        %parallel_loop3A_166 = arith.index_cast %add3A_96 : i32 to index
        %parallel_loop3A_167 = arith.index_cast %parallel_loop3A_165 : i32 to index
        %parallel_loop3A_168 = tpu.vector_load %arg12[%parallel_loop3A_166, %parallel_loop3A_167] {strides = array<i32>} : memref<80x128xf32, #tpu.memory_space<vmem>>, vector<16xf32>,
        %parallel_loop3A_169 = tpu.vector_load_idx %arg13[%parallel_loop3A_158] : memref<10240xf32, #tpu.memory_space<vmem>>[vector<16xi32>], vector<16xf32>,
        %parallel_loop3A_170 = arith.mulf %parallel_loop3A_169, %parallel_loop3A_168 : vector<16xf32>
        %parallel_loop3A_171 = tpu.vector_load_idx %arg13[%parallel_loop3A_163] : memref<10240xf32, #tpu.memory_space<vmem>>[vector<16xi32>], vector<16xf32>,
        %parallel_loop3A_172 = arith.mulf %parallel_loop3A_170, %parallel_loop3A_171 : vector<16xf32>
        %parallel_loop3A_173 = arith.constant 16 : i32
        %parallel_loop3A_174 = arith.muli %parallel_loop3A_173, %parallel_loop3A_153 : i32
        %parallel_loop3A_175 = arith.index_cast %parallel_loop3A_174 : i32 to index
        %parallel_loop3A_176 = tpu.vector_load %arg16[%parallel_loop3A_175] {strides = array<i32>} : memref<128xf32, #tpu.memory_space<vmem>>, vector<16xf32>,
        tpu.vector_store %arg16[%parallel_loop3A_175], %parallel_loop3A_172 {strides = array<i32>} : memref<128xf32, #tpu.memory_space<vmem>>, vector<16xf32>,
      } {sc.loop_unroll_factor = 8 : i64, sc.parallel_access}
      %parallel_loop3A_144 = arith.constant 0 : i32
      %parallel_loop3A_145 = arith.constant 64 : i32
      %parallel_loop3A_146 = arith.constant 1 : i32
      scf.for %parallel_loop3A_153 = %parallel_loop3A_144 to %parallel_loop3A_145 step %parallel_loop3A_146  : i32 {
        %parallel_loop3A_154 = arith.constant 2 : i32
        %parallel_loop3A_155 = arith.muli %parallel_loop3A_154, %parallel_loop3A_153 : i32
        %parallel_loop3A_156 = vector.broadcast %parallel_loop3A_155 : i32 to vector<16xi32>
        %parallel_loop3A_157 = arith.addi %parallel_loop3A_156, %select_n3A : vector<16xi32>
        %parallel_loop3A_158 = tpu.vector_load_idx %arg18[%parallel_loop3A_157, %sub3A_57] : memref<128x8xf32, #tpu.memory_space<vmem>>[vector<16xi32>, vector<16xi32>], vector<16xf32>,
        %parallel_loop3A_159 = tpu.vector_load_idx %arg16[%parallel_loop3A_157] : memref<128xf32, #tpu.memory_space<vmem>>[vector<16xi32>], vector<16xf32>,
        %parallel_loop3A_160 = arith.mulf %parallel_loop3A_158, %parallel_loop3A_159 : vector<16xf32>
        tpu.vector_store_idx %arg20[%parallel_loop3A_157, %sub3A_57], %parallel_loop3A_160 : memref<128x8xf32, #tpu.memory_space<vmem>>[vector<16xi32>, vector<16xi32>], vector<16xf32>,
      } {sc.loop_unroll_factor = 8 : i64, sc.parallel_access}
      %dma_start3A_147 = arith.constant 0 : i32
      %dma_start3A_148 = tpu.memref_slice %arg11[%add3A_96, %dma_start3A_147] : memref<80x128xi32, #tpu.memory_space<vmem>> -> memref<1x128xi32, #tpu.memory_space<vmem>>
      %dma_start3A_149 = tpu.memref_squeeze %dma_start3A_148 : memref<1x128xi32, #tpu.memory_space<vmem>> -> memref<128xi32, #tpu.memory_space<vmem>>
      %dma_start3A_150 = arith.constant 0 : i32
      %dma_start3A_151 = arith.constant 0 : i32
      %dma_start3A_152 = tpu.memref_slice %arg22[%dma_start3A_150, %dma_start3A_151] : memref<10240x8xf32, #tpu.memory_space<vmem_shared>> -> memref<10240x8xf32, #tpu.memory_space<vmem_shared>>
      tpu.enqueue_indirect_dma source(%arg20 : memref<128x8xf32, #tpu.memory_space<vmem>>) target(%dma_start3A_152 : memref<10240x8xf32, #tpu.memory_space<vmem_shared>>) offsets(%dma_start3A_149 : memref<128xi32, #tpu.memory_space<vmem>>) semaphore(%arg27 : memref<!tpu.dma_semaphore, #tpu.memory_space<semaphore_mem>>) {add = true}
    }
    %scan3A_67 = arith.constant 40 : i32
    %dma_wait3A = arith.constant 78 : i32
    %dma_wait3A_68 = arith.constant 0 : i32
    %dma_wait3A_69 = tpu.memref_slice %arg11[%dma_wait3A, %dma_wait3A_68] : memref<80x128xi32, #tpu.memory_space<vmem>> -> memref<1x128xi32, #tpu.memory_space<vmem>>
    %dma_wait3A_70 = tpu.memref_squeeze %dma_wait3A_69 : memref<1x128xi32, #tpu.memory_space<vmem>> -> memref<128xi32, #tpu.memory_space<vmem>>
    %dma_wait3A_71 = arith.constant 0 : i32
    %dma_wait3A_72 = arith.constant 0 : i32
    %dma_wait3A_73 = tpu.memref_slice %arg22[%dma_wait3A_71, %dma_wait3A_72] : memref<10240x8xf32, #tpu.memory_space<vmem_shared>> -> memref<10240x8xf32, #tpu.memory_space<vmem_shared>>
    tpu.wait_indirect_dma semaphore(%arg26 : memref<!tpu.dma_semaphore, #tpu.memory_space<semaphore_mem>>) src(%arg19 : memref<128x8xf32, #tpu.memory_space<vmem>>) dst(%dma_wait3A_73 : memref<10240x8xf32, #tpu.memory_space<vmem_shared>>)
    %dma_wait3A_74 = arith.constant 79 : i32
    %dma_wait3A_75 = arith.constant 0 : i32
    %dma_wait3A_76 = tpu.memref_slice %arg11[%dma_wait3A_74, %dma_wait3A_75] : memref<80x128xi32, #tpu.memory_space<vmem>> -> memref<1x128xi32, #tpu.memory_space<vmem>>
    %dma_wait3A_77 = tpu.memref_squeeze %dma_wait3A_76 : memref<1x128xi32, #tpu.memory_space<vmem>> -> memref<128xi32, #tpu.memory_space<vmem>>
    %dma_wait3A_78 = arith.constant 0 : i32
    %dma_wait3A_79 = arith.constant 0 : i32
    %dma_wait3A_80 = tpu.memref_slice %arg22[%dma_wait3A_78, %dma_wait3A_79] : memref<10240x8xf32, #tpu.memory_space<vmem_shared>> -> memref<10240x8xf32, #tpu.memory_space<vmem_shared>>
    tpu.wait_indirect_dma semaphore(%arg27 : memref<!tpu.dma_semaphore, #tpu.memory_space<semaphore_mem>>) src(%arg20 : memref<128x8xf32, #tpu.memory_space<vmem>>) dst(%dma_wait3A_80 : memref<10240x8xf32, #tpu.memory_space<vmem_shared>>)
    %barrier3A_81 = arith.constant 0 : index
    tpu.barrier barrier_id(%barrier3A_81)
    %mul3A_82 = arith.constant 640 : i32
    %mul3A_83 = arith.muli %arg1, %mul3A_82 : i32
    %mul3A_84 = arith.constant 640 : i32
    %mul3A_85 = arith.muli %arg1, %mul3A_84 : i32
    "tpu.region"() ({
      %run_scoped3A_86 = tpu.sem_alloc : memref<!tpu.dma_semaphore, #tpu.memory_space<semaphore_mem>>
      %dma_start3A_87 = arith.constant 0 : i32
      %dma_start3A_88 = arith.constant 0 : i32
      %dma_start3A_89 = tpu.memref_slice %arg8[%arg0, %dma_start3A_87, %dma_start3A_88] : memref<2x10240x8xf32, #tpu.memory_space<hbm>> -> memref<1x10240x8xf32, #tpu.memory_space<hbm>>
      %dma_start3A_90 = tpu.memref_squeeze %dma_start3A_89 : memref<1x10240x8xf32, #tpu.memory_space<hbm>> -> memref<10240x8xf32, #tpu.memory_space<hbm>>
      %dma_start3A_91 = arith.constant 0 : i32
      %dma_start3A_92 = tpu.memref_slice %dma_start3A_90[%mul3A_85, %dma_start3A_91] : memref<10240x8xf32, #tpu.memory_space<hbm>> -> memref<640x8xf32, #tpu.memory_space<hbm>>
      %dma_start3A_93 = arith.constant 0 : i32
      %dma_start3A_94 = tpu.memref_slice %arg22[%mul3A_83, %dma_start3A_93] : memref<10240x8xf32, #tpu.memory_space<vmem_shared>> -> memref<640x8xf32, #tpu.memory_space<vmem_shared>>
      tpu.enqueue_dma source(%dma_start3A_94 : memref<640x8xf32, #tpu.memory_space<vmem_shared>>) target(%dma_start3A_92 : memref<640x8xf32, #tpu.memory_space<hbm>>) target_semaphore(%run_scoped3A_86 : memref<!tpu.dma_semaphore, #tpu.memory_space<semaphore_mem>>)
      %dma_wait3A_95 = arith.constant 0 : i32
      %dma_wait3A_96 = arith.constant 0 : i32
      %dma_wait3A_97 = tpu.memref_slice %arg8[%arg0, %dma_wait3A_95, %dma_wait3A_96] : memref<2x10240x8xf32, #tpu.memory_space<hbm>> -> memref<1x10240x8xf32, #tpu.memory_space<hbm>>
      %dma_wait3A_98 = tpu.memref_squeeze %dma_wait3A_97 : memref<1x10240x8xf32, #tpu.memory_space<hbm>> -> memref<10240x8xf32, #tpu.memory_space<hbm>>
      %dma_wait3A_99 = arith.constant 0 : i32
      %dma_wait3A_100 = tpu.memref_slice %dma_wait3A_98[%mul3A_85, %dma_wait3A_99] : memref<10240x8xf32, #tpu.memory_space<hbm>> -> memref<640x8xf32, #tpu.memory_space<hbm>>
      %dma_wait3A_101 = arith.constant 0 : i32
      %dma_wait3A_102 = tpu.memref_slice %arg22[%mul3A_83, %dma_wait3A_101] : memref<10240x8xf32, #tpu.memory_space<vmem_shared>> -> memref<640x8xf32, #tpu.memory_space<vmem_shared>>
      tpu.wait_dma2 semaphore(%run_scoped3A_86 : memref<!tpu.dma_semaphore, #tpu.memory_space<semaphore_mem>>) src(%dma_wait3A_102 : memref<640x8xf32, #tpu.memory_space<vmem_shared>>) dst(%dma_wait3A_100 : memref<640x8xf32, #tpu.memory_space<hbm>>)
      tpu.yield
    }) : () -> ()
    return
  }
}

module attributes {stable_mosaic.version = 14 : i64} {
  func.func @_mm1_body(%arg0: memref<10000x128xf32, #tpu.memory_space<vmem>>, %arg1: memref<128x8xf32, #tpu.memory_space<vmem>>, %arg2: memref<10000x8xf32, #tpu.memory_space<vmem>>) attributes {dimension_semantics = [], scalar_prefetch = 0 : i64, scratch_operands = 0 : i64, tpu.core_type = #tpu.core_type<tc>} {
    %get3A = arith.constant 0 : index
    %get3A_0 = arith.constant 0 : index
    %get3A_1 = vector.load %arg0[%get3A, %get3A_0] : memref<10000x128xf32, #tpu.memory_space<vmem>>, vector<10000x128xf32>
    %get3A_2 = arith.constant 0 : index
    %get3A_3 = arith.constant 0 : index
    %get3A_4 = vector.load %arg1[%get3A_2, %get3A_3] : memref<128x8xf32, #tpu.memory_space<vmem>>, vector<128x8xf32>
    %dot_general3A = arith.constant dense<0.000000e+00> : vector<10000x8xf32>
    %dot_general3A_5 = tpu.matmul %get3A_1, %get3A_4, %dot_general3A {dimension_numbers = #tpu.dot_dimension_numbers<[1], [0], [0], [1], [0, 0, 1, 1], [], []>, transpose_lhs_hint = false} : vector<10000x128xf32>, vector<128x8xf32>, vector<10000x8xf32> -> vector<10000x8xf32>
    %swap3A = arith.constant 0 : index
    %swap3A_6 = arith.constant 0 : index
    %swap3A_7 = vector.load %arg2[%swap3A, %swap3A_6] : memref<10000x8xf32, #tpu.memory_space<vmem>>, vector<10000x8xf32>
    tpu.vector_store %arg2[%swap3A, %swap3A_6], %dot_general3A_5 {strides = array<i32>} : memref<10000x8xf32, #tpu.memory_space<vmem>>, vector<10000x8xf32>,
    return
  }
}

module attributes {stable_mosaic.version = 14 : i64} {
  func.func @_layer1_body(%arg0: memref<2x10240x8xf32, #tpu.memory_space<vmem>>, %arg1: memref<10000x8xf32, #tpu.memory_space<vmem>>, %arg2: memref<10240x1xf32, #tpu.memory_space<vmem>>, %arg3: memref<1x8xf32, #tpu.memory_space<vmem>>, %arg4: memref<8x8xf32, #tpu.memory_space<vmem>>, %arg5: memref<10000x8xf32, #tpu.memory_space<vmem>>) attributes {dimension_semantics = [], scalar_prefetch = 0 : i64, scratch_operands = 0 : i64, tpu.core_type = #tpu.core_type<tc>} {
    %get3A = arith.constant 0 : index
    %get3A_0 = arith.constant 0 : index
    %get3A_1 = arith.constant 0 : index
    %get3A_2 = vector.load %arg0[%get3A, %get3A_0, %get3A_1] : memref<2x10240x8xf32, #tpu.memory_space<vmem>>, vector<1x10000x8xf32>
    %get3A_3 = vector.shape_cast %get3A_2 : vector<1x10000x8xf32> to vector<10000x8xf32>
    %get3A_4 = arith.constant 1 : index
    %get3A_5 = arith.constant 0 : index
    %get3A_6 = arith.constant 0 : index
    %get3A_7 = vector.load %arg0[%get3A_4, %get3A_5, %get3A_6] : memref<2x10240x8xf32, #tpu.memory_space<vmem>>, vector<1x10000x8xf32>
    %get3A_8 = vector.shape_cast %get3A_7 : vector<1x10000x8xf32> to vector<10000x8xf32>
    %add3A = arith.addf %get3A_3, %get3A_8 : vector<10000x8xf32>
    %get3A_9 = arith.constant 0 : index
    %get3A_10 = arith.constant 0 : index
    %get3A_11 = vector.load %arg1[%get3A_9, %get3A_10] : memref<10000x8xf32, #tpu.memory_space<vmem>>, vector<10000x8xf32>
    %get3A_12 = arith.constant 0 : index
    %get3A_13 = arith.constant 0 : index
    %get3A_14 = vector.load %arg2[%get3A_12, %get3A_13] : memref<10240x1xf32, #tpu.memory_space<vmem>>, vector<10000x1xf32>
    %mul3A = vector.broadcast %get3A_14 : vector<10000x1xf32> to vector<10000x8xf32>
    %mul3A_15 = arith.mulf %get3A_11, %mul3A : vector<10000x8xf32>
    %get3A_16 = arith.constant 0 : index
    %get3A_17 = arith.constant 0 : index
    %get3A_18 = vector.load %arg2[%get3A_16, %get3A_17] : memref<10240x1xf32, #tpu.memory_space<vmem>>, vector<10000x1xf32>
    %mul3A_19 = vector.broadcast %get3A_18 : vector<10000x1xf32> to vector<10000x8xf32>
    %mul3A_20 = arith.mulf %mul3A_15, %mul3A_19 : vector<10000x8xf32>
    %add3A_21 = arith.addf %add3A, %mul3A_20 : vector<10000x8xf32>
    %get3A_22 = arith.constant 0 : index
    %get3A_23 = arith.constant 0 : index
    %get3A_24 = vector.load %arg3[%get3A_22, %get3A_23] : memref<1x8xf32, #tpu.memory_space<vmem>>, vector<1x8xf32>
    %add3A_25 = vector.broadcast %get3A_24 : vector<1x8xf32> to vector<10000x8xf32>
    %add3A_26 = arith.addf %add3A_21, %add3A_25 : vector<10000x8xf32>
    %max3A = arith.constant 0.000000e+00 : f32
    %max3A_27 = vector.broadcast %max3A : f32 to vector<10000x8xf32>
    %max3A_28 = arith.maximumf %add3A_26, %max3A_27 : vector<10000x8xf32>
    %get3A_29 = arith.constant 0 : index
    %get3A_30 = arith.constant 0 : index
    %get3A_31 = vector.load %arg4[%get3A_29, %get3A_30] : memref<8x8xf32, #tpu.memory_space<vmem>>, vector<8x8xf32>
    %dot_general3A = arith.constant dense<0.000000e+00> : vector<10000x8xf32>
    %dot_general3A_32 = tpu.matmul %max3A_28, %get3A_31, %dot_general3A {dimension_numbers = #tpu.dot_dimension_numbers<[1], [0], [0], [1], [0, 0, 1, 1], [], []>, transpose_lhs_hint = false} : vector<10000x8xf32>, vector<8x8xf32>, vector<10000x8xf32> -> vector<10000x8xf32>
    %swap3A = arith.constant 0 : index
    %swap3A_33 = arith.constant 0 : index
    %swap3A_34 = vector.load %arg5[%swap3A, %swap3A_33] : memref<10000x8xf32, #tpu.memory_space<vmem>>, vector<10000x8xf32>
    tpu.vector_store %arg5[%swap3A, %swap3A_33], %dot_general3A_32 {strides = array<i32>} : memref<10000x8xf32, #tpu.memory_space<vmem>>, vector<10000x8xf32>,
    return
  }
}

module attributes {stable_mosaic.version = 14 : i64} {
  func.func @_layer2_body(%arg0: memref<2x10240x8xf32, #tpu.memory_space<vmem>>, %arg1: memref<10000x8xf32, #tpu.memory_space<vmem>>, %arg2: memref<10240x1xf32, #tpu.memory_space<vmem>>, %arg3: memref<1x8xf32, #tpu.memory_space<vmem>>, %arg4: memref<10000x8xf32, #tpu.memory_space<vmem>>) attributes {dimension_semantics = [], scalar_prefetch = 0 : i64, scratch_operands = 0 : i64, tpu.core_type = #tpu.core_type<tc>} {
    %get3A = arith.constant 0 : index
    %get3A_0 = arith.constant 0 : index
    %get3A_1 = arith.constant 0 : index
    %get3A_2 = vector.load %arg0[%get3A, %get3A_0, %get3A_1] : memref<2x10240x8xf32, #tpu.memory_space<vmem>>, vector<1x10000x8xf32>
    %get3A_3 = vector.shape_cast %get3A_2 : vector<1x10000x8xf32> to vector<10000x8xf32>
    %get3A_4 = arith.constant 1 : index
    %get3A_5 = arith.constant 0 : index
    %get3A_6 = arith.constant 0 : index
    %get3A_7 = vector.load %arg0[%get3A_4, %get3A_5, %get3A_6] : memref<2x10240x8xf32, #tpu.memory_space<vmem>>, vector<1x10000x8xf32>
    %get3A_8 = vector.shape_cast %get3A_7 : vector<1x10000x8xf32> to vector<10000x8xf32>
    %add3A = arith.addf %get3A_3, %get3A_8 : vector<10000x8xf32>
    %get3A_9 = arith.constant 0 : index
    %get3A_10 = arith.constant 0 : index
    %get3A_11 = vector.load %arg1[%get3A_9, %get3A_10] : memref<10000x8xf32, #tpu.memory_space<vmem>>, vector<10000x8xf32>
    %get3A_12 = arith.constant 0 : index
    %get3A_13 = arith.constant 0 : index
    %get3A_14 = vector.load %arg2[%get3A_12, %get3A_13] : memref<10240x1xf32, #tpu.memory_space<vmem>>, vector<10000x1xf32>
    %mul3A = vector.broadcast %get3A_14 : vector<10000x1xf32> to vector<10000x8xf32>
    %mul3A_15 = arith.mulf %get3A_11, %mul3A : vector<10000x8xf32>
    %get3A_16 = arith.constant 0 : index
    %get3A_17 = arith.constant 0 : index
    %get3A_18 = vector.load %arg2[%get3A_16, %get3A_17] : memref<10240x1xf32, #tpu.memory_space<vmem>>, vector<10000x1xf32>
    %mul3A_19 = vector.broadcast %get3A_18 : vector<10000x1xf32> to vector<10000x8xf32>
    %mul3A_20 = arith.mulf %mul3A_15, %mul3A_19 : vector<10000x8xf32>
    %add3A_21 = arith.addf %add3A, %mul3A_20 : vector<10000x8xf32>
    %get3A_22 = arith.constant 0 : index
    %get3A_23 = arith.constant 0 : index
    %get3A_24 = vector.load %arg3[%get3A_22, %get3A_23] : memref<1x8xf32, #tpu.memory_space<vmem>>, vector<1x8xf32>
    %add3A_25 = vector.broadcast %get3A_24 : vector<1x8xf32> to vector<10000x8xf32>
    %add3A_26 = arith.addf %add3A_21, %add3A_25 : vector<10000x8xf32>
    %reduce_max3A = arith.constant dense<0xFF800000> : vector<10000xf32>
    %reduce_max3A_27 = vector.multi_reduction <maximumf>, %add3A_26, %reduce_max3A [1] : vector<10000x8xf32> to vector<10000xf32>
    %broadcast_in_dim3A = vector.shape_cast %reduce_max3A_27 : vector<10000xf32> to vector<10000x1xf32>
    %sub3A = vector.broadcast %broadcast_in_dim3A : vector<10000x1xf32> to vector<10000x8xf32>
    %sub3A_28 = arith.subf %add3A_26, %sub3A : vector<10000x8xf32>
    %exp3A = math.exp %sub3A_28 : vector<10000x8xf32>
    %sub3A_29 = vector.broadcast %broadcast_in_dim3A : vector<10000x1xf32> to vector<10000x8xf32>
    %sub3A_30 = arith.subf %add3A_26, %sub3A_29 : vector<10000x8xf32>
    %reduce_sum3A = arith.constant dense<0.000000e+00> : vector<10000xf32>
    %reduce_sum3A_31 = vector.multi_reduction <add>, %exp3A, %reduce_sum3A [1] : vector<10000x8xf32> to vector<10000xf32>
    %broadcast_in_dim3A_32 = vector.shape_cast %reduce_sum3A_31 : vector<10000xf32> to vector<10000x1xf32>
    %log3A = math.log %broadcast_in_dim3A_32 : vector<10000x1xf32>
    %sub3A_33 = vector.broadcast %log3A : vector<10000x1xf32> to vector<10000x8xf32>
    %sub3A_34 = arith.subf %sub3A_30, %sub3A_33 : vector<10000x8xf32>
    %swap3A = arith.constant 0 : index
    %swap3A_35 = arith.constant 0 : index
    %swap3A_36 = vector.load %arg4[%swap3A, %swap3A_35] : memref<10000x8xf32, #tpu.memory_space<vmem>>, vector<10000x8xf32>
    tpu.vector_store %arg4[%swap3A, %swap3A_35], %sub3A_34 {strides = array<i32>} : memref<10000x8xf32, #tpu.memory_space<vmem>>, vector<10000x8xf32>,
    return
  }
}

</mosaic_0001>

<sc_bundles>
// kernel: kernel.11.cloned.1.call-start
scs
__scs_entry_jumppad:
0x0: {  	(pc) =	sbr.rel $0x88, $3  }
0x1: {  	(tag) =	ssettag $0x0;
	lr =	simm.s32 $0x1  }
0x2: {  	[smem:$0x3F9A] =	sst lr;
	_ =	strace $0xD0000000  }
0x3: {  	_ = 	snop  }
0x4: {  	_ = 	snop  }
0x5: {  	_ = 	snop  }
0x6: {  	_ = 	snop  }
0x7: {  	_ = 	snop  }
__scs_overlays_trampoline_lowered:
0x8: {  	[smem:$0x3FA9] =	sst s0  }
0x9: {  	[smem:$0x3FAA] =	sst s1  }
0xa: {  	[smem:$0x3FAB] =	sst s2  }
0xb: {  	[smem:$0x3FAC] =	sst s3  }
0xc: {  	[smem:$0x3FAD] =	sst s4  }
0xd: {  	[smem:$0x3FAE] =	sst s5  }
0xe: {  	[smem:$0x3FAF] =	sst s6  }
0xf: {  	[smem:$0x3FB0] =	sst s7  }
0x10: {  	[smem:$0x3FB1] =	sst s8  }
0x11: {  	[smem:$0x3FB2] =	sst s9;
	s0 =	simm.s32 @!p0 $0x0  }
0x12: {  	s1 =	sld [smem:$0x3F98];
	s0 =	simm.s32 @p0 $0x1  }
0x13: {  	[smem:$0x3FB3] =	sst s0;
	s0 =	simm.s32 @!p1 $0x0  }
0x14: {  	s2 =	sld [smem:$0x3F97];
	s0 =	simm.s32 @p1 $0x1  }
0x15: {  	[smem:$0x3FB4] =	sst s0;
	s0 =	simm.s32 @!p2 $0x0  }
0x16: {  	s3 =	sld [smem:$0x3FDB];
	s0 =	simm.s32 @p2 $0x1  }
0x17: {  	s4 =	simm.s32 $0x1BF5;
	[smem:$0x3FB6] =	sst s0  }
0x18: {  	s0 =	sld [smem:$0x3F99];
	_ =	swait.ge [sflag:s4], $0x0  }
0x19: {  	s7 =	sld [smem:$0x3F9A]  }
0x1a: {  	s8 =	sadd.s32 $0xFFFFE003, lr  }
0x1b: {  	s9 =	sadd.s32 $0xFFFFFEF7, lr;
	s5 =	simm.s32 $0xFFFFFFFF;
	p2 =	slt.u32 s8, $0xFFFFF086  }
0x1c: {  	p1 =	slt.u32 s9, $0xF7A;
	s5 =	simm.s32 @!p2 $0x0  }
0x1d: {  	s5 =	simm.s32 @p1 $0x1;
	p0 =	seq.s32 s7, s2  }
0x1e: {  	s7 =	smul.u32 @!p0 $0xF7A, s2;
	p2 =	seq.s32 @!p0 s5, $0x0  }
0x1f: {  	s9 =	smul.u32 $0xF7A, s1;
	s8 =	simm.s32 @!p0 $0x1BF5;
	p2 =	por !p2, p0  }
0x20: {  	[sflag:s8] =	ssyncset.s32 @!p0 $0xFFFFF086;
	s6 =	sadd.s32 @!p0 s3, s7;
	s7 =	simm.s32 @!p0 $0x108  }
0x21: {  	s3 =	sadd.s32 s3, s9;
	s6 =	sadd.s32 @!p0 $0x88, s6;
	s7 =	simm.s32 @p2 $0x1082  }
0x22: {  	[simem:s7], [sflag:s8] =	dma.local @!p0 [hbm:s6], $0xF7A  }
0x23: {  	s9 =	sor.u32 $0xD0000000, s2;
	s6 =	simm.s32 $0x108;
	_ =	swait.ge @!p0 [sflag:s8], $0x0  }
0x24: {  	s3 =	sadd.s32 $0x88, s3;
	s6 =	simm.s32 @!p1 $0x1082;
	[sflag:s4] =	ssyncset.s32 $0xFFFFF086  }
0x25: {  	[simem:s6], [sflag:s4] =	dma.local [hbm:s3], $0xF7A  }
0x26: {  	[smem:$0x3F9A] =	sst s1;
	(tag) =	ssettag s2;
	_ =	strace s9  }
0x27: {  	s1 =	sld [smem:$0x3FAA]  }
0x28: {  	s2 =	sld [smem:$0x3FAB]  }
0x29: {  	s4 =	sld [smem:$0x3FAD]  }
0x2a: {  	p0 =	seq.s32 s5, $0x0;
	s5 =	sld [smem:$0x3FAE]  }
0x2b: {  	s6 =	sld [smem:$0x3FAF]  }
0x2c: {  	s7 =	sld [smem:$0x3FB0]  }
0x2d: {  	s3 =	simm.s32 $0x108;
	s8 =	sld [smem:$0x3FB1]  }
0x2e: {  	s3 =	simm.s32 @!p0 $0x1082;
	s9 =	sld [smem:$0x3FB2]  }
0x2f: {  	lr =	sadd.s32 s0, s3;
	s0 =	sld [smem:$0x3FA9]  }
0x30: {  	s3 =	sld [smem:$0x3FAC]  }
0x31: {  	[smem:$0x3FB5] =	sst s10  }
0x32: {  	s10 =	sld [smem:$0x3FB3];
	_ =	sdelay $0x3  }
0x33: {  	p0 =	seq.s32 s10, $0x1;
	s10 =	sld [smem:$0x3FB5];
	_ =	sdelay $0x3  }
0x34: {  	[smem:$0x3FB5] =	sst s10  }
0x35: {  	s10 =	sld [smem:$0x3FB4];
	_ =	sdelay $0x3  }
0x36: {  	p1 =	seq.s32 s10, $0x1;
	s10 =	sld [smem:$0x3FB5];
	_ =	sdelay $0x3  }
0x37: {  	[smem:$0x3FB5] =	sst s10  }
0x38: {  	s10 =	sld [smem:$0x3FB6]  }
0x39: {  	_ = 	snop;
	(pc) =	sbr.ind lr, $3  }
0x3a: {  	_ = 	snop  }
0x3b: {  	_ = 	snop  }
0x3c: {  	p2 =	seq.s32 s10, $0x1;
	s10 =	sld [smem:$0x3FB5]  }
0x3d: {  	_ =	shalt  }
0x3e: {  	_ =	shalt  }
0x3f: {  	_ =	shalt  }
0x40: {  	_ =	shalt  }
0x41: {  	_ =	shalt  }
0x42: {  	_ =	shalt  }
0x43: {  	_ =	shalt  }
0x44: {  	_ =	shalt  }
0x45: {  	_ =	shalt  }
0x46: {  	_ =	shalt  }
0x47: {  	_ =	shalt  }
0x48: {  	_ =	shalt  }
0x49: {  	_ =	shalt  }
0x4a: {  	_ =	shalt  }
0x4b: {  	_ =	shalt  }
0x4c: {  	_ =	shalt  }
0x4d: {  	_ =	shalt  }
0x4e: {  	_ =	shalt  }
0x4f: {  	_ =	shalt  }
0x50: {  	_ =	shalt  }
0x51: {  	_ =	shalt  }
0x52: {  	_ =	shalt  }
0x53: {  	_ =	shalt  }
0x54: {  	_ =	shalt  }
0x55: {  	_ =	shalt  }
0x56: {  	_ =	shalt  }
0x57: {  	_ =	shalt  }
0x58: {  	_ =	shalt  }
0x59: {  	_ =	shalt  }
0x5a: {  	_ =	shalt  }
0x5b: {  	_ =	shalt  }
0x5c: {  	_ =	shalt  }
0x5d: {  	_ =	shalt  }
0x5e: {  	_ =	shalt  }
0x5f: {  	_ =	shalt  }
0x60: {  	_ =	shalt  }
0x61: {  	_ =	shalt  }
0x62: {  	_ =	shalt  }
0x63: {  	_ =	shalt  }
0x64: {  	_ =	shalt  }
0x65: {  	_ =	shalt  }
0x66: {  	_ =	shalt  }
0x67: {  	_ =	shalt  }
0x68: {  	_ =	shalt  }
0x69: {  	_ =	shalt  }
0x6a: {  	_ =	shalt  }
0x6b: {  	_ =	shalt  }
0x6c: {  	_ =	shalt  }
0x6d: {  	_ =	shalt  }
0x6e: {  	_ =	shalt  }
0x6f: {  	_ =	shalt  }
0x70: {  	_ =	shalt  }
0x71: {  	_ =	shalt  }
0x72: {  	_ =	shalt  }
0x73: {  	_ =	shalt  }
0x74: {  	_ =	shalt  }
0x75: {  	_ =	shalt  }
0x76: {  	_ =	shalt  }
0x77: {  	_ =	shalt  }
0x78: {  	_ =	shalt  }
0x79: {  	_ =	shalt  }
0x7a: {  	_ =	shalt  }
0x7b: {  	_ =	shalt  }
0x7c: {  	_ =	shalt  }
0x7d: {  	_ =	shalt  }
0x7e: {  	_ =	shalt  }
0x7f: {  	_ =	shalt  }
0x80: {  	_ =	shalt  }
0x81: {  	_ =	shalt  }
0x82: {  	_ =	shalt  }
0x83: {  	_ =	shalt  }
0x84: {  	_ =	shalt  }
0x85: {  	_ =	shalt  }
0x86: {  	_ =	shalt  }
0x87: {  	_ =	shalt  }
.Lfunc_end0:
.L_simem_size_0:
called_computation.1_lowered:
.L_overlay_start_0:
0x88: {  	s2 =	sld [smem:$0x3FD9]  }
0x89: {  	s3 =	sld [smem:$0x3FFE];
	_ =	sdelay $0x1  }
0x8a: {  	s1 =	srdreg.scid  }
0x8b: {  	s0 =	sand.u32 $0x1, s1  }
0x8c: {  	s17 =	sshll.u32 s0, $0xA;
	s2 =	sadd.s32 s3, s2  }
0x8d: {  	s2 =	sadd.s32 s2, s17  }
0x8e: {  	[smem:$0x3FC1] =	sst s2  }
0x8f: {  	_ = 	snop  }
0x90: {  	s2 =	sld [smem:$0x3FD0];
	(tm) =	ssettm $0x1  }
0x91: {  	s18 =	sld [smem:$0x3FFB];
	_ =	sdelay $0x3  }
0x92: {  	_ =	strace s18  }
0x93: {  	s3 =	sld [smem:$0x3FFC];
	_ =	sdelay $0x3  }
0x94: {  	_ =	strace s3  }
0x95: {  	s3 =	sld [smem:$0x3FFD];
	_ =	sdelay $0x3  }
0x96: {  	_ =	strace s3  }
0x97: {  	_ =	strace $0x8FFFFFFF  }
0x98: {  	s19 =	sld [smem:$0x3FDB];
	_ =	sdelay $0x1  }
0x99: {  	s4 =	simm.s32 $_scs_section_size  }
0x9a: {  	s5 =	simm.s32 $_size__tile_overlayer_lowered;
	s6 =	simm.s32 $_tile_overlayer_lowered  }
0x9b: {  	s22 =	simm.s32 $0x1BFF;
	s21 =	sshll.u32 s6, $0x1;
	s3 =	sadd.s32 s4, s19  }
0x9c: {  	s7 =	simm.s32 $0x0;
	s20 =	sshll.u32 s5, $0x1;
	s5 =	sadd.s32 s21, s3  }
0x9d: {  	[timem:s7], [sflag:s22] =	dma.local [hbm:s5], s20  }
0x9e: {  	_ =	swait.ge [sflag:s22], s20  }
0x9f: {  	s4 =	ssub.s32 $0x0, s20;
	[sflag:s22] =	ssyncset.done $0x0  }
0xa0: {  	[sflag:s22] =	ssyncadd.s32 s4;
	_ =	sdelay $0x1  }
0xa1: {  	s23 =	simm.s32 $0x1B8B  }
0xa2: {  	_ =	swait.ge [sflag:s23], $0x1  }
0xa3: {  	[sflag:s23] =	ssyncset.done $0x0  }
0xa4: {  	s25 =	simm.s32 $0x1B8E;
	s24 =	sld [smem:$0x3FFE];
	[sflag:s23] =	ssyncadd.s32 $0xFFFFFFFF  }
0xa5: {  	s26 =	simm.s32 $execute0_lowered;
	[smem:$0x3FD2] =	sst s25  }
0xa6: {  	s5 =	sshll.u32 s26, $0x1;
	_ =	strace $0x80000049;
	[dreg:$0x1] =	wrdreg $0xFFFFFFFF  }
0xa7: {  	s28 =	simm.s32 $_size_execute0_lowered;
	s3 =	sadd.s32 s3, s5;
	[dreg:$0x0] =	wrdreg $0x0  }
0xa8: {  	s5 =	sshll.u32 s28, $0x1;
	[dreg:$0x2] =	wrdreg s3  }
0xa9: {  	[dreg:$0x3] =	wrdreg s5  }
0xaa: {  	[dreg:$0x4] =	wrdreg $0xC0  }
0xab: {  	_ =	task [dreg:s7], $0x5FFFF  }
0xac: {  	[dreg:$0x1] =	wrdreg $0xFFFFFFFF  }
0xad: {  	[dreg:$0x0] =	wrdreg $0x60  }
0xae: {  	[dreg:$0x2] =	wrdreg s2  }
0xaf: {  	[dreg:$0x3] =	wrdreg s24  }
0xb0: {  	[dreg:$0x4] =	wrdreg $0xC9080  }
0xb1: {  	[dreg:$0x5] =	wrdreg $0xB5800  }
0xb2: {  	[dreg:$0x6] =	wrdreg $0xDD080  }
0xb3: {  	[dreg:$0x7] =	wrdreg $0x9  }
0xb4: {  	_ =	task.clear_ibuf [dreg:s7], $0x8FFFF;
	_ =	strace $0x90000049  }
0xb5: {  	s29 =	simm.s32 $0x9;
	_ =	strace $0x8000004B  }
0xb6: {  	_ =	swait.ge [sflag:s29], $0x1  }
0xb7: {  	[sflag:s29] =	ssyncadd.s32 $0xFFFFFFFF  }
0xb8: {  	_ =	strace $0x9000004B  }
0xb9: {  	_ =	sfence  }
0xba: {  	s30 =	sld [smem:$0x0];
	_ =	sdelay $0x2  }
0xbb: {  	s31 =	sshll.u32 s1, $0xD;
	s1 =	sshrl.u32 s1, $0x2  }
0xbc: {  	s3 =	sand.u32 $0x4000, s31;
	s1 =	sadd.s32 s1, s30  }
0xbd: {  	s0 =	sor.u32 s3, s0;
	s1 =	sshll.u32 s1, $0x11  }
0xbe: {  	s0 =	sor.u32 s1, s0  }
0xbf: {  	s0 =	sadd.s32 $0x8F2B, s0  }
0xc0: {  	[sflag:s0] =	ssyncadd.remote.s32 $0x1  }
0xc1: {  	_ =	sfence.sel $0xFFFF  }
0xc2: {  	[dreg:$0x0] =	wrdreg $0xFFFFFFFF;
	(pc) =	sbr.abs _section_cstart, $3  }
0xc3: {  	[dreg:$0x1] =	wrdreg $0xFFFFFFFF  }
0xc4: {  	_ =	task.clear_ibuf [dreg:s7], $0x2FFFF;
	_ =	strace $0x9FFFFFFF  }
0xc5: {  	(tm) =	ssettm $0x7FFFFFFF  }
tec
execute0_lowered:
.L_overlay_start_1:
0x0: {  	(tag) =	ssettag $0x1  }
0x1: {  	s0 =	rddreg [dreg:$0x0]  }
0x2: {  	s2 =	rddreg [dreg:$0x1]  }
0x3: {  	s3 =	srdreg.scid;
	s1 =	rddreg [dreg:$0x2]  }
0x4: {  	s15 =	stileid.u32;
	s17 =	rddreg [dreg:$0x4]  }
0x5: {  	s28 =	simm.s32 $0x7800;
	s29 =	simm.s32 $0x80;
	s30 =	simm.s32 $0xA580  }
0x6: {  	s31 =	simm.s32 $0xA980;
	s4 =	sand.u32 $0x1, s3;
	s7 =	smul.u32 $0x1400, s15  }
0x7: {  	s5 =	sshll.u32 s15, $0x1;
	s3 =	rddreg [dreg:$0x3];
	s10 =	smul.u32 $0x280, s15  }
0x8: {  	s25 =	sshll.u32 s15, $0x6;
	s22 =	sadd.s32 $0x16B00, s2;
	p0 =	seq.s32 s15, $0xF  }
0x9: {  	s15 =	simm.s32 $0xA000;
	s5 =	sor.u32 s4, s5;
	s8 =	smul.u32 $0x2800, s4  }
0xa: {  	s12 =	ssub.s32 $0x2, s4;
	p1 =	sne.s32 s4, $0x0;
	s4 =	simm.s32 $0xAD80  }
0xb: {  	s6 =	smul.u32 $0x500, s5;
	s5 =	simm.s32 $0x0;
	s9 =	sshrl.u32 s7, $0x3  }
0xc: {  	s14 =	sshrl.u32 s10, $0x3;
	s24 =	sshrl.u32 s12, $0x1;
	s18 =	sadd.s32 s7, s1  }
0xd: {  	s7 =	sadd.s32 s7, s3;
	s23 =	sadd.s32 s10, s17;
	[smem:$0x7FF] =	sst s5  }
0xe: {  	s11 =	sadd.s32 s9, s2;
	s13 =	sadd.s32 s8, s2;
	s16 =	sadd.s32 s14, s2  }
0xf: {  	s26 =	sadd.s32 s0, s9;
	_ =	strace $0x8000004A;
	[dreg:$0x6] =	wrdreg s18  }
0x10: {  	s12 =	ssub.s32 s12, s24;
	s0 =	sadd.s32 $0x2580, s0;
	[dreg:$0x8] =	wrdreg s26  }
0x11: {  	s8 =	sor.u32 $0x1C05, s25;
	s6 =	sadd.s32 s6, s2;
	[dreg:$0x9] =	wrdreg s0  }
0x12: {  	s11 =	sadd.s32 $0x21000, s11;
	s21 =	sadd.s32 $0x16600, s16;
	[dreg:$0xe] =	wrdreg s23  }
0x13: {  	s24 =	sadd.s32 $0x16000, s16;
	s25 =	sadd.s32 $0x23800, s13;
	[dreg:$0x7] =	wrdreg s11  }
0x14: {  	s26 =	smax.u32 s12, $0x1;
	s2 =	simm.s32 $0x1;
	[dreg:$0xd] =	wrdreg s21  }
0x15: {  	s0 =	simm.s32 $0xA500;
	s23 =	simm.s32 $0x4;
	[dreg:$0xf] =	wrdreg s24  }
0x16: {  	s11 =	sadd.s32 $0x12C00, s3;
	s18 =	sadd.s32 $0x17000, s6;
	[dreg:$0x10] =	wrdreg s26  }
0x17: {  	s19 =	sadd.s32 $0xC000, s6;
	s20 =	sadd.s32 $0x2000, s6;
	[dreg:$0xa] =	wrdreg s18  }
0x18: {  	s21 =	sadd.s32 s14, s22;
	s24 =	sadd.s32 s9, s25;
	[dreg:$0xb] =	wrdreg s19  }
0x19: {  	s22 =	simm.s32 $0x2;
	s26 =	simm.s32 $0xB180;
	[dreg:$0xc] =	wrdreg s20  }
0x1a: {  	v1 =	vlaneseq.u32;
	s18 =	simm.s32 $0x5;
	s6 =	sshrl.u32 @p0 s11, $0x3;
	s20 =	sshrl.u32 @!p0 s7, $0x3  }
0x1b: {  	v0 =	vshrl.u32 v1, $0x3;
	v1 =	vand.u32 $0x7, v1;
	s7 =	simm.s32 $0x0;
	[dreg:$0x11] =	wrdreg s6;
	s6 =	simm.s32 $0x3  }
.LBB2_1:
0x1c: {  	s9 =	rddreg [dreg:$0x6]  }
0x1d: {  	s10 =	rddreg [dreg:$0x7];
	s9 =	sshrl.u32 s9, $0x3  }
0x1e: {  	[spmem:s9], [sflag:s8] =	dma.local [hbm:s10], $0x280  }
0x1f: {  	_ =	swait.ge [sflag:s18], $0x280  }
0x20: {  	[sflag:s18] =	ssyncset.done $0x0;
	s10 =	rddreg [dreg:$0x9]  }
0x21: {  	s11 =	rddreg [dreg:$0x11];
	[sflag:s18] =	ssyncadd.s32 $0xFFFFFD80  }
0x22: {  	[spmem:s11], [sflag:s8] =	dma.local @p0 [hbm:s10], $0x190  }
0x23: {  	s10 =	simm.s32 @p0 $0x5  }
0x24: {  	_ =	swait.ge @p0 [sflag:s10], $0x190  }
0x25: {  	[sflag:s10] =	ssyncset.done @p0 $0x0  }
0x26: {  	[sflag:s10] =	ssyncadd.s32 @p0 $0xFFFFFE70;
	s10 =	rddreg [dreg:$0x8]  }
0x27: {  	[spmem:s20], [sflag:s8] =	dma.local @!p0 [hbm:s10], $0x280  }
0x28: {  	s10 =	simm.s32 @!p0 $0x5  }
0x29: {  	_ =	swait.ge @!p0 [sflag:s10], $0x280  }
0x2a: {  	[sflag:s10] =	ssyncset.done @!p0 $0x0  }
0x2b: {  	s17 =	rddreg [dreg:$0xa];
	[sflag:s10] =	ssyncadd.s32 @!p0 $0xFFFFFD80  }
0x2c: {  	[tilespmem:s5], [sflag:$0x5] =	stream.linear.gather [hbm4b:s17+s5], $0x2800, $0x38;
	[tilespmem:$0xDF88] =	vst v63  }
0x2d: {  	_ =	swait.ge [sflag:s18], $0x2800  }
0x2e: {  	[sflag:s18] =	ssyncset.done $0x0  }
0x2f: {  	s25 =	simm.s32 $0x2800;
	s19 =	rddreg [dreg:$0xb];
	[sflag:s18] =	ssyncadd.s32 $0xFFFFD800  }
0x30: {  	[tilespmem:s25], [sflag:$0x5] =	stream.linear.gather [hbm4b:s19+s5], $0x2800, $0x38;
	[tilespmem:$0xDF88] =	vst v63  }
0x31: {  	_ =	swait.ge [sflag:s18], $0x2800  }
0x32: {  	[sflag:s18] =	ssyncset.done $0x0  }
0x33: {  	s13 =	simm.s32 $0x5000;
	s12 =	rddreg [dreg:$0xc];
	[sflag:s18] =	ssyncadd.s32 $0xFFFFD800  }
0x34: {  	[tilespmem:s13], [sflag:$0x5] =	stream.linear.gather [hbm4b:s12+s5], $0x2800, $0x38;
	[tilespmem:$0xDF88] =	vst v63  }
0x35: {  	_ =	swait.ge [sflag:s18], $0x2800  }
0x36: {  	[sflag:s18] =	ssyncset.done $0x0  }
0x37: {  	s14 =	rddreg [dreg:$0xd];
	[sflag:s18] =	ssyncadd.s32 $0xFFFFD800  }
0x38: {  	[tilespmem:s15], [sflag:$0x5] =	stream.linear.gather [hbm4b:s14+s5], $0x280, $0x38;
	[tilespmem:$0xDF88] =	vst v63  }
0x39: {  	_ =	swait.ge [sflag:s18], $0x280  }
0x3a: {  	[sflag:s18] =	ssyncset.done $0x0  }
0x3b: {  	s16 =	simm.s32 $0xA280;
	[sflag:s18] =	ssyncadd.s32 $0xFFFFFD80  }
0x3c: {  	[tilespmem:s16], [sflag:$0x5] =	stream.linear.gather [hbm4b:s21+s5], $0x280, $0x38;
	[tilespmem:$0xDF88] =	vst v63  }
0x3d: {  	_ =	swait.ge [sflag:s18], $0x280  }
0x3e: {  	[sflag:s18] =	ssyncset.done $0x0  }
0x3f: {  	s17 =	simm.s32 $0xA2A0;
	[sflag:s18] =	ssyncadd.s32 $0xFFFFFD80  }
0x40: {  	v2 =	vld [tilespmem:s17+$0xFFFFFFF0]  }
0x41: {  	s10 =	simm.s32 $0xA020;
	v3 =	vld [tilespmem:s17+$0xFFFFFFE0]  }
0x42: {  	v4 =	vld [tilespmem:s10+$0xFFFFFFE0]  }
0x43: {  	v5 =	vld [tilespmem:s10+$0x10]  }
0x44: {  	v7 =	vld [tilespmem:s10+$0xFFFFFFF0]  }
0x45: {  	v6 =	vld [tilespmem:s17+$0x10];
	_ =	sdelay $0x1  }
0x46: {  	v8 =	vld [tilespmem:s17+$0x0]  }
0x47: {  	v9 =	vld [tilespmem:s10+$0x0];
	v3 =	vadd.f32 v3, v4  }
0x48: {  	v2 =	vadd.f32 v2, v7  }
0x49: {  	v4 =	vadd.f32 v6, v5;
	v3 =	vadd.f32 $1.000000000e+00, v3  }
0x4a: {  	v2 =	vadd.f32 $1.000000000e+00, v2  }
0x4b: {  	s12 =	simm.s32 $0xA2E0;
	v5 =	vshra.s32 v3, $0x1;
	v13 =	vmul.f32 $5.000000000e-01, v3;
	v3 =	vadd.f32 $1.000000000e+00, v4  }
0x4c: {  	s11 =	simm.s32 $0xA060;
	v4 =	vadd.f32 v8, v9;
	v8 =	vld [tilespmem:s12+$0xFFFFFFE0];
	v15 =	vmul.f32 $5.000000000e-01, v2;
	v5 =	vsub.s32 $0x5F3759DF, v5  }
0x4d: {  	v7 =	vshra.s32 v3, $0x1;
	v14 =	vmul.f32 $5.000000000e-01, v3;
	v3 =	vshra.s32 v2, $0x1;
	v2 =	vld [tilespmem:s11+$0xFFFFFFE0]  }
0x4e: {  	v10 =	vld [tilespmem:s12+$0xFFFFFFF0];
	v6 =	vmul.f32 v5, v13;
	v7 =	vsub.s32 $0x5F3759DF, v7  }
0x4f: {  	v16 =	vld [tilespmem:s12+$0x0];
	v4 =	vadd.f32 $1.000000000e+00, v4;
	v11 =	vsub.s32 $0x5F3759DF, v3;
	v9 =	vmul.f32 v7, v14  }
0x50: {  	v17 =	vld [tilespmem:s11+$0x0];
	v6 =	vmul.f32 v5, v6;
	v12 =	vmul.f32 v11, v15  }
0x51: {  	v18 =	vld [tilespmem:s11+$0x10];
	v3 =	vmul.f32 $5.000000000e-01, v4;
	v4 =	vshra.s32 v4, $0x1;
	v9 =	vmul.f32 v7, v9  }
0x52: {  	v20 =	vld [tilespmem:s11+$0xFFFFFFF0];
	v6 =	vsub.f32 $1.500000000e+00, v6;
	v12 =	vmul.f32 v11, v12;
	v2 =	vadd.f32 v8, v2  }
0x53: {  	v19 =	vsub.s32 $0x5F3759DF, v4;
	v8 =	vld [tilespmem:s12+$0x10];
	v9 =	vsub.f32 $1.500000000e+00, v9  }
0x54: {  	v21 =	vmul.f32 v5, v6;
	v4 =	vsub.f32 $1.500000000e+00, v12;
	v2 =	vadd.f32 $1.000000000e+00, v2  }
0x55: {  	v5 =	vmul.f32 v19, v3;
	v9 =	vmul.f32 v7, v9;
	v7 =	vadd.f32 v16, v17  }
0x56: {  	v6 =	vmul.f32 v21, v13;
	v11 =	vmul.f32 v11, v4;
	v16 =	vshra.s32 v2, $0x1  }
0x57: {  	v4 =	vmul.f32 $5.000000000e-01, v2;
	v12 =	vmul.f32 v9, v14;
	v7 =	vadd.f32 $1.000000000e+00, v7  }
0x58: {  	v17 =	vmul.f32 v11, v15;
	v2 =	vadd.f32 v8, v18;
	v8 =	vadd.f32 v10, v20  }
0x59: {  	v16 =	vsub.s32 $0x5F3759DF, v16;
	v18 =	vmul.f32 v19, v5;
	v6 =	vmul.f32 v6, v21  }
0x5a: {  	v5 =	vadd.f32 $1.000000000e+00, v2;
	v2 =	vmul.f32 $5.000000000e-01, v7;
	v8 =	vadd.f32 $1.000000000e+00, v8  }
0x5b: {  	s19 =	simm.s32 $0xA320;
	v10 =	vmul.f32 v17, v11;
	v17 =	vmul.f32 v16, v4;
	v7 =	vshra.s32 v7, $0x1  }
0x5c: {  	v24 =	vld [tilespmem:s19+$0xFFFFFFE0];
	v12 =	vmul.f32 v12, v9;
	v25 =	vsub.f32 $1.500000000e+00, v6;
	v20 =	vshra.s32 v5, $0x1  }
0x5d: {  	s25 =	simm.s32 $0xA0A0;
	v28 =	vld [tilespmem:s19+$0x0];
	v5 =	vmul.f32 $5.000000000e-01, v5;
	v22 =	vshra.s32 v8, $0x1;
	v6 =	vmul.f32 $5.000000000e-01, v8  }
0x5e: {  	v8 =	vsub.f32 $1.500000000e+00, v10;
	v29 =	vmul.f32 v25, v21;
	v21 =	vld [tilespmem:s25+$0x0];
	v20 =	vsub.s32 $0x5F3759DF, v20  }
0x5f: {  	v26 =	vld [tilespmem:s25+$0xFFFFFFE0];
	v17 =	vmul.f32 v16, v17;
	v22 =	vsub.s32 $0x5F3759DF, v22;
	v23 =	vmul.f32 v20, v5  }
0x60: {  	v7 =	vsub.s32 $0x5F3759DF, v7;
	v27 =	vmul.f32 v22, v6;
	v8 =	vmul.f32 v8, v11  }
0x61: {  	v12 =	vsub.f32 $1.500000000e+00, v12;
	v13 =	vmul.f32 v29, v13;
	v10 =	vmul.f32 v20, v23  }
0x62: {  	v17 =	vsub.f32 $1.500000000e+00, v17;
	v23 =	vmul.f32 v7, v2;
	v27 =	vmul.f32 v22, v27  }
0x63: {  	v13 =	vmul.f32 v13, v29;
	v15 =	vmul.f32 v8, v15;
	v21 =	vadd.f32 v28, v21  }
0x64: {  	v25 =	vld [tilespmem:s19+$0xFFFFFFF0];
	v11 =	vsub.f32 $1.500000000e+00, v10;
	v10 =	vmul.f32 v12, v9;
	v9 =	vadd.f32 v24, v26  }
0x65: {  	v12 =	vmul.f32 v16, v17;
	v16 =	vld [tilespmem:s25+$0x10];
	v17 =	vsub.f32 $1.500000000e+00, v18;
	v18 =	vsub.f32 $1.500000000e+00, v27  }
0x66: {  	v24 =	vld [tilespmem:s19+$0x10];
	v13 =	vsub.f32 $1.500000000e+00, v13;
	v33 =	vmul.f32 v15, v8;
	v11 =	vmul.f32 v20, v11  }
0x67: {  	v26 =	vld [tilespmem:s25+$0xFFFFFFF0];
	v27 =	vmul.f32 v12, v4;
	v9 =	vadd.f32 $1.000000000e+00, v9;
	v18 =	vmul.f32 v22, v18  }
0x68: {  	v20 =	vmul.f32 v19, v17;
	v22 =	vadd.f32 $1.000000000e+00, v21;
	v21 =	vmul.f32 v10, v14  }
0x69: {  	v19 =	vmul.f32 v7, v23;
	v29 =	vmul.f32 v13, v29  }
0x6a: {  	v30 =	vmul.f32 v11, v5;
	v17 =	vshra.s32 v9, $0x1;
	v9 =	vmul.f32 $5.000000000e-01, v9  }
0x6b: {  	v28 =	vmul.f32 v18, v6;
	v23 =	vmul.f32 v20, v3  }
0x6c: {  	v32 =	vmul.f32 v27, v12;
	v14 =	vadd.f32 v24, v16;
	v16 =	vadd.f32 v25, v26  }
0x6d: {  	v17 =	vsub.s32 $0x5F3759DF, v17;
	v26 =	vmul.f32 v28, v18;
	v23 =	vmul.f32 v23, v20  }
0x6e: {  	v28 =	vmul.f32 v30, v11;
	v24 =	vadd.f32 $1.000000000e+00, v14;
	v25 =	vadd.f32 $1.000000000e+00, v16  }
0x6f: {  	v14 =	vmul.f32 $5.000000000e-01, v22;
	v16 =	vmul.f32 v17, v9;
	v22 =	vshra.s32 v22, $0x1  }
0x70: {  	[tilespmem:s10+$0xFFFFFFE0] =	vst v29;
	v29 =	vsub.f32 $1.500000000e+00, v32;
	v15 =	vsub.s32 $0x5F3759DF, v22;
	v13 =	vshra.s32 v24, $0x1  }
0x71: {  	v16 =	vmul.f32 v17, v16;
	v22 =	vsub.s32 $0x5F3759DF, v13;
	v13 =	vmul.f32 $5.000000000e-01, v24  }
0x72: {  	v31 =	vsub.f32 $1.500000000e+00, v23;
	v23 =	vsub.f32 $1.500000000e+00, v33;
	v27 =	vshra.s32 v25, $0x1  }
0x73: {  	s13 =	simm.s32 $0xA0E0;
	s14 =	simm.s32 $0xA360;
	s12 =	simm.s32 $0x8;
	v24 =	vsub.f32 $1.500000000e+00, v16;
	v16 =	vmul.f32 v15, v14;
	v30 =	vmul.f32 v22, v13  }
.LBB2_2:
0x74: {  	v32 =	vld [tilespmem:s14+$0xFFFFFFF0];
	s12 =	sadd.s32 $0x4, s12;
	v25 =	vmul.f32 $5.000000000e-01, v25;
	v26 =	vsub.f32 $1.500000000e+00, v26;
	v31 =	vmul.f32 v31, v20  }
0x75: {  	v27 =	vsub.s32 $0x5F3759DF, v27;
	v21 =	vmul.f32 v21, v10;
	v20 =	vld [tilespmem:s14+$0xFFFFFFE0];
	p2 =	slt.u32 s12, $0x24;
	v30 =	vmul.f32 v22, v30  }
0x76: {  	v33 =	vld [tilespmem:s13+$0xFFFFFFE0];
	v34 =	vmul.f32 v27, v25;
	v18 =	vmul.f32 v26, v18;
	v26 =	vsub.f32 $1.500000000e+00, v28  }
0x77: {  	v29 =	vmul.f32 v29, v12;
	v35 =	vmul.f32 v31, v3;
	v3 =	vmovc v2;
	v2 =	vmovc v14;
	v28 =	vld [tilespmem:s14+$0x0];
	v30 =	vsub.f32 $1.500000000e+00, v30  }
0x78: {  	v21 =	vsub.f32 $1.500000000e+00, v21;
	v14 =	vld [tilespmem:s13+$0x0];
	v34 =	vmul.f32 v27, v34;
	v26 =	vmul.f32 v26, v11  }
0x79: {  	v12 =	vmul.f32 v17, v24;
	v17 =	vsub.f32 $1.500000000e+00, v19;
	v19 =	vmul.f32 v35, v31;
	v36 =	vld [tilespmem:s13+$0xFFFFFFF0]  }
0x7a: {  	v21 =	vmul.f32 v21, v10;
	v11 =	vmul.f32 v22, v30;
	v24 =	vld [tilespmem:s13+$0x10];
	v10 =	vmov v26  }
0x7b: {  	v30 =	vmul.f32 v29, v4;
	v4 =	vmovc v9;
	v26 =	vsub.f32 $1.500000000e+00, v34;
	v20 =	vadd.f32 v20, v33;
	v22 =	vld [tilespmem:s14+$0x10]  }
0x7c: {  	v9 =	vmul.f32 v23, v8;
	v8 =	vmovc v18;
	v19 =	vsub.f32 $1.500000000e+00, v19;
	v33 =	vmul.f32 v12, v4;
	[tilespmem:s10+$0x10] =	vst v21  }
0x7d: {  	v23 =	vmul.f32 v11, v13;
	v30 =	vmul.f32 v30, v29;
	v21 =	vadd.f32 $1.000000000e+00, v20  }
0x7e: {  	v18 =	vmul.f32 v27, v26;
	v14 =	vadd.f32 v28, v14;
	v20 =	vmul.f32 v7, v17;
	[tilespmem:s10+$0xFFFFFFF0] =	vst v9  }
0x7f: {  	v19 =	vmul.f32 v19, v31;
	v7 =	vmovc v15;
	v17 =	vshra.s32 v21, $0x1;
	v9 =	vmul.f32 $5.000000000e-01, v21  }
0x80: {  	v26 =	vmul.f32 v18, v25;
	v15 =	vadd.f32 $1.000000000e+00, v14;
	v21 =	vmul.f32 v10, v5;
	v5 =	vmovc v13  }
0x81: {  	v17 =	vsub.s32 $0x5F3759DF, v17;
	v13 =	vadd.f32 v22, v24;
	v22 =	vmul.f32 v8, v6;
	v6 =	vmovc v25;
	[tilespmem:s10+$0x0] =	vst v19;
	s10 =	smov.u32 s11;
	s11 =	smov.u32 s25;
	s25 =	smov.u32 s13  }
0x82: {  	v14 =	vadd.f32 v32, v36;
	v19 =	vmul.f32 v7, v16;
	v16 =	vmul.f32 v20, v3  }
0x83: {  	v32 =	vmul.f32 v33, v12;
	v24 =	vsub.f32 $1.500000000e+00, v30;
	v13 =	vadd.f32 $1.000000000e+00, v13  }
0x84: {  	v26 =	vmul.f32 v26, v18;
	v25 =	vadd.f32 $1.000000000e+00, v14;
	v14 =	vmul.f32 $5.000000000e-01, v15  }
0x85: {  	v28 =	vmul.f32 v17, v9;
	v15 =	vshra.s32 v15, $0x1;
	v33 =	vmul.f32 v22, v8  }
.Ltmp0:
0x86: {  	v15 =	vsub.s32 $0x5F3759DF, v15;
	v24 =	vmul.f32 v24, v29;
	v27 =	vshra.s32 v25, $0x1;
	(pc) =	sbr.rel @p2 .LBB2_2-.Ltmp0, $4  }
0x87: {  	v29 =	vmul.f32 v17, v28;
	v30 =	vmul.f32 v16, v20;
	v22 =	vshra.s32 v13, $0x1  }
0x88: {  	v28 =	vmul.f32 v23, v11;
	v13 =	vmul.f32 $5.000000000e-01, v13;
	v22 =	vsub.s32 $0x5F3759DF, v22;
	[tilespmem:s10+$0xFFFFFFE0] =	vst v24  }
0x89: {  	v16 =	vmul.f32 v15, v14;
	v31 =	vsub.f32 $1.500000000e+00, v30;
	v24 =	vsub.f32 $1.500000000e+00, v29  }
0x8a: {  	s14 =	sadd.s32 $0x40, s14;
	s13 =	sadd.s32 $0x40, s13;
	v23 =	vsub.f32 $1.500000000e+00, v33;
	v30 =	vmul.f32 v22, v13;
	v29 =	vsub.f32 $1.500000000e+00, v32  }
0x8b: {  	v25 =	vmul.f32 $5.000000000e-01, v25;
	v20 =	vmul.f32 v31, v20  }
0x8c: {  	v26 =	vsub.f32 $1.500000000e+00, v26;
	v21 =	vmul.f32 v21, v10;
	v17 =	vmul.f32 v17, v24  }
0x8d: {  	v27 =	vsub.s32 $0x5F3759DF, v27;
	v16 =	vmul.f32 v15, v16;
	v30 =	vmul.f32 v22, v30  }
0x8e: {  	v39 =	vsub.f32 $1.500000000e+00, v28;
	v12 =	vmul.f32 v29, v12;
	v8 =	vmul.f32 v23, v8  }
0x8f: {  	v19 =	vsub.f32 $1.500000000e+00, v19;
	v38 =	vmul.f32 v27, v25;
	v18 =	vmul.f32 v26, v18  }
0x90: {  	v3 =	vmul.f32 v20, v3;
	v11 =	vmul.f32 v39, v11  }
0x91: {  	v21 =	vsub.f32 $1.500000000e+00, v21;
	v24 =	vmul.f32 v17, v9;
	v7 =	vmul.f32 v7, v19  }
0x92: {  	v4 =	vmul.f32 v12, v4;
	v41 =	vmul.f32 v27, v38  }
0x93: {  	v16 =	vsub.f32 $1.500000000e+00, v16;
	v3 =	vmul.f32 v3, v20;
	v43 =	vmul.f32 v21, v10  }
0x94: {  	v40 =	vsub.f32 $1.500000000e+00, v30;
	v47 =	vmul.f32 v7, v2;
	v5 =	vmul.f32 v11, v5  }
0x95: {  	v6 =	vmul.f32 v18, v6;
	v24 =	vmul.f32 v24, v17  }
0x96: {  	v48 =	vmul.f32 v15, v16;
	v42 =	vmul.f32 v22, v40  }
0x97: {  	v4 =	vmul.f32 v4, v12;
	v44 =	vsub.f32 $1.500000000e+00, v41;
	v6 =	vmul.f32 v6, v18  }
0x98: {  	v3 =	vsub.f32 $1.500000000e+00, v3;
	v16 =	vmul.f32 v48, v14;
	v5 =	vmul.f32 v5, v11  }
0x99: {  	v45 =	vmul.f32 v42, v13;
	v46 =	vmul.f32 v27, v44  }
0x9a: {  	v50 =	vsub.f32 $1.500000000e+00, v24;
	v3 =	vmul.f32 v3, v20;
	v20 =	vmul.f32 v47, v7  }
0x9b: {  	v4 =	vsub.f32 $1.500000000e+00, v4;
	v16 =	vmul.f32 v16, v48;
	v21 =	vmul.f32 v46, v25  }
0x9c: {  	v17 =	vmul.f32 v50, v17;
	v49 =	vmul.f32 v45, v42;
	v20 =	vsub.f32 $1.500000000e+00, v20  }
0x9d: {  	v5 =	vsub.f32 $1.500000000e+00, v5;
	v4 =	vmul.f32 v4, v12;
	v21 =	vmul.f32 v21, v46  }
0x9e: {  	v16 =	vsub.f32 $1.500000000e+00, v16;
	v12 =	vsub.f32 $1.500000000e+00, v49;
	v7 =	vmul.f32 v20, v7  }
0x9f: {  	v5 =	vmul.f32 v5, v11;
	v51 =	vmul.f32 v17, v9;
	v21 =	vsub.f32 $1.500000000e+00, v21  }
0xa0: {  	v12 =	vmul.f32 v12, v42;
	v2 =	vmul.f32 v7, v2  }
0xa1: {  	v53 =	vmul.f32 v16, v48;
	v19 =	vmul.f32 v21, v46  }
0xa2: {  	[tilespmem:s10+$0xFFFFFFF0] =	vst v8;
	v52 =	vmul.f32 v12, v13;
	v2 =	vmul.f32 v2, v7  }
0xa3: {  	[tilespmem:s10+$0x10] =	vst v43;
	v6 =	vsub.f32 $1.500000000e+00, v6;
	v54 =	vmul.f32 v51, v17;
	v55 =	vmul.f32 v19, v25  }
0xa4: {  	[tilespmem:s10+$0x0] =	vst v3;
	v56 =	vmul.f32 v53, v14;
	v3 =	vmul.f32 v52, v12;
	v2 =	vsub.f32 $1.500000000e+00, v2  }
0xa5: {  	v57 =	vmul.f32 v6, v18;
	[tilespmem:s11+$0xFFFFFFE0] =	vst v4;
	v58 =	vsub.f32 $1.500000000e+00, v54;
	v59 =	vmul.f32 v55, v19  }
0xa6: {  	[tilespmem:s11+$0x10] =	vst v5;
	v60 =	vmul.f32 v56, v53;
	v3 =	vsub.f32 $1.500000000e+00, v3;
	v2 =	vmul.f32 v2, v7  }
0xa7: {  	[tilespmem:s11+$0xFFFFFFF0] =	vst v57;
	v61 =	vmul.f32 v58, v17;
	v62 =	vsub.f32 $1.500000000e+00, v59  }
0xa8: {  	[tilespmem:s11+$0x0] =	vst v2;
	v2 =	vmul.f32 v3, v12;
	v3 =	vsub.f32 $1.500000000e+00, v60  }
0xa9: {  	[tilespmem:s25+$0xFFFFFFE0] =	vst v61;
	v63 =	vmul.f32 v62, v19  }
0xaa: {  	[tilespmem:s25+$0x10] =	vst v2;
	v2 =	vmul.f32 v3, v53  }
0xab: {  	[tilespmem:s25+$0xFFFFFFF0] =	vst v63  }
0xac: {  	[tilespmem:s25+$0x0] =	vst v2  }
0xad: {  	s10 =	rddreg [dreg:$0xe]  }
0xae: {  	[spmem:s10] =	stream.linear.scatter [tilespmem:s15], [sflag:$0x5], $0x280, $0x38;
	[tilespmem:$0xDF88] =	vst v63  }
0xaf: {  	_ =	swait.ge [sflag:s18], $0x280  }
0xb0: {  	s11 =	simm.s32 @!p1 $0xA000;
	[sflag:s18] =	ssyncset.done $0x0  }
0xb1: {  	s10 =	simm.s32 @!p1 $0x0;
	s12 =	rddreg [dreg:$0xf];
	[sflag:s18] =	ssyncadd.s32 $0xFFFFFD80  }
0xb2: {  	[hbm4b:s12+s10] =	stream.linear.scatter @!p1 [tilespmem:s11], [sflag:$0x5], $0x280, $0x38;
	[tilespmem:$0xDF88] =	vst v63  }
0xb3: {  	s10 =	simm.s32 @!p1 $0x5  }
0xb4: {  	_ =	swait.ge @!p1 [sflag:s10], $0x280  }
0xb5: {  	[sflag:s10] =	ssyncset.done @!p1 $0x0  }
0xb6: {  	[sflag:s10] =	ssyncadd.s32 @!p1 $0xFFFFFD80  }
0xb7: {  	[bflag:$0x0] =	sbarrier.arrive $0xFFFF  }
0xb8: {  	s25 =	rddreg [dreg:$0x4]  }
0xb9: {  	[tilespmem:s28], [sflag:$0x5] =	stream.linear.gather [spmem:s25], $0x2800, $0x38;
	[tilespmem:$0xDF88] =	vst v63  }
0xba: {  	_ =	swait.ge [sflag:s18], $0x2800  }
0xbb: {  	[sflag:s18] =	ssyncset.done $0x0  }
0xbc: {  	s10 =	simm.s32 $0x0;
	[sflag:s18] =	ssyncadd.s32 $0xFFFFD800  }
0xbd: {  	[tilespmem:s30], [sflag:$0x1] =	stream.indirect.gather [spmem:s3], $0x8, s10, s29, $0xb8;
	[tilespmem:$0xDF88] =	vst v63  }
.LBB2_4:
0xbe: {  	s25 =	sshll.u32 s10, $0x8  }
0xbf: {  	s11 =	sor.u32 $0x80, s25  }
0xc0: {  	[tilespmem:s31], [sflag:$0x2] =	stream.indirect.gather [spmem:s3], $0x8, s11, s29, $0xb8;
	[tilespmem:$0xDF88] =	vst v63  }
0xc1: {  	_ =	swait.ge [sflag:s2], $0x400  }
0xc2: {  	p2 =	seq.s32 s10, $0x0;
	[sflag:s2] =	ssyncset.done $0x0  }
0xc3: {  	s12 =	simm.s32 @!p2 $0x3;
	[sflag:s2] =	ssyncadd.s32 $0xFFFFFC00  }
0xc4: {  	_ =	swait.ge @!p2 [sflag:s12], $0x400  }
0xc5: {  	[sflag:s12] =	ssyncset.done @!p2 $0x0  }
0xc6: {  	[sflag:s12] =	ssyncadd.s32 @!p2 $0xFFFFFC00  }
0xc7: {  	v2 =	vld [tilespmem:s25+$0x0]  }
0xc8: {  	s15 =	sor.u32 $0x10, s25;
	v3 =	vld [tilespmem:s25+$0x2800]  }
0xc9: {  	v4 =	vld [tilespmem:s15+$0x0]  }
0xca: {  	v5 =	vld [tilespmem:s25+$0x2810]  }
0xcb: {  	v6 =	vld [tilespmem:s25+$0x5000]  }
0xcc: {  	s16 =	sor.u32 $0x20, s25;
	v7 =	vld [tilespmem:s25+$0x5010]  }
0xcd: {  	v8 =	vld [tilespmem:s16+$0x0]  }
0xce: {  	s17 =	sor.u32 $0x30, s25;
	v9 =	vld [tilespmem:s25+$0x2820]  }
0xcf: {  	v10 =	vld [tilespmem:s17+$0x0]  }
0xd0: {  	v11 =	vld [tilespmem:s25+$0x2830]  }
0xd1: {  	s19 =	sor.u32 $0x40, s25;
	v12 =	vld [tilespmem:s25+$0x5020]  }
0xd2: {  	v13 =	vld [tilespmem:s19+$0x0]  }
0xd3: {  	v14 =	vld [tilespmem:s25+$0x2840]  }
0xd4: {  	v15 =	vld [tilespmem:s25+$0x5030]  }
0xd5: {  	s13 =	sor.u32 $0x50, s25;
	v16 =	vld [tilespmem:s25+$0x5040]  }
0xd6: {  	v17 =	vld [tilespmem:s13+$0x0]  }
0xd7: {  	s14 =	sor.u32 $0x60, s25;
	v18 =	vld [tilespmem:s25+$0x2850]  }
0xd8: {  	v19 =	vld [tilespmem:s14+$0x0]  }
0xd9: {  	v20 =	vld [tilespmem:s25+$0x5050]  }
0xda: {  	v22 =	vld [tilespmem:s25+$0x2860]  }
0xdb: {  	v23 =	vld [tilespmem:s25+$0x2870]  }
0xdc: {  	s15 =	sor.u32 $0x70, s25;
	v24 =	vld [tilespmem:s25+$0x5060]  }
0xdd: {  	v21 =	vld [tilespmem:s15+$0x0]  }
0xde: {  	v2 =	vld.idx.msk [tilespmem:v2+s28+$0x0], $0xffff  }
0xdf: {  	v3 =	vld.idx.msk [tilespmem:v3+s28+$0x0], $0xffff  }
0xe0: {  	v4 =	vld.idx.msk [tilespmem:v4+s28+$0x0], $0xffff  }
0xe1: {  	v5 =	vld.idx.msk [tilespmem:v5+s28+$0x0], $0xffff  }
0xe2: {  	v8 =	vld.idx.msk [tilespmem:v8+s28+$0x0], $0xffff  }
0xe3: {  	v9 =	vld.idx.msk [tilespmem:v9+s28+$0x0], $0xffff  }
0xe4: {  	v10 =	vld.idx.msk [tilespmem:v10+s28+$0x0], $0xffff  }
0xe5: {  	v11 =	vld.idx.msk [tilespmem:v11+s28+$0x0], $0xffff  }
0xe6: {  	v13 =	vld.idx.msk [tilespmem:v13+s28+$0x0], $0xffff  }
0xe7: {  	v14 =	vld.idx.msk [tilespmem:v14+s28+$0x0], $0xffff  }
0xe8: {  	v17 =	vld.idx.msk [tilespmem:v17+s28+$0x0], $0xffff  }
0xe9: {  	v18 =	vld.idx.msk [tilespmem:v18+s28+$0x0], $0xffff  }
0xea: {  	v2 =	vmul.f32 v2, v6;
	v6 =	vld.idx.msk [tilespmem:v19+s28+$0x0], $0xffff  }
0xeb: {  	v4 =	vmul.f32 v4, v7;
	v7 =	vld [tilespmem:s25+$0x5070]  }
0xec: {  	v2 =	vmul.f32 v3, v2;
	v3 =	vmul.f32 v8, v12;
	v8 =	vld.idx.msk [tilespmem:v21+s28+$0x0], $0xffff  }
0xed: {  	v4 =	vmul.f32 v5, v4;
	v5 =	vmul.f32 v10, v15;
	v10 =	vld.idx.msk [tilespmem:v22+s28+$0x0], $0xffff  }
0xee: {  	[tilespmem:$0xA500] =	vst v2;
	v2 =	vmul.f32 v9, v3;
	v3 =	vmul.f32 v13, v16;
	v9 =	vld.idx.msk [tilespmem:v23+s28+$0x0], $0xffff  }
0xef: {  	[tilespmem:$0xA510] =	vst v4;
	v4 =	vmul.f32 v11, v5;
	v5 =	vmul.f32 v17, v20  }
0xf0: {  	s16 =	simm.s32 $0xE;
	[tilespmem:$0xA520] =	vst v2;
	v2 =	vmul.f32 v14, v3;
	v3 =	vmul.f32 v6, v24  }
0xf1: {  	s14 =	simm.s32 $0xC;
	[tilespmem:$0xA530] =	vst v4;
	v4 =	vmul.f32 v18, v5;
	v6 =	vor.u32 s16, v0;
	v5 =	vmul.f32 v8, v7  }
0xf2: {  	s15 =	simm.s32 $0xA;
	v7 =	vor.u32 s14, v0;
	[tilespmem:$0xA540] =	vst v2;
	v2 =	vmul.f32 v10, v3  }
0xf3: {  	s13 =	simm.s32 $0x2;
	v12 =	vor.u32 s15, v0;
	[tilespmem:$0xA550] =	vst v4;
	v4 =	vmul.f32 v9, v5  }
0xf4: {  	v3 =	vor.u32 s13, v0;
	v5 =	vshll.u32 v7, $0x3;
	[tilespmem:$0xA560] =	vst v2  }
0xf5: {  	s17 =	simm.s32 $0x0;
	v5 =	vor.u32 v1, v5;
	[tilespmem:$0xA570] =	vst v4  }
0xf6: {  	v9 =	vshll.u32 v3, $0x3;
	v2 =	vor.u32 s17, v0;
	v16 =	vld.idx.msk [tilespmem:v6+s0+$0x0], $0xffff  }
0xf7: {  	s19 =	simm.s32 $0x4;
	s14 =	simm.s32 $0x8;
	v18 =	vor.u32 v1, v9;
	v7 =	vld.idx.msk [tilespmem:v7+s0+$0x0], $0xffff  }
0xf8: {  	v9 =	vor.u32 s14, v0;
	v4 =	vor.u32 s19, v0;
	v8 =	vshll.u32 v2, $0x3;
	v35 =	vld.idx.msk [tilespmem:v12+s0+$0x0], $0xffff  }
0xf9: {  	v15 =	vor.u32 v1, v8;
	v8 =	vshll.u32 v4, $0x3;
	v13 =	vld.idx.msk [tilespmem:v3+s0+$0x0], $0xffff  }
0xfa: {  	v11 =	vshll.u32 v9, $0x3;
	v19 =	vor.u32 v1, v8;
	v8 =	vld.idx.msk [tilespmem:v5+s30+$0x0], $0xffff  }
0xfb: {  	s19 =	simm.s32 $0x1C;
	v22 =	vor.u32 v1, v11;
	v17 =	vld.idx.msk [tilespmem:v2+s0+$0x0], $0xffff  }
0xfc: {  	v30 =	vor.u32 s19, v0;
	v23 =	vld.idx.msk [tilespmem:v18+s30+$0x0], $0xffff  }
0xfd: {  	s13 =	simm.s32 $0x6;
	v33 =	vld.idx.msk [tilespmem:v9+s0+$0x0], $0xffff  }
0xfe: {  	s16 =	simm.s32 $0x1E;
	v3 =	vor.u32 s13, v0;
	v21 =	vld.idx.msk [tilespmem:v4+s0+$0x0], $0xffff  }
0xff: {  	v28 =	vor.u32 s16, v0;
	s17 =	simm.s32 $0x12;
	v10 =	vshll.u32 v3, $0x3;
	v4 =	vshll.u32 v6, $0x3;
	v6 =	vld.idx.msk [tilespmem:v15+s30+$0x0], $0xffff  }
0x100: {  	v20 =	vor.u32 v1, v10;
	v2 =	vshll.u32 v12, $0x3;
	v10 =	vor.u32 s17, v0;
	v27 =	vld.idx.msk [tilespmem:v22+s30+$0x0], $0xffff  }
0x101: {  	s15 =	simm.s32 $0x14;
	v26 =	vor.u32 v1, v2;
	v2 =	vor.u32 v1, v4;
	v4 =	vshll.u32 v30, $0x3;
	v30 =	vld.idx.msk [tilespmem:v30+s0+$0x0], $0xffff  }
0x102: {  	v36 =	vor.u32 s15, v0;
	v24 =	vld.idx.msk [tilespmem:v19+s30+$0x0], $0xffff  }
0x103: {  	v32 =	vld.idx.msk [tilespmem:v3+s0+$0x0], $0xffff  }
0x104: {  	v3 =	vld.idx.msk [tilespmem:v28+s0+$0x0], $0xffff  }
0x105: {  	v25 =	vld.idx.msk [tilespmem:v20+s30+$0x0], $0xffff  }
0x106: {  	s14 =	simm.s32 $0x10;
	v11 =	vor.u32 v1, v4;
	v14 =	vld.idx.msk [tilespmem:v10+s0+$0x0], $0xffff  }
0x107: {  	v34 =	vor.u32 s14, v0;
	v23 =	vmul.f32 v13, v23;
	v13 =	vld.idx.msk [tilespmem:v36+s0+$0x0], $0xffff  }
0x108: {  	s16 =	simm.s32 $0x16;
	s17 =	simm.s32 $0x18;
	v9 =	vshll.u32 v10, $0x3;
	v7 =	vmul.f32 v7, v8;
	v8 =	vshll.u32 v34, $0x3;
	v29 =	vld.idx.msk [tilespmem:v26+s30+$0x0], $0xffff  }
0x109: {  	v4 =	vor.u32 s16, v0;
	v10 =	vor.u32 s17, v0;
	v8 =	vor.u32 v1, v8;
	v31 =	vld.idx.msk [tilespmem:v2+s30+$0x0], $0xffff  }
0x10a: {  	[tilespmem:v5+s4+$0x0] =	vst.idx.msk $0xffff, v7;
	v5 =	vshll.u32 v36, $0x3;
	v7 =	vor.u32 v1, v9;
	v17 =	vmul.f32 v17, v6  }
0x10b: {  	s19 =	simm.s32 $0x1A;
	v12 =	vshll.u32 v4, $0x3;
	v6 =	vshll.u32 v10, $0x3;
	[tilespmem:v18+s4+$0x0] =	vst.idx.msk $0xffff, v23;
	v9 =	vor.u32 v1, v5;
	v37 =	vld.idx.msk [tilespmem:v11+s30+$0x0], $0xffff  }
0x10c: {  	v5 =	vor.u32 v1, v12;
	v21 =	vmul.f32 v21, v24;
	[tilespmem:v15+s4+$0x0] =	vst.idx.msk $0xffff, v17;
	v15 =	vor.u32 s19, v0  }
0x10d: {  	v12 =	vld.idx.msk [tilespmem:v34+s0+$0x0], $0xffff;
	v6 =	vor.u32 v1, v6;
	v24 =	vmul.f32 v32, v25;
	v23 =	vshll.u32 v15, $0x3  }
0x10e: {  	[tilespmem:v19+s4+$0x0] =	vst.idx.msk $0xffff, v21;
	v21 =	vshll.u32 v28, $0x3;
	v17 =	vld.idx.msk [tilespmem:v8+s30+$0x0], $0xffff;
	v23 =	vor.u32 v1, v23  }
0x10f: {  	v25 =	vmul.f32 v33, v27;
	v21 =	vor.u32 v1, v21;
	v18 =	vld.idx.msk [tilespmem:v7+s30+$0x0], $0xffff  }
0x110: {  	v27 =	vmul.f32 v35, v29;
	[tilespmem:v20+s4+$0x0] =	vst.idx.msk $0xffff, v24;
	v19 =	vld.idx.msk [tilespmem:v9+s30+$0x0], $0xffff  }
0x111: {  	[tilespmem:v22+s4+$0x0] =	vst.idx.msk $0xffff, v25;
	v20 =	vld.idx.msk [tilespmem:v5+s30+$0x0], $0xffff;
	v25 =	vmul.f32 v30, v37  }
0x112: {  	s12 =	sadd.s32 $0x2800, s25;
	s14 =	simm.s32 $0x2E;
	s13 =	simm.s32 $0x8;
	v24 =	vmul.f32 v16, v31;
	v16 =	vmov v23;
	v22 =	vld.idx.msk [tilespmem:v6+s30+$0x0], $0xffff;
	[tilespmem:v26+s4+$0x0] =	vst.idx.msk $0xffff, v27  }
.LBB2_5:
0x113: {  	s15 =	sadd.s32 $0xFFFFFFF4, s14;
	s16 =	sadd.s32 $0xFFFFFFFE, s14;
	v26 =	vor.u32 s14, v0;
	s13 =	sadd.s32 $0x8, s13;
	v27 =	vld.idx.msk [tilespmem:v23+s30+$0x0], $0xffff;
	[tilespmem:v11+s4+$0x0] =	vst.idx.msk $0xffff, v25  }
0x114: {  	s17 =	sadd.s32 $0xFFFFFFF8, s14;
	v23 =	vor.u32 s15, v0;
	s15 =	sadd.s32 $0xFFFFFFF6, s14;
	v25 =	vor.u32 s16, v0;
	v28 =	vshll.u32 v26, $0x3;
	p3 =	slt.u32 s13, $0x38;
	v29 =	vld.idx.msk [tilespmem:v21+s30+$0x0], $0xffff;
	[tilespmem:v2+s4+$0x0] =	vst.idx.msk $0xffff, v24;
	v2 =	vmovc v21  }
0x115: {  	s19 =	sadd.s32 $0xFFFFFFFC, s14;
	s16 =	sadd.s32 $0xFFFFFFF2, s14;
	v24 =	vor.u32 s15, v0;
	s15 =	sadd.s32 $0xFFFFFFFA, s14;
	v11 =	vshll.u32 v25, $0x3;
	v30 =	vld.idx.msk [tilespmem:v4+s0+$0x0], $0xffff;
	v4 =	vor.u32 s17, v0  }
0x116: {  	v31 =	vor.u32 s16, v0;
	v11 =	vor.u32 v1, v11;
	v32 =	vld.idx.msk [tilespmem:v10+s0+$0x0], $0xffff;
	v10 =	vor.u32 s15, v0  }
0x117: {  	v33 =	vshll.u32 v23, $0x3;
	v21 =	vshll.u32 v31, $0x3;
	v34 =	vld.idx.msk [tilespmem:v15+s0+$0x0], $0xffff;
	v15 =	vor.u32 s19, v0  }
0x118: {  	v35 =	vshll.u32 v24, $0x3;
	v36 =	vshll.u32 v4, $0x3;
	v37 =	vshll.u32 v10, $0x3;
	v26 =	vld.idx.msk [tilespmem:v26+s0+$0x0], $0xffff  }
0x119: {  	v33 =	vor.u32 v1, v33;
	v38 =	vor.u32 v1, v21;
	v21 =	vshll.u32 v15, $0x3;
	v39 =	vld.idx.msk [tilespmem:v23+s0+$0x0], $0xffff  }
0x11a: {  	v35 =	vor.u32 v1, v35;
	v36 =	vor.u32 v1, v36;
	v37 =	vor.u32 v1, v37;
	v25 =	vld.idx.msk [tilespmem:v25+s0+$0x0], $0xffff  }
0x11b: {  	v17 =	vmul.f32 v12, v17;
	v23 =	vor.u32 v1, v21;
	v21 =	vor.u32 v1, v28;
	v40 =	vld.idx.msk [tilespmem:v11+s30+$0x0], $0xffff  }
0x11c: {  	v19 =	vmul.f32 v13, v19;
	v28 =	vmul.f32 v14, v18;
	v12 =	vld.idx.msk [tilespmem:v31+s0+$0x0], $0xffff  }
0x11d: {  	v20 =	vmul.f32 v30, v20;
	v22 =	vmul.f32 v32, v22;
	v13 =	vld.idx.msk [tilespmem:v24+s0+$0x0], $0xffff;
	[tilespmem:v8+s4+$0x0] =	vst.idx.msk $0xffff, v17  }
.Ltmp1:
0x11e: {  	v27 =	vmul.f32 v34, v27;
	v24 =	vmul.f32 v3, v29;
	v17 =	vld.idx.msk [tilespmem:v38+s30+$0x0], $0xffff;
	[tilespmem:v7+s4+$0x0] =	vst.idx.msk $0xffff, v28;
	(pc) =	sbr.rel @p3 .LBB2_5-.Ltmp1, $4  }
0x11f: {  	v3 =	vmovc v26;
	v8 =	vmov v38;
	v7 =	vmov v33;
	v14 =	vmov v39;
	v18 =	vld.idx.msk [tilespmem:v33+s30+$0x0], $0xffff;
	[tilespmem:v9+s4+$0x0] =	vst.idx.msk $0xffff, v19  }
0x120: {  	v9 =	vmov v35;
	v19 =	vld.idx.msk [tilespmem:v35+s30+$0x0], $0xffff;
	[tilespmem:v5+s4+$0x0] =	vst.idx.msk $0xffff, v20;
	v5 =	vmov v36  }
0x121: {  	v25 =	vmul.f32 v25, v40;
	v20 =	vld.idx.msk [tilespmem:v36+s30+$0x0], $0xffff;
	[tilespmem:v6+s4+$0x0] =	vst.idx.msk $0xffff, v22;
	v6 =	vmov v37  }
0x122: {  	s14 =	sadd.s32 $0x10, s14;
	v22 =	vld.idx.msk [tilespmem:v37+s30+$0x0], $0xffff;
	[tilespmem:v16+s4+$0x0] =	vst.idx.msk $0xffff, v27;
	v16 =	vmov v23  }
0x123: {  	_ =	sdelay $0x3  }
0x124: {  	v23 =	vld.idx.msk [tilespmem:v23+s30+$0x0], $0xffff  }
0x125: {  	v4 =	vld.idx.msk [tilespmem:v4+s0+$0x0], $0xffff  }
0x126: {  	v10 =	vld.idx.msk [tilespmem:v10+s0+$0x0], $0xffff  }
0x127: {  	[tilespmem:v11+s4+$0x0] =	vst.idx.msk $0xffff, v25;
	v61 =	vld.idx.msk [tilespmem:v15+s0+$0x0], $0xffff;
	v12 =	vmul.f32 v12, v17  }
0x128: {  	v62 =	vld.idx.msk [tilespmem:v21+s30+$0x0], $0xffff;
	[tilespmem:v2+s4+$0x0] =	vst.idx.msk $0xffff, v24;
	v2 =	vmul.f32 v14, v18  }
0x129: {  	v13 =	vmul.f32 v13, v19;
	[tilespmem:v8+s4+$0x0] =	vst.idx.msk $0xffff, v12  }
0x12a: {  	[tilespmem:v7+s4+$0x0] =	vst.idx.msk $0xffff, v2;
	v4 =	vmul.f32 v4, v20  }
0x12b: {  	p3 =	sne.s32 s10, $0x27;
	[tilespmem:v9+s4+$0x0] =	vst.idx.msk $0xffff, v13;
	v2 =	vmul.f32 v10, v22  }
.Ltmp2:
0x12c: {  	v63 =	vmul.f32 v61, v23;
	[tilespmem:v5+s4+$0x0] =	vst.idx.msk $0xffff, v4;
	(pc) =	sbr.rel @p3 .LBB2_8-.Ltmp2, $4  }
0x12d: {  	v3 =	vmul.f32 v3, v62;
	[tilespmem:v6+s4+$0x0] =	vst.idx.msk $0xffff, v2  }
0x12e: {  	[tilespmem:v16+s4+$0x0] =	vst.idx.msk $0xffff, v63  }
0x12f: {  	[tilespmem:v21+s4+$0x0] =	vst.idx.msk $0xffff, v3  }
0x130: {  	[spmem:s1] =	stream.indirect.scatter.add.f32 [tilespmem:s4], [sflag:$0x3], $0x8, s12, s29, $0xb8;
	[tilespmem:$0xDF88] =	vst v63  }
.Ltmp3:
0x131: {  	(pc) =	sbr.rel .LBB2_9-.Ltmp3, $4  }
0x132: {  	_ = 	snop  }
0x133: {  	_ =	swait.ge [sflag:s22], $0x400  }
0x134: {  	[sflag:s22] =	ssyncset.done $0x0  }
0x135: {  	[sflag:s22] =	ssyncadd.s32 $0xFFFFFC00  }
.LBB2_8:
0x136: {  	s12 =	sand.u32 $0x3FFFFF00, s25  }
.Ltmp4:
0x137: {  	s12 =	sadd.s32 $0x100, s12;
	(pc) =	sbr.rel @p2 .LBB2_10-.Ltmp4, $4  }
0x138: {  	[tilespmem:s30], [sflag:$0x1] =	stream.indirect.gather [spmem:s3], $0x8, s12, s29, $0xb8;
	[tilespmem:$0xDF88] =	vst v63  }
0x139: {  	_ =	swait.ge [sflag:s22], $0x400  }
0x13a: {  	[sflag:s22] =	ssyncset.done $0x0  }
0x13b: {  	[sflag:s22] =	ssyncadd.s32 $0xFFFFFC00  }
.LBB2_9:
0x13c: {  	_ =	swait.ge [sflag:s23], $0x400  }
0x13d: {  	[sflag:s23] =	ssyncset.done $0x0  }
0x13e: {  	[sflag:s23] =	ssyncadd.s32 $0xFFFFFC00  }
.LBB2_10:
0x13f: {  	v2 =	vld [tilespmem:s11+$0x0]  }
0x140: {  	v3 =	vld [tilespmem:s11+$0x2800]  }
0x141: {  	v5 =	vld [tilespmem:s25+$0x2890]  }
0x142: {  	v6 =	vld [tilespmem:s11+$0x5000]  }
0x143: {  	v7 =	vld [tilespmem:s25+$0x5090]  }
0x144: {  	v9 =	vld [tilespmem:s25+$0x28A0]  }
0x145: {  	v11 =	vld [tilespmem:s25+$0x28B0]  }
0x146: {  	v12 =	vld [tilespmem:s25+$0x50A0]  }
0x147: {  	v14 =	vld [tilespmem:s25+$0x28C0]  }
0x148: {  	v15 =	vld [tilespmem:s25+$0x50B0]  }
0x149: {  	v16 =	vld [tilespmem:s25+$0x50C0]  }
0x14a: {  	v18 =	vld [tilespmem:s25+$0x28D0]  }
0x14b: {  	v20 =	vld [tilespmem:s25+$0x50D0]  }
0x14c: {  	v22 =	vld [tilespmem:s25+$0x28E0]  }
0x14d: {  	v23 =	vld [tilespmem:s25+$0x28F0]  }
0x14e: {  	s12 =	sor.u32 $0x90, s25;
	v24 =	vld [tilespmem:s25+$0x50E0]  }
0x14f: {  	s17 =	sor.u32 $0xA0, s25;
	v4 =	vld [tilespmem:s12+$0x0]  }
0x150: {  	s19 =	sor.u32 $0xB0, s25;
	v8 =	vld [tilespmem:s17+$0x0]  }
0x151: {  	s13 =	sor.u32 $0xC0, s25;
	v10 =	vld [tilespmem:s19+$0x0]  }
0x152: {  	s14 =	sor.u32 $0xD0, s25;
	v13 =	vld [tilespmem:s13+$0x0]  }
0x153: {  	s15 =	sor.u32 $0xE0, s25;
	v17 =	vld [tilespmem:s14+$0x0]  }
0x154: {  	s16 =	sor.u32 $0xF0, s25;
	v19 =	vld [tilespmem:s15+$0x0]  }
0x155: {  	v21 =	vld [tilespmem:s16+$0x0]  }
0x156: {  	v2 =	vld.idx.msk [tilespmem:v2+s28+$0x0], $0xffff  }
0x157: {  	v3 =	vld.idx.msk [tilespmem:v3+s28+$0x0], $0xffff  }
0x158: {  	v5 =	vld.idx.msk [tilespmem:v5+s28+$0x0], $0xffff  }
0x159: {  	v9 =	vld.idx.msk [tilespmem:v9+s28+$0x0], $0xffff  }
0x15a: {  	v11 =	vld.idx.msk [tilespmem:v11+s28+$0x0], $0xffff  }
0x15b: {  	v14 =	vld.idx.msk [tilespmem:v14+s28+$0x0], $0xffff  }
0x15c: {  	v18 =	vld.idx.msk [tilespmem:v18+s28+$0x0], $0xffff  }
0x15d: {  	v4 =	vld.idx.msk [tilespmem:v4+s28+$0x0], $0xffff  }
0x15e: {  	v8 =	vld.idx.msk [tilespmem:v8+s28+$0x0], $0xffff  }
0x15f: {  	v10 =	vld.idx.msk [tilespmem:v10+s28+$0x0], $0xffff  }
0x160: {  	v13 =	vld.idx.msk [tilespmem:v13+s28+$0x0], $0xffff  }
0x161: {  	v17 =	vld.idx.msk [tilespmem:v17+s28+$0x0], $0xffff  }
0x162: {  	v2 =	vmul.f32 v2, v6;
	v6 =	vld.idx.msk [tilespmem:v19+s28+$0x0], $0xffff  }
0x163: {  	v4 =	vmul.f32 v4, v7;
	v7 =	vld [tilespmem:s25+$0x50F0]  }
0x164: {  	v2 =	vmul.f32 v3, v2;
	v3 =	vmul.f32 v8, v12;
	v8 =	vld.idx.msk [tilespmem:v21+s28+$0x0], $0xffff  }
0x165: {  	v4 =	vmul.f32 v5, v4;
	v5 =	vmul.f32 v10, v15;
	v10 =	vld.idx.msk [tilespmem:v22+s28+$0x0], $0xffff  }
0x166: {  	[tilespmem:$0xA500] =	vst v2;
	v2 =	vmul.f32 v9, v3;
	v3 =	vmul.f32 v13, v16;
	v9 =	vld.idx.msk [tilespmem:v23+s28+$0x0], $0xffff  }
0x167: {  	[tilespmem:$0xA510] =	vst v4;
	v4 =	vmul.f32 v11, v5;
	v5 =	vmul.f32 v17, v20  }
0x168: {  	s17 =	simm.s32 $0xE;
	[tilespmem:$0xA520] =	vst v2;
	v2 =	vmul.f32 v14, v3;
	v3 =	vmul.f32 v6, v24  }
0x169: {  	s14 =	simm.s32 $0xC;
	v6 =	vor.u32 s17, v0;
	[tilespmem:$0xA530] =	vst v4;
	v4 =	vmul.f32 v18, v5;
	v5 =	vmul.f32 v8, v7  }
0x16a: {  	s16 =	simm.s32 $0xA;
	v7 =	vor.u32 s14, v0;
	[tilespmem:$0xA540] =	vst v2;
	v2 =	vmul.f32 v10, v3  }
0x16b: {  	s13 =	simm.s32 $0x2;
	v12 =	vor.u32 s16, v0;
	[tilespmem:$0xA550] =	vst v4;
	v4 =	vmul.f32 v9, v5  }
0x16c: {  	v3 =	vor.u32 s13, v0;
	v5 =	vshll.u32 v7, $0x3;
	[tilespmem:$0xA560] =	vst v2  }
0x16d: {  	s19 =	simm.s32 $0x0;
	v5 =	vor.u32 v1, v5;
	[tilespmem:$0xA570] =	vst v4  }
0x16e: {  	v9 =	vshll.u32 v3, $0x3;
	v2 =	vor.u32 s19, v0;
	v16 =	vld.idx.msk [tilespmem:v6+s0+$0x0], $0xffff  }
0x16f: {  	s15 =	simm.s32 $0x8;
	s25 =	simm.s32 $0x4;
	v18 =	vor.u32 v1, v9;
	v7 =	vld.idx.msk [tilespmem:v7+s0+$0x0], $0xffff  }
0x170: {  	v9 =	vor.u32 s15, v0;
	v4 =	vor.u32 s25, v0;
	v8 =	vshll.u32 v2, $0x3;
	v35 =	vld.idx.msk [tilespmem:v12+s0+$0x0], $0xffff  }
0x171: {  	v15 =	vor.u32 v1, v8;
	v8 =	vshll.u32 v4, $0x3;
	v13 =	vld.idx.msk [tilespmem:v3+s0+$0x0], $0xffff  }
0x172: {  	v11 =	vshll.u32 v9, $0x3;
	v19 =	vor.u32 v1, v8;
	v8 =	vld.idx.msk [tilespmem:v5+s31+$0x0], $0xffff  }
0x173: {  	s25 =	simm.s32 $0x1C;
	v22 =	vor.u32 v1, v11;
	v17 =	vld.idx.msk [tilespmem:v2+s0+$0x0], $0xffff  }
0x174: {  	v30 =	vor.u32 s25, v0;
	v23 =	vld.idx.msk [tilespmem:v18+s31+$0x0], $0xffff  }
0x175: {  	s14 =	simm.s32 $0x6;
	v33 =	vld.idx.msk [tilespmem:v9+s0+$0x0], $0xffff  }
0x176: {  	s17 =	simm.s32 $0x1E;
	v3 =	vor.u32 s14, v0;
	v21 =	vld.idx.msk [tilespmem:v4+s0+$0x0], $0xffff  }
0x177: {  	v28 =	vor.u32 s17, v0;
	s19 =	simm.s32 $0x12;
	v10 =	vshll.u32 v3, $0x3;
	v4 =	vshll.u32 v6, $0x3;
	v6 =	vld.idx.msk [tilespmem:v15+s31+$0x0], $0xffff  }
0x178: {  	v20 =	vor.u32 v1, v10;
	v2 =	vshll.u32 v12, $0x3;
	v10 =	vor.u32 s19, v0;
	v27 =	vld.idx.msk [tilespmem:v22+s31+$0x0], $0xffff  }
0x179: {  	s16 =	simm.s32 $0x14;
	v26 =	vor.u32 v1, v2;
	v2 =	vor.u32 v1, v4;
	v4 =	vshll.u32 v30, $0x3;
	v30 =	vld.idx.msk [tilespmem:v30+s0+$0x0], $0xffff  }
0x17a: {  	v36 =	vor.u32 s16, v0;
	v24 =	vld.idx.msk [tilespmem:v19+s31+$0x0], $0xffff  }
0x17b: {  	v32 =	vld.idx.msk [tilespmem:v3+s0+$0x0], $0xffff  }
0x17c: {  	v3 =	vld.idx.msk [tilespmem:v28+s0+$0x0], $0xffff  }
0x17d: {  	v25 =	vld.idx.msk [tilespmem:v20+s31+$0x0], $0xffff  }
0x17e: {  	s15 =	simm.s32 $0x10;
	v11 =	vor.u32 v1, v4;
	v14 =	vld.idx.msk [tilespmem:v10+s0+$0x0], $0xffff  }
0x17f: {  	v34 =	vor.u32 s15, v0;
	v23 =	vmul.f32 v13, v23;
	v13 =	vld.idx.msk [tilespmem:v36+s0+$0x0], $0xffff  }
0x180: {  	s17 =	simm.s32 $0x16;
	s19 =	simm.s32 $0x18;
	v9 =	vshll.u32 v10, $0x3;
	v7 =	vmul.f32 v7, v8;
	v8 =	vshll.u32 v34, $0x3;
	v29 =	vld.idx.msk [tilespmem:v26+s31+$0x0], $0xffff  }
0x181: {  	v4 =	vor.u32 s17, v0;
	v10 =	vor.u32 s19, v0;
	v8 =	vor.u32 v1, v8;
	v31 =	vld.idx.msk [tilespmem:v2+s31+$0x0], $0xffff  }
0x182: {  	[tilespmem:v5+s26+$0x0] =	vst.idx.msk $0xffff, v7;
	v5 =	vshll.u32 v36, $0x3;
	v7 =	vor.u32 v1, v9;
	v17 =	vmul.f32 v17, v6  }
0x183: {  	s25 =	simm.s32 $0x1A;
	v12 =	vshll.u32 v4, $0x3;
	v6 =	vshll.u32 v10, $0x3;
	[tilespmem:v18+s26+$0x0] =	vst.idx.msk $0xffff, v23;
	v9 =	vor.u32 v1, v5;
	v37 =	vld.idx.msk [tilespmem:v11+s31+$0x0], $0xffff  }
0x184: {  	v5 =	vor.u32 v1, v12;
	v21 =	vmul.f32 v21, v24;
	[tilespmem:v15+s26+$0x0] =	vst.idx.msk $0xffff, v17;
	v15 =	vor.u32 s25, v0  }
0x185: {  	v12 =	vld.idx.msk [tilespmem:v34+s0+$0x0], $0xffff;
	v6 =	vor.u32 v1, v6;
	v24 =	vmul.f32 v32, v25;
	v23 =	vshll.u32 v15, $0x3  }
0x186: {  	[tilespmem:v19+s26+$0x0] =	vst.idx.msk $0xffff, v21;
	v21 =	vshll.u32 v28, $0x3;
	v17 =	vld.idx.msk [tilespmem:v8+s31+$0x0], $0xffff;
	v23 =	vor.u32 v1, v23  }
0x187: {  	v25 =	vmul.f32 v33, v27;
	v21 =	vor.u32 v1, v21;
	v18 =	vld.idx.msk [tilespmem:v7+s31+$0x0], $0xffff  }
0x188: {  	v27 =	vmul.f32 v35, v29;
	[tilespmem:v20+s26+$0x0] =	vst.idx.msk $0xffff, v24;
	v19 =	vld.idx.msk [tilespmem:v9+s31+$0x0], $0xffff  }
0x189: {  	[tilespmem:v22+s26+$0x0] =	vst.idx.msk $0xffff, v25;
	v20 =	vld.idx.msk [tilespmem:v5+s31+$0x0], $0xffff;
	v25 =	vmul.f32 v30, v37  }
0x18a: {  	s11 =	sadd.s32 $0x2800, s11;
	s12 =	simm.s32 $0x8;
	s13 =	simm.s32 $0x2E;
	v24 =	vmul.f32 v16, v31;
	v16 =	vmov v23;
	v22 =	vld.idx.msk [tilespmem:v6+s31+$0x0], $0xffff;
	[tilespmem:v26+s26+$0x0] =	vst.idx.msk $0xffff, v27  }
.LBB2_11:
0x18b: {  	s14 =	sadd.s32 $0xFFFFFFF4, s13;
	s15 =	sadd.s32 $0xFFFFFFFE, s13;
	v26 =	vor.u32 s13, v0;
	s12 =	sadd.s32 $0x8, s12;
	v27 =	vld.idx.msk [tilespmem:v23+s31+$0x0], $0xffff;
	[tilespmem:v11+s26+$0x0] =	vst.idx.msk $0xffff, v25  }
0x18c: {  	s16 =	sadd.s32 $0xFFFFFFF8, s13;
	v23 =	vor.u32 s14, v0;
	s14 =	sadd.s32 $0xFFFFFFF6, s13;
	v25 =	vor.u32 s15, v0;
	v28 =	vshll.u32 v26, $0x3;
	p2 =	slt.u32 s12, $0x38;
	v29 =	vld.idx.msk [tilespmem:v21+s31+$0x0], $0xffff;
	[tilespmem:v2+s26+$0x0] =	vst.idx.msk $0xffff, v24;
	v2 =	vmovc v21  }
0x18d: {  	s17 =	sadd.s32 $0xFFFFFFFC, s13;
	s15 =	sadd.s32 $0xFFFFFFF2, s13;
	v24 =	vor.u32 s14, v0;
	s14 =	sadd.s32 $0xFFFFFFFA, s13;
	v11 =	vshll.u32 v25, $0x3;
	v30 =	vld.idx.msk [tilespmem:v4+s0+$0x0], $0xffff;
	v4 =	vor.u32 s16, v0  }
0x18e: {  	v31 =	vor.u32 s15, v0;
	v11 =	vor.u32 v1, v11;
	v32 =	vld.idx.msk [tilespmem:v10+s0+$0x0], $0xffff;
	v10 =	vor.u32 s14, v0  }
0x18f: {  	v33 =	vshll.u32 v23, $0x3;
	v21 =	vshll.u32 v31, $0x3;
	v34 =	vld.idx.msk [tilespmem:v15+s0+$0x0], $0xffff;
	v15 =	vor.u32 s17, v0  }
0x190: {  	v35 =	vshll.u32 v24, $0x3;
	v36 =	vshll.u32 v4, $0x3;
	v37 =	vshll.u32 v10, $0x3;
	v26 =	vld.idx.msk [tilespmem:v26+s0+$0x0], $0xffff  }
0x191: {  	v33 =	vor.u32 v1, v33;
	v38 =	vor.u32 v1, v21;
	v21 =	vshll.u32 v15, $0x3;
	v39 =	vld.idx.msk [tilespmem:v23+s0+$0x0], $0xffff  }
0x192: {  	v35 =	vor.u32 v1, v35;
	v36 =	vor.u32 v1, v36;
	v37 =	vor.u32 v1, v37;
	v25 =	vld.idx.msk [tilespmem:v25+s0+$0x0], $0xffff  }
0x193: {  	v17 =	vmul.f32 v12, v17;
	v23 =	vor.u32 v1, v21;
	v21 =	vor.u32 v1, v28;
	v40 =	vld.idx.msk [tilespmem:v11+s31+$0x0], $0xffff  }
0x194: {  	v19 =	vmul.f32 v13, v19;
	v28 =	vmul.f32 v14, v18;
	v12 =	vld.idx.msk [tilespmem:v31+s0+$0x0], $0xffff  }
0x195: {  	v20 =	vmul.f32 v30, v20;
	v22 =	vmul.f32 v32, v22;
	v13 =	vld.idx.msk [tilespmem:v24+s0+$0x0], $0xffff;
	[tilespmem:v8+s26+$0x0] =	vst.idx.msk $0xffff, v17  }
.Ltmp5:
0x196: {  	v27 =	vmul.f32 v34, v27;
	v24 =	vmul.f32 v3, v29;
	v17 =	vld.idx.msk [tilespmem:v38+s31+$0x0], $0xffff;
	[tilespmem:v7+s26+$0x0] =	vst.idx.msk $0xffff, v28;
	(pc) =	sbr.rel @p2 .LBB2_11-.Ltmp5, $4  }
0x197: {  	v3 =	vmovc v26;
	v8 =	vmov v38;
	v7 =	vmov v33;
	v14 =	vmov v39;
	v18 =	vld.idx.msk [tilespmem:v33+s31+$0x0], $0xffff;
	[tilespmem:v9+s26+$0x0] =	vst.idx.msk $0xffff, v19  }
0x198: {  	v9 =	vmov v35;
	v19 =	vld.idx.msk [tilespmem:v35+s31+$0x0], $0xffff;
	[tilespmem:v5+s26+$0x0] =	vst.idx.msk $0xffff, v20;
	v5 =	vmov v36  }
0x199: {  	v25 =	vmul.f32 v25, v40;
	v20 =	vld.idx.msk [tilespmem:v36+s31+$0x0], $0xffff;
	[tilespmem:v6+s26+$0x0] =	vst.idx.msk $0xffff, v22;
	v6 =	vmov v37  }
0x19a: {  	s13 =	sadd.s32 $0x10, s13;
	v22 =	vld.idx.msk [tilespmem:v37+s31+$0x0], $0xffff;
	[tilespmem:v16+s26+$0x0] =	vst.idx.msk $0xffff, v27;
	v16 =	vmov v23  }
0x19b: {  	_ =	sdelay $0x3  }
0x19c: {  	v23 =	vld.idx.msk [tilespmem:v23+s31+$0x0], $0xffff  }
0x19d: {  	v4 =	vld.idx.msk [tilespmem:v4+s0+$0x0], $0xffff  }
0x19e: {  	v10 =	vld.idx.msk [tilespmem:v10+s0+$0x0], $0xffff  }
0x19f: {  	[tilespmem:v11+s26+$0x0] =	vst.idx.msk $0xffff, v25;
	v61 =	vld.idx.msk [tilespmem:v15+s0+$0x0], $0xffff;
	v12 =	vmul.f32 v12, v17  }
0x1a0: {  	v62 =	vld.idx.msk [tilespmem:v21+s31+$0x0], $0xffff;
	[tilespmem:v2+s26+$0x0] =	vst.idx.msk $0xffff, v24;
	v2 =	vmul.f32 v14, v18  }
0x1a1: {  	v13 =	vmul.f32 v13, v19;
	[tilespmem:v8+s26+$0x0] =	vst.idx.msk $0xffff, v12  }
0x1a2: {  	s10 =	sadd.s32 $0x1, s10;
	[tilespmem:v7+s26+$0x0] =	vst.idx.msk $0xffff, v2;
	v4 =	vmul.f32 v4, v20  }
0x1a3: {  	p2 =	sne.s32 s10, $0x28;
	[tilespmem:v9+s26+$0x0] =	vst.idx.msk $0xffff, v13;
	v2 =	vmul.f32 v10, v22  }
.Ltmp6:
0x1a4: {  	v63 =	vmul.f32 v61, v23;
	[tilespmem:v5+s26+$0x0] =	vst.idx.msk $0xffff, v4;
	(pc) =	sbr.rel @p2 .LBB2_4-.Ltmp6, $4  }
0x1a5: {  	v3 =	vmul.f32 v3, v62;
	[tilespmem:v6+s26+$0x0] =	vst.idx.msk $0xffff, v2  }
0x1a6: {  	[tilespmem:v16+s26+$0x0] =	vst.idx.msk $0xffff, v63  }
0x1a7: {  	[tilespmem:v21+s26+$0x0] =	vst.idx.msk $0xffff, v3  }
0x1a8: {  	[spmem:s1] =	stream.indirect.scatter.add.f32 [tilespmem:s26], [sflag:$0x4], $0x8, s11, s29, $0xb8;
	[tilespmem:$0xDF88] =	vst v63  }
0x1a9: {  	_ =	swait.ge [sflag:s6], $0x400  }
0x1aa: {  	[sflag:s6] =	ssyncset.done $0x0  }
0x1ab: {  	[sflag:s6] =	ssyncadd.s32 $0xFFFFFC00  }
0x1ac: {  	_ =	swait.ge [sflag:s23], $0x400  }
0x1ad: {  	[sflag:s23] =	ssyncset.done $0x0  }
0x1ae: {  	[sflag:s23] =	ssyncadd.s32 $0xFFFFFC00  }
0x1af: {  	[bflag:$0x0] =	sbarrier.arrive $0xFFFF  }
0x1b0: {  	[hbm:s24], [sflag:s8] =	dma.local [spmem:s9], $0x280  }
0x1b1: {  	_ =	swait.ge [sflag:s18], $0x280  }
0x1b2: {  	s7 =	sadd.s32 $0x1, s7;
	s25 =	rddreg [dreg:$0x10]  }
0x1b3: {  	p2 =	sne.s32 s7, s25  }
.Ltmp7:
0x1b4: {  	_ = 	snop;
	(pc) =	sbr.rel @p2 .LBB2_1-.Ltmp7, $3  }
0x1b5: {  	_ =	sdelay $0x1  }
0x1b6: {  	[sflag:s18] =	ssyncset.done $0x0  }
0x1b7: {  	s15 =	simm.s32 $0xA000;
	[sflag:s18] =	ssyncadd.s32 $0xFFFFFD80  }
0x1b8: {  	_ =	sfence.sel $0x180000  }
0x1b9: {  	[bflag:$0x0] =	sbarrier.arrive $0xFFFF  }
0x1ba: {  	_ =	strace $0x9000004A  }
0x1bb: {  	s0 =	stileid.u32;
	[bflag:$0x2] =	sbarrier.arrive $0xFFFF  }
0x1bc: {  	p0 =	sne.s32 s0, $0x0;
	s0 =	rddreg [dreg:$0x5]  }
0x1bd: {  	s0 =	sadd.s32 @!p0 $0x100000, s0  }
0x1be: {  	[sflag:s0] =	ssyncadd.tile.s32 @!p0 $0x1;
	_ =	shalt  }
.Lfunc_end2:
_tile_overlayer_lowered:
.L_overlay_start_2:
0x1bf: {  	(tag) =	ssettag $0x2  }
0x1c0: {  	s0 =	rddreg [dreg:$0x0];
	s2 =	stileid.u32  }
0x1c1: {  	s1 =	rddreg [dreg:$0x1];
	p0 =	sne.s32 s2, $0x0  }
0x1c2: {  	s3 =	rddreg [dreg:$0x2];
	[bflag:$0x3] =	sbarrier.arrive $0xFFFF;
	s2 =	simm.s32 @!p0 $0x1C05  }
0x1c3: {  	[timem:s3], [sflag:s2] =	dma.local @!p0 [hbm:s0], s1  }
0x1c4: {  	s0 =	simm.s32 @!p0 $0x5  }
0x1c5: {  	_ =	swait.ge @!p0 [sflag:s0], s1  }
0x1c6: {  	s1 =	ssub.s32 @!p0 $0x0, s1;
	[sflag:s0] =	ssyncset.done @!p0 $0x0  }
0x1c7: {  	[sflag:s0] =	ssyncadd.s32 @!p0 s1  }
0x1c8: {  	[bflag:$0x3] =	sbarrier.arrive $0xFFFF  }
0x1c9: {  	_ =	shalt  }

// kernel: kernel.14.cloned.1.call-start
scs
__scs_entry_jumppad:
0x0: {  	(pc) =	sbr.rel $0x88, $3  }
0x1: {  	(tag) =	ssettag $0x0;
	lr =	simm.s32 $0x1  }
0x2: {  	[smem:$0x3F9A] =	sst lr;
	_ =	strace $0xD0000000  }
0x3: {  	_ = 	snop  }
0x4: {  	_ = 	snop  }
0x5: {  	_ = 	snop  }
0x6: {  	_ = 	snop  }
0x7: {  	_ = 	snop  }
__scs_overlays_trampoline_lowered:
0x8: {  	[smem:$0x3FA9] =	sst s0  }
0x9: {  	[smem:$0x3FAA] =	sst s1  }
0xa: {  	[smem:$0x3FAB] =	sst s2  }
0xb: {  	[smem:$0x3FAC] =	sst s3  }
0xc: {  	[smem:$0x3FAD] =	sst s4  }
0xd: {  	[smem:$0x3FAE] =	sst s5  }
0xe: {  	[smem:$0x3FAF] =	sst s6  }
0xf: {  	[smem:$0x3FB0] =	sst s7  }
0x10: {  	[smem:$0x3FB1] =	sst s8  }
0x11: {  	[smem:$0x3FB2] =	sst s9;
	s0 =	simm.s32 @!p0 $0x0  }
0x12: {  	s1 =	sld [smem:$0x3F98];
	s0 =	simm.s32 @p0 $0x1  }
0x13: {  	[smem:$0x3FB3] =	sst s0;
	s0 =	simm.s32 @!p1 $0x0  }
0x14: {  	s2 =	sld [smem:$0x3F97];
	s0 =	simm.s32 @p1 $0x1  }
0x15: {  	[smem:$0x3FB4] =	sst s0;
	s0 =	simm.s32 @!p2 $0x0  }
0x16: {  	s3 =	sld [smem:$0x3FDB];
	s0 =	simm.s32 @p2 $0x1  }
0x17: {  	s4 =	simm.s32 $0x1BF5;
	[smem:$0x3FB6] =	sst s0  }
0x18: {  	s0 =	sld [smem:$0x3F99];
	_ =	swait.ge [sflag:s4], $0x0  }
0x19: {  	s7 =	sld [smem:$0x3F9A]  }
0x1a: {  	s8 =	sadd.s32 $0xFFFFE003, lr  }
0x1b: {  	s9 =	sadd.s32 $0xFFFFFEF7, lr;
	s5 =	simm.s32 $0xFFFFFFFF;
	p2 =	slt.u32 s8, $0xFFFFF086  }
0x1c: {  	p1 =	slt.u32 s9, $0xF7A;
	s5 =	simm.s32 @!p2 $0x0  }
0x1d: {  	s5 =	simm.s32 @p1 $0x1;
	p0 =	seq.s32 s7, s2  }
0x1e: {  	s7 =	smul.u32 @!p0 $0xF7A, s2;
	p2 =	seq.s32 @!p0 s5, $0x0  }
0x1f: {  	s9 =	smul.u32 $0xF7A, s1;
	s8 =	simm.s32 @!p0 $0x1BF5;
	p2 =	por !p2, p0  }
0x20: {  	[sflag:s8] =	ssyncset.s32 @!p0 $0xFFFFF086;
	s6 =	sadd.s32 @!p0 s3, s7;
	s7 =	simm.s32 @!p0 $0x108  }
0x21: {  	s3 =	sadd.s32 s3, s9;
	s6 =	sadd.s32 @!p0 $0x88, s6;
	s7 =	simm.s32 @p2 $0x1082  }
0x22: {  	[simem:s7], [sflag:s8] =	dma.local @!p0 [hbm:s6], $0xF7A  }
0x23: {  	s9 =	sor.u32 $0xD0000000, s2;
	s6 =	simm.s32 $0x108;
	_ =	swait.ge @!p0 [sflag:s8], $0x0  }
0x24: {  	s3 =	sadd.s32 $0x88, s3;
	s6 =	simm.s32 @!p1 $0x1082;
	[sflag:s4] =	ssyncset.s32 $0xFFFFF086  }
0x25: {  	[simem:s6], [sflag:s4] =	dma.local [hbm:s3], $0xF7A  }
0x26: {  	[smem:$0x3F9A] =	sst s1;
	(tag) =	ssettag s2;
	_ =	strace s9  }
0x27: {  	s1 =	sld [smem:$0x3FAA]  }
0x28: {  	s2 =	sld [smem:$0x3FAB]  }
0x29: {  	s4 =	sld [smem:$0x3FAD]  }
0x2a: {  	p0 =	seq.s32 s5, $0x0;
	s5 =	sld [smem:$0x3FAE]  }
0x2b: {  	s6 =	sld [smem:$0x3FAF]  }
0x2c: {  	s7 =	sld [smem:$0x3FB0]  }
0x2d: {  	s3 =	simm.s32 $0x108;
	s8 =	sld [smem:$0x3FB1]  }
0x2e: {  	s3 =	simm.s32 @!p0 $0x1082;
	s9 =	sld [smem:$0x3FB2]  }
0x2f: {  	lr =	sadd.s32 s0, s3;
	s0 =	sld [smem:$0x3FA9]  }
0x30: {  	s3 =	sld [smem:$0x3FAC]  }
0x31: {  	[smem:$0x3FB5] =	sst s10  }
0x32: {  	s10 =	sld [smem:$0x3FB3];
	_ =	sdelay $0x3  }
0x33: {  	p0 =	seq.s32 s10, $0x1;
	s10 =	sld [smem:$0x3FB5];
	_ =	sdelay $0x3  }
0x34: {  	[smem:$0x3FB5] =	sst s10  }
0x35: {  	s10 =	sld [smem:$0x3FB4];
	_ =	sdelay $0x3  }
0x36: {  	p1 =	seq.s32 s10, $0x1;
	s10 =	sld [smem:$0x3FB5];
	_ =	sdelay $0x3  }
0x37: {  	[smem:$0x3FB5] =	sst s10  }
0x38: {  	s10 =	sld [smem:$0x3FB6]  }
0x39: {  	_ = 	snop;
	(pc) =	sbr.ind lr, $3  }
0x3a: {  	_ = 	snop  }
0x3b: {  	_ = 	snop  }
0x3c: {  	p2 =	seq.s32 s10, $0x1;
	s10 =	sld [smem:$0x3FB5]  }
0x3d: {  	_ =	shalt  }
0x3e: {  	_ =	shalt  }
0x3f: {  	_ =	shalt  }
0x40: {  	_ =	shalt  }
0x41: {  	_ =	shalt  }
0x42: {  	_ =	shalt  }
0x43: {  	_ =	shalt  }
0x44: {  	_ =	shalt  }
0x45: {  	_ =	shalt  }
0x46: {  	_ =	shalt  }
0x47: {  	_ =	shalt  }
0x48: {  	_ =	shalt  }
0x49: {  	_ =	shalt  }
0x4a: {  	_ =	shalt  }
0x4b: {  	_ =	shalt  }
0x4c: {  	_ =	shalt  }
0x4d: {  	_ =	shalt  }
0x4e: {  	_ =	shalt  }
0x4f: {  	_ =	shalt  }
0x50: {  	_ =	shalt  }
0x51: {  	_ =	shalt  }
0x52: {  	_ =	shalt  }
0x53: {  	_ =	shalt  }
0x54: {  	_ =	shalt  }
0x55: {  	_ =	shalt  }
0x56: {  	_ =	shalt  }
0x57: {  	_ =	shalt  }
0x58: {  	_ =	shalt  }
0x59: {  	_ =	shalt  }
0x5a: {  	_ =	shalt  }
0x5b: {  	_ =	shalt  }
0x5c: {  	_ =	shalt  }
0x5d: {  	_ =	shalt  }
0x5e: {  	_ =	shalt  }
0x5f: {  	_ =	shalt  }
0x60: {  	_ =	shalt  }
0x61: {  	_ =	shalt  }
0x62: {  	_ =	shalt  }
0x63: {  	_ =	shalt  }
0x64: {  	_ =	shalt  }
0x65: {  	_ =	shalt  }
0x66: {  	_ =	shalt  }
0x67: {  	_ =	shalt  }
0x68: {  	_ =	shalt  }
0x69: {  	_ =	shalt  }
0x6a: {  	_ =	shalt  }
0x6b: {  	_ =	shalt  }
0x6c: {  	_ =	shalt  }
0x6d: {  	_ =	shalt  }
0x6e: {  	_ =	shalt  }
0x6f: {  	_ =	shalt  }
0x70: {  	_ =	shalt  }
0x71: {  	_ =	shalt  }
0x72: {  	_ =	shalt  }
0x73: {  	_ =	shalt  }
0x74: {  	_ =	shalt  }
0x75: {  	_ =	shalt  }
0x76: {  	_ =	shalt  }
0x77: {  	_ =	shalt  }
0x78: {  	_ =	shalt  }
0x79: {  	_ =	shalt  }
0x7a: {  	_ =	shalt  }
0x7b: {  	_ =	shalt  }
0x7c: {  	_ =	shalt  }
0x7d: {  	_ =	shalt  }
0x7e: {  	_ =	shalt  }
0x7f: {  	_ =	shalt  }
0x80: {  	_ =	shalt  }
0x81: {  	_ =	shalt  }
0x82: {  	_ =	shalt  }
0x83: {  	_ =	shalt  }
0x84: {  	_ =	shalt  }
0x85: {  	_ =	shalt  }
0x86: {  	_ =	shalt  }
0x87: {  	_ =	shalt  }
.Lfunc_end0:
.L_simem_size_0:
called_computation.2_lowered:
.L_overlay_start_0:
0x88: {  	s2 =	sld [smem:$0x3FD9]  }
0x89: {  	s3 =	sld [smem:$0x3FFE];
	_ =	sdelay $0x1  }
0x8a: {  	s1 =	srdreg.scid  }
0x8b: {  	s0 =	sand.u32 $0x1, s1  }
0x8c: {  	s17 =	sshll.u32 s0, $0xA;
	s2 =	sadd.s32 s3, s2  }
0x8d: {  	s2 =	sadd.s32 s2, s17  }
0x8e: {  	[smem:$0x3FC1] =	sst s2  }
0x8f: {  	_ = 	snop  }
0x90: {  	s2 =	sld [smem:$0x3FD0];
	(tm) =	ssettm $0x1  }
0x91: {  	s18 =	sld [smem:$0x3FFB];
	_ =	sdelay $0x3  }
0x92: {  	_ =	strace s18  }
0x93: {  	s3 =	sld [smem:$0x3FFC];
	_ =	sdelay $0x3  }
0x94: {  	_ =	strace s3  }
0x95: {  	s3 =	sld [smem:$0x3FFD];
	_ =	sdelay $0x3  }
0x96: {  	_ =	strace s3  }
0x97: {  	_ =	strace $0x8FFFFFFF  }
0x98: {  	s19 =	sld [smem:$0x3FDB];
	_ =	sdelay $0x1  }
0x99: {  	s4 =	simm.s32 $_scs_section_size  }
0x9a: {  	s5 =	simm.s32 $_size__tile_overlayer_lowered;
	s6 =	simm.s32 $_tile_overlayer_lowered  }
0x9b: {  	s22 =	simm.s32 $0x1BFF;
	s21 =	sshll.u32 s6, $0x1;
	s3 =	sadd.s32 s4, s19  }
0x9c: {  	s7 =	simm.s32 $0x0;
	s20 =	sshll.u32 s5, $0x1;
	s5 =	sadd.s32 s21, s3  }
0x9d: {  	[timem:s7], [sflag:s22] =	dma.local [hbm:s5], s20  }
0x9e: {  	_ =	swait.ge [sflag:s22], s20  }
0x9f: {  	s4 =	ssub.s32 $0x0, s20;
	[sflag:s22] =	ssyncset.done $0x0  }
0xa0: {  	[sflag:s22] =	ssyncadd.s32 s4;
	_ =	sdelay $0x1  }
0xa1: {  	s23 =	simm.s32 $0x1B8B  }
0xa2: {  	_ =	swait.ge [sflag:s23], $0x1  }
0xa3: {  	[sflag:s23] =	ssyncset.done $0x0  }
0xa4: {  	s25 =	simm.s32 $0x1B8E;
	s24 =	sld [smem:$0x3FFE];
	[sflag:s23] =	ssyncadd.s32 $0xFFFFFFFF  }
0xa5: {  	s26 =	simm.s32 $execute0_lowered;
	[smem:$0x3FD2] =	sst s25  }
0xa6: {  	s5 =	sshll.u32 s26, $0x1;
	_ =	strace $0x8000004C;
	[dreg:$0x1] =	wrdreg $0xFFFFFFFF  }
0xa7: {  	s28 =	simm.s32 $_size_execute0_lowered;
	s3 =	sadd.s32 s3, s5;
	[dreg:$0x0] =	wrdreg $0x0  }
0xa8: {  	s5 =	sshll.u32 s28, $0x1;
	[dreg:$0x2] =	wrdreg s3  }
0xa9: {  	[dreg:$0x3] =	wrdreg s5  }
0xaa: {  	[dreg:$0x4] =	wrdreg $0xC0  }
0xab: {  	_ =	task [dreg:s7], $0x5FFFF  }
0xac: {  	[dreg:$0x1] =	wrdreg $0xFFFFFFFF  }
0xad: {  	[dreg:$0x0] =	wrdreg $0x60  }
0xae: {  	[dreg:$0x2] =	wrdreg s2  }
0xaf: {  	[dreg:$0x3] =	wrdreg s24  }
0xb0: {  	[dreg:$0x4] =	wrdreg $0xC9080  }
0xb1: {  	[dreg:$0x5] =	wrdreg $0xB5800  }
0xb2: {  	[dreg:$0x6] =	wrdreg $0xDD080  }
0xb3: {  	[dreg:$0x7] =	wrdreg $0x9  }
0xb4: {  	_ =	task.clear_ibuf [dreg:s7], $0x8FFFF;
	_ =	strace $0x9000004C  }
0xb5: {  	s29 =	simm.s32 $0x9;
	_ =	strace $0x8000004E  }
0xb6: {  	_ =	swait.ge [sflag:s29], $0x1  }
0xb7: {  	[sflag:s29] =	ssyncadd.s32 $0xFFFFFFFF  }
0xb8: {  	_ =	strace $0x9000004E  }
0xb9: {  	_ =	sfence  }
0xba: {  	s30 =	sld [smem:$0x0];
	_ =	sdelay $0x2  }
0xbb: {  	s31 =	sshll.u32 s1, $0xD;
	s1 =	sshrl.u32 s1, $0x2  }
0xbc: {  	s3 =	sand.u32 $0x4000, s31;
	s1 =	sadd.s32 s1, s30  }
0xbd: {  	s0 =	sor.u32 s3, s0;
	s1 =	sshll.u32 s1, $0x11  }
0xbe: {  	s0 =	sor.u32 s1, s0  }
0xbf: {  	s0 =	sadd.s32 $0x8F2B, s0  }
0xc0: {  	[sflag:s0] =	ssyncadd.remote.s32 $0x1  }
0xc1: {  	_ =	sfence.sel $0xFFFF  }
0xc2: {  	[dreg:$0x0] =	wrdreg $0xFFFFFFFF;
	(pc) =	sbr.abs _section_cstart, $3  }
0xc3: {  	[dreg:$0x1] =	wrdreg $0xFFFFFFFF  }
0xc4: {  	_ =	task.clear_ibuf [dreg:s7], $0x2FFFF;
	_ =	strace $0x9FFFFFFF  }
0xc5: {  	(tm) =	ssettm $0x7FFFFFFF  }
tec
execute0_lowered:
.L_overlay_start_1:
0x0: {  	(tag) =	ssettag $0x1  }
0x1: {  	s0 =	rddreg [dreg:$0x0]  }
0x2: {  	s2 =	rddreg [dreg:$0x1]  }
0x3: {  	s3 =	srdreg.scid;
	s1 =	rddreg [dreg:$0x2]  }
0x4: {  	s15 =	stileid.u32;
	s17 =	rddreg [dreg:$0x4]  }
0x5: {  	s28 =	simm.s32 $0x7800;
	s29 =	simm.s32 $0x80;
	s30 =	simm.s32 $0xA580  }
0x6: {  	s31 =	simm.s32 $0xA980;
	s4 =	sand.u32 $0x1, s3;
	s7 =	smul.u32 $0x1400, s15  }
0x7: {  	s5 =	sshll.u32 s15, $0x1;
	s3 =	rddreg [dreg:$0x3];
	s10 =	smul.u32 $0x280, s15  }
0x8: {  	s25 =	sshll.u32 s15, $0x6;
	s22 =	sadd.s32 $0x16B00, s2;
	p0 =	seq.s32 s15, $0xF  }
0x9: {  	s15 =	simm.s32 $0xA000;
	s5 =	sor.u32 s4, s5;
	s8 =	smul.u32 $0x2800, s4  }
0xa: {  	s12 =	ssub.s32 $0x2, s4;
	p1 =	sne.s32 s4, $0x0;
	s4 =	simm.s32 $0xAD80  }
0xb: {  	s6 =	smul.u32 $0x500, s5;
	s5 =	simm.s32 $0x0;
	s9 =	sshrl.u32 s7, $0x3  }
0xc: {  	s14 =	sshrl.u32 s10, $0x3;
	s24 =	sshrl.u32 s12, $0x1;
	s18 =	sadd.s32 s7, s1  }
0xd: {  	s7 =	sadd.s32 s7, s3;
	s23 =	sadd.s32 s10, s17;
	[smem:$0x7FF] =	sst s5  }
0xe: {  	s11 =	sadd.s32 s9, s2;
	s13 =	sadd.s32 s8, s2;
	s16 =	sadd.s32 s14, s2  }
0xf: {  	s26 =	sadd.s32 s0, s9;
	_ =	strace $0x8000004D;
	[dreg:$0x6] =	wrdreg s18  }
0x10: {  	s12 =	ssub.s32 s12, s24;
	s0 =	sadd.s32 $0x2580, s0;
	[dreg:$0x8] =	wrdreg s26  }
0x11: {  	s8 =	sor.u32 $0x1C05, s25;
	s6 =	sadd.s32 s6, s2;
	[dreg:$0x9] =	wrdreg s0  }
0x12: {  	s11 =	sadd.s32 $0x21000, s11;
	s21 =	sadd.s32 $0x16600, s16;
	[dreg:$0xe] =	wrdreg s23  }
0x13: {  	s24 =	sadd.s32 $0x16000, s16;
	s25 =	sadd.s32 $0x23800, s13;
	[dreg:$0x7] =	wrdreg s11  }
0x14: {  	s26 =	smax.u32 s12, $0x1;
	s2 =	simm.s32 $0x1;
	[dreg:$0xd] =	wrdreg s21  }
0x15: {  	s0 =	simm.s32 $0xA500;
	s23 =	simm.s32 $0x4;
	[dreg:$0xf] =	wrdreg s24  }
0x16: {  	s11 =	sadd.s32 $0x12C00, s3;
	s18 =	sadd.s32 $0x17000, s6;
	[dreg:$0x10] =	wrdreg s26  }
0x17: {  	s19 =	sadd.s32 $0xC000, s6;
	s20 =	sadd.s32 $0x2000, s6;
	[dreg:$0xa] =	wrdreg s18  }
0x18: {  	s21 =	sadd.s32 s14, s22;
	s24 =	sadd.s32 s9, s25;
	[dreg:$0xb] =	wrdreg s19  }
0x19: {  	s22 =	simm.s32 $0x2;
	s26 =	simm.s32 $0xB180;
	[dreg:$0xc] =	wrdreg s20  }
0x1a: {  	v1 =	vlaneseq.u32;
	s18 =	simm.s32 $0x5;
	s6 =	sshrl.u32 @p0 s11, $0x3;
	s20 =	sshrl.u32 @!p0 s7, $0x3  }
0x1b: {  	v0 =	vshrl.u32 v1, $0x3;
	v1 =	vand.u32 $0x7, v1;
	s7 =	simm.s32 $0x0;
	[dreg:$0x11] =	wrdreg s6;
	s6 =	simm.s32 $0x3  }
.LBB2_1:
0x1c: {  	s9 =	rddreg [dreg:$0x6]  }
0x1d: {  	s10 =	rddreg [dreg:$0x7];
	s9 =	sshrl.u32 s9, $0x3  }
0x1e: {  	[spmem:s9], [sflag:s8] =	dma.local [hbm:s10], $0x280  }
0x1f: {  	_ =	swait.ge [sflag:s18], $0x280  }
0x20: {  	[sflag:s18] =	ssyncset.done $0x0;
	s10 =	rddreg [dreg:$0x9]  }
0x21: {  	s11 =	rddreg [dreg:$0x11];
	[sflag:s18] =	ssyncadd.s32 $0xFFFFFD80  }
0x22: {  	[spmem:s11], [sflag:s8] =	dma.local @p0 [hbm:s10], $0x190  }
0x23: {  	s10 =	simm.s32 @p0 $0x5  }
0x24: {  	_ =	swait.ge @p0 [sflag:s10], $0x190  }
0x25: {  	[sflag:s10] =	ssyncset.done @p0 $0x0  }
0x26: {  	[sflag:s10] =	ssyncadd.s32 @p0 $0xFFFFFE70;
	s10 =	rddreg [dreg:$0x8]  }
0x27: {  	[spmem:s20], [sflag:s8] =	dma.local @!p0 [hbm:s10], $0x280  }
0x28: {  	s10 =	simm.s32 @!p0 $0x5  }
0x29: {  	_ =	swait.ge @!p0 [sflag:s10], $0x280  }
0x2a: {  	[sflag:s10] =	ssyncset.done @!p0 $0x0  }
0x2b: {  	s17 =	rddreg [dreg:$0xa];
	[sflag:s10] =	ssyncadd.s32 @!p0 $0xFFFFFD80  }
0x2c: {  	[tilespmem:s5], [sflag:$0x5] =	stream.linear.gather [hbm4b:s17+s5], $0x2800, $0x38;
	[tilespmem:$0xDF88] =	vst v63  }
0x2d: {  	_ =	swait.ge [sflag:s18], $0x2800  }
0x2e: {  	[sflag:s18] =	ssyncset.done $0x0  }
0x2f: {  	s25 =	simm.s32 $0x2800;
	s19 =	rddreg [dreg:$0xb];
	[sflag:s18] =	ssyncadd.s32 $0xFFFFD800  }
0x30: {  	[tilespmem:s25], [sflag:$0x5] =	stream.linear.gather [hbm4b:s19+s5], $0x2800, $0x38;
	[tilespmem:$0xDF88] =	vst v63  }
0x31: {  	_ =	swait.ge [sflag:s18], $0x2800  }
0x32: {  	[sflag:s18] =	ssyncset.done $0x0  }
0x33: {  	s13 =	simm.s32 $0x5000;
	s12 =	rddreg [dreg:$0xc];
	[sflag:s18] =	ssyncadd.s32 $0xFFFFD800  }
0x34: {  	[tilespmem:s13], [sflag:$0x5] =	stream.linear.gather [hbm4b:s12+s5], $0x2800, $0x38;
	[tilespmem:$0xDF88] =	vst v63  }
0x35: {  	_ =	swait.ge [sflag:s18], $0x2800  }
0x36: {  	[sflag:s18] =	ssyncset.done $0x0  }
0x37: {  	s14 =	rddreg [dreg:$0xd];
	[sflag:s18] =	ssyncadd.s32 $0xFFFFD800  }
0x38: {  	[tilespmem:s15], [sflag:$0x5] =	stream.linear.gather [hbm4b:s14+s5], $0x280, $0x38;
	[tilespmem:$0xDF88] =	vst v63  }
0x39: {  	_ =	swait.ge [sflag:s18], $0x280  }
0x3a: {  	[sflag:s18] =	ssyncset.done $0x0  }
0x3b: {  	s16 =	simm.s32 $0xA280;
	[sflag:s18] =	ssyncadd.s32 $0xFFFFFD80  }
0x3c: {  	[tilespmem:s16], [sflag:$0x5] =	stream.linear.gather [hbm4b:s21+s5], $0x280, $0x38;
	[tilespmem:$0xDF88] =	vst v63  }
0x3d: {  	_ =	swait.ge [sflag:s18], $0x280  }
0x3e: {  	[sflag:s18] =	ssyncset.done $0x0  }
0x3f: {  	s17 =	simm.s32 $0xA2A0;
	[sflag:s18] =	ssyncadd.s32 $0xFFFFFD80  }
0x40: {  	v2 =	vld [tilespmem:s17+$0xFFFFFFF0]  }
0x41: {  	s10 =	simm.s32 $0xA020;
	v3 =	vld [tilespmem:s17+$0xFFFFFFE0]  }
0x42: {  	v4 =	vld [tilespmem:s10+$0xFFFFFFE0]  }
0x43: {  	v5 =	vld [tilespmem:s10+$0x10]  }
0x44: {  	v7 =	vld [tilespmem:s10+$0xFFFFFFF0]  }
0x45: {  	v6 =	vld [tilespmem:s17+$0x10];
	_ =	sdelay $0x1  }
0x46: {  	v8 =	vld [tilespmem:s17+$0x0]  }
0x47: {  	v9 =	vld [tilespmem:s10+$0x0];
	v3 =	vadd.f32 v3, v4  }
0x48: {  	v2 =	vadd.f32 v2, v7  }
0x49: {  	v4 =	vadd.f32 v6, v5;
	v3 =	vadd.f32 $1.000000000e+00, v3  }
0x4a: {  	v2 =	vadd.f32 $1.000000000e+00, v2  }
0x4b: {  	s12 =	simm.s32 $0xA2E0;
	v5 =	vshra.s32 v3, $0x1;
	v13 =	vmul.f32 $5.000000000e-01, v3;
	v3 =	vadd.f32 $1.000000000e+00, v4  }
0x4c: {  	s11 =	simm.s32 $0xA060;
	v4 =	vadd.f32 v8, v9;
	v8 =	vld [tilespmem:s12+$0xFFFFFFE0];
	v15 =	vmul.f32 $5.000000000e-01, v2;
	v5 =	vsub.s32 $0x5F3759DF, v5  }
0x4d: {  	v7 =	vshra.s32 v3, $0x1;
	v14 =	vmul.f32 $5.000000000e-01, v3;
	v3 =	vshra.s32 v2, $0x1;
	v2 =	vld [tilespmem:s11+$0xFFFFFFE0]  }
0x4e: {  	v10 =	vld [tilespmem:s12+$0xFFFFFFF0];
	v6 =	vmul.f32 v5, v13;
	v7 =	vsub.s32 $0x5F3759DF, v7  }
0x4f: {  	v16 =	vld [tilespmem:s12+$0x0];
	v4 =	vadd.f32 $1.000000000e+00, v4;
	v11 =	vsub.s32 $0x5F3759DF, v3;
	v9 =	vmul.f32 v7, v14  }
0x50: {  	v17 =	vld [tilespmem:s11+$0x0];
	v6 =	vmul.f32 v5, v6;
	v12 =	vmul.f32 v11, v15  }
0x51: {  	v18 =	vld [tilespmem:s11+$0x10];
	v3 =	vmul.f32 $5.000000000e-01, v4;
	v4 =	vshra.s32 v4, $0x1;
	v9 =	vmul.f32 v7, v9  }
0x52: {  	v20 =	vld [tilespmem:s11+$0xFFFFFFF0];
	v6 =	vsub.f32 $1.500000000e+00, v6;
	v12 =	vmul.f32 v11, v12;
	v2 =	vadd.f32 v8, v2  }
0x53: {  	v19 =	vsub.s32 $0x5F3759DF, v4;
	v8 =	vld [tilespmem:s12+$0x10];
	v9 =	vsub.f32 $1.500000000e+00, v9  }
0x54: {  	v21 =	vmul.f32 v5, v6;
	v4 =	vsub.f32 $1.500000000e+00, v12;
	v2 =	vadd.f32 $1.000000000e+00, v2  }
0x55: {  	v5 =	vmul.f32 v19, v3;
	v9 =	vmul.f32 v7, v9;
	v7 =	vadd.f32 v16, v17  }
0x56: {  	v6 =	vmul.f32 v21, v13;
	v11 =	vmul.f32 v11, v4;
	v16 =	vshra.s32 v2, $0x1  }
0x57: {  	v4 =	vmul.f32 $5.000000000e-01, v2;
	v12 =	vmul.f32 v9, v14;
	v7 =	vadd.f32 $1.000000000e+00, v7  }
0x58: {  	v17 =	vmul.f32 v11, v15;
	v2 =	vadd.f32 v8, v18;
	v8 =	vadd.f32 v10, v20  }
0x59: {  	v16 =	vsub.s32 $0x5F3759DF, v16;
	v18 =	vmul.f32 v19, v5;
	v6 =	vmul.f32 v6, v21  }
0x5a: {  	v5 =	vadd.f32 $1.000000000e+00, v2;
	v2 =	vmul.f32 $5.000000000e-01, v7;
	v8 =	vadd.f32 $1.000000000e+00, v8  }
0x5b: {  	s19 =	simm.s32 $0xA320;
	v10 =	vmul.f32 v17, v11;
	v17 =	vmul.f32 v16, v4;
	v7 =	vshra.s32 v7, $0x1  }
0x5c: {  	v24 =	vld [tilespmem:s19+$0xFFFFFFE0];
	v12 =	vmul.f32 v12, v9;
	v25 =	vsub.f32 $1.500000000e+00, v6;
	v20 =	vshra.s32 v5, $0x1  }
0x5d: {  	s25 =	simm.s32 $0xA0A0;
	v28 =	vld [tilespmem:s19+$0x0];
	v5 =	vmul.f32 $5.000000000e-01, v5;
	v22 =	vshra.s32 v8, $0x1;
	v6 =	vmul.f32 $5.000000000e-01, v8  }
0x5e: {  	v8 =	vsub.f32 $1.500000000e+00, v10;
	v29 =	vmul.f32 v25, v21;
	v21 =	vld [tilespmem:s25+$0x0];
	v20 =	vsub.s32 $0x5F3759DF, v20  }
0x5f: {  	v26 =	vld [tilespmem:s25+$0xFFFFFFE0];
	v17 =	vmul.f32 v16, v17;
	v22 =	vsub.s32 $0x5F3759DF, v22;
	v23 =	vmul.f32 v20, v5  }
0x60: {  	v7 =	vsub.s32 $0x5F3759DF, v7;
	v27 =	vmul.f32 v22, v6;
	v8 =	vmul.f32 v8, v11  }
0x61: {  	v12 =	vsub.f32 $1.500000000e+00, v12;
	v13 =	vmul.f32 v29, v13;
	v10 =	vmul.f32 v20, v23  }
0x62: {  	v17 =	vsub.f32 $1.500000000e+00, v17;
	v23 =	vmul.f32 v7, v2;
	v27 =	vmul.f32 v22, v27  }
0x63: {  	v13 =	vmul.f32 v13, v29;
	v15 =	vmul.f32 v8, v15;
	v21 =	vadd.f32 v28, v21  }
0x64: {  	v25 =	vld [tilespmem:s19+$0xFFFFFFF0];
	v11 =	vsub.f32 $1.500000000e+00, v10;
	v10 =	vmul.f32 v12, v9;
	v9 =	vadd.f32 v24, v26  }
0x65: {  	v12 =	vmul.f32 v16, v17;
	v16 =	vld [tilespmem:s25+$0x10];
	v17 =	vsub.f32 $1.500000000e+00, v18;
	v18 =	vsub.f32 $1.500000000e+00, v27  }
0x66: {  	v24 =	vld [tilespmem:s19+$0x10];
	v13 =	vsub.f32 $1.500000000e+00, v13;
	v33 =	vmul.f32 v15, v8;
	v11 =	vmul.f32 v20, v11  }
0x67: {  	v26 =	vld [tilespmem:s25+$0xFFFFFFF0];
	v27 =	vmul.f32 v12, v4;
	v9 =	vadd.f32 $1.000000000e+00, v9;
	v18 =	vmul.f32 v22, v18  }
0x68: {  	v20 =	vmul.f32 v19, v17;
	v22 =	vadd.f32 $1.000000000e+00, v21;
	v21 =	vmul.f32 v10, v14  }
0x69: {  	v19 =	vmul.f32 v7, v23;
	v29 =	vmul.f32 v13, v29  }
0x6a: {  	v30 =	vmul.f32 v11, v5;
	v17 =	vshra.s32 v9, $0x1;
	v9 =	vmul.f32 $5.000000000e-01, v9  }
0x6b: {  	v28 =	vmul.f32 v18, v6;
	v23 =	vmul.f32 v20, v3  }
0x6c: {  	v32 =	vmul.f32 v27, v12;
	v14 =	vadd.f32 v24, v16;
	v16 =	vadd.f32 v25, v26  }
0x6d: {  	v17 =	vsub.s32 $0x5F3759DF, v17;
	v26 =	vmul.f32 v28, v18;
	v23 =	vmul.f32 v23, v20  }
0x6e: {  	v28 =	vmul.f32 v30, v11;
	v24 =	vadd.f32 $1.000000000e+00, v14;
	v25 =	vadd.f32 $1.000000000e+00, v16  }
0x6f: {  	v14 =	vmul.f32 $5.000000000e-01, v22;
	v16 =	vmul.f32 v17, v9;
	v22 =	vshra.s32 v22, $0x1  }
0x70: {  	[tilespmem:s10+$0xFFFFFFE0] =	vst v29;
	v29 =	vsub.f32 $1.500000000e+00, v32;
	v15 =	vsub.s32 $0x5F3759DF, v22;
	v13 =	vshra.s32 v24, $0x1  }
0x71: {  	v16 =	vmul.f32 v17, v16;
	v22 =	vsub.s32 $0x5F3759DF, v13;
	v13 =	vmul.f32 $5.000000000e-01, v24  }
0x72: {  	v31 =	vsub.f32 $1.500000000e+00, v23;
	v23 =	vsub.f32 $1.500000000e+00, v33;
	v27 =	vshra.s32 v25, $0x1  }
0x73: {  	s13 =	simm.s32 $0xA0E0;
	s14 =	simm.s32 $0xA360;
	s12 =	simm.s32 $0x8;
	v24 =	vsub.f32 $1.500000000e+00, v16;
	v16 =	vmul.f32 v15, v14;
	v30 =	vmul.f32 v22, v13  }
.LBB2_2:
0x74: {  	v32 =	vld [tilespmem:s14+$0xFFFFFFF0];
	s12 =	sadd.s32 $0x4, s12;
	v25 =	vmul.f32 $5.000000000e-01, v25;
	v26 =	vsub.f32 $1.500000000e+00, v26;
	v31 =	vmul.f32 v31, v20  }
0x75: {  	v27 =	vsub.s32 $0x5F3759DF, v27;
	v21 =	vmul.f32 v21, v10;
	v20 =	vld [tilespmem:s14+$0xFFFFFFE0];
	p2 =	slt.u32 s12, $0x24;
	v30 =	vmul.f32 v22, v30  }
0x76: {  	v33 =	vld [tilespmem:s13+$0xFFFFFFE0];
	v34 =	vmul.f32 v27, v25;
	v18 =	vmul.f32 v26, v18;
	v26 =	vsub.f32 $1.500000000e+00, v28  }
0x77: {  	v29 =	vmul.f32 v29, v12;
	v35 =	vmul.f32 v31, v3;
	v3 =	vmovc v2;
	v2 =	vmovc v14;
	v28 =	vld [tilespmem:s14+$0x0];
	v30 =	vsub.f32 $1.500000000e+00, v30  }
0x78: {  	v21 =	vsub.f32 $1.500000000e+00, v21;
	v14 =	vld [tilespmem:s13+$0x0];
	v34 =	vmul.f32 v27, v34;
	v26 =	vmul.f32 v26, v11  }
0x79: {  	v12 =	vmul.f32 v17, v24;
	v17 =	vsub.f32 $1.500000000e+00, v19;
	v19 =	vmul.f32 v35, v31;
	v36 =	vld [tilespmem:s13+$0xFFFFFFF0]  }
0x7a: {  	v21 =	vmul.f32 v21, v10;
	v11 =	vmul.f32 v22, v30;
	v24 =	vld [tilespmem:s13+$0x10];
	v10 =	vmov v26  }
0x7b: {  	v30 =	vmul.f32 v29, v4;
	v4 =	vmovc v9;
	v26 =	vsub.f32 $1.500000000e+00, v34;
	v20 =	vadd.f32 v20, v33;
	v22 =	vld [tilespmem:s14+$0x10]  }
0x7c: {  	v9 =	vmul.f32 v23, v8;
	v8 =	vmovc v18;
	v19 =	vsub.f32 $1.500000000e+00, v19;
	v33 =	vmul.f32 v12, v4;
	[tilespmem:s10+$0x10] =	vst v21  }
0x7d: {  	v23 =	vmul.f32 v11, v13;
	v30 =	vmul.f32 v30, v29;
	v21 =	vadd.f32 $1.000000000e+00, v20  }
0x7e: {  	v18 =	vmul.f32 v27, v26;
	v14 =	vadd.f32 v28, v14;
	v20 =	vmul.f32 v7, v17;
	[tilespmem:s10+$0xFFFFFFF0] =	vst v9  }
0x7f: {  	v19 =	vmul.f32 v19, v31;
	v7 =	vmovc v15;
	v17 =	vshra.s32 v21, $0x1;
	v9 =	vmul.f32 $5.000000000e-01, v21  }
0x80: {  	v26 =	vmul.f32 v18, v25;
	v15 =	vadd.f32 $1.000000000e+00, v14;
	v21 =	vmul.f32 v10, v5;
	v5 =	vmovc v13  }
0x81: {  	v17 =	vsub.s32 $0x5F3759DF, v17;
	v13 =	vadd.f32 v22, v24;
	v22 =	vmul.f32 v8, v6;
	v6 =	vmovc v25;
	[tilespmem:s10+$0x0] =	vst v19;
	s10 =	smov.u32 s11;
	s11 =	smov.u32 s25;
	s25 =	smov.u32 s13  }
0x82: {  	v14 =	vadd.f32 v32, v36;
	v19 =	vmul.f32 v7, v16;
	v16 =	vmul.f32 v20, v3  }
0x83: {  	v32 =	vmul.f32 v33, v12;
	v24 =	vsub.f32 $1.500000000e+00, v30;
	v13 =	vadd.f32 $1.000000000e+00, v13  }
0x84: {  	v26 =	vmul.f32 v26, v18;
	v25 =	vadd.f32 $1.000000000e+00, v14;
	v14 =	vmul.f32 $5.000000000e-01, v15  }
0x85: {  	v28 =	vmul.f32 v17, v9;
	v15 =	vshra.s32 v15, $0x1;
	v33 =	vmul.f32 v22, v8  }
.Ltmp0:
0x86: {  	v15 =	vsub.s32 $0x5F3759DF, v15;
	v24 =	vmul.f32 v24, v29;
	v27 =	vshra.s32 v25, $0x1;
	(pc) =	sbr.rel @p2 .LBB2_2-.Ltmp0, $4  }
0x87: {  	v29 =	vmul.f32 v17, v28;
	v30 =	vmul.f32 v16, v20;
	v22 =	vshra.s32 v13, $0x1  }
0x88: {  	v28 =	vmul.f32 v23, v11;
	v13 =	vmul.f32 $5.000000000e-01, v13;
	v22 =	vsub.s32 $0x5F3759DF, v22;
	[tilespmem:s10+$0xFFFFFFE0] =	vst v24  }
0x89: {  	v16 =	vmul.f32 v15, v14;
	v31 =	vsub.f32 $1.500000000e+00, v30;
	v24 =	vsub.f32 $1.500000000e+00, v29  }
0x8a: {  	s14 =	sadd.s32 $0x40, s14;
	s13 =	sadd.s32 $0x40, s13;
	v23 =	vsub.f32 $1.500000000e+00, v33;
	v30 =	vmul.f32 v22, v13;
	v29 =	vsub.f32 $1.500000000e+00, v32  }
0x8b: {  	v25 =	vmul.f32 $5.000000000e-01, v25;
	v20 =	vmul.f32 v31, v20  }
0x8c: {  	v26 =	vsub.f32 $1.500000000e+00, v26;
	v21 =	vmul.f32 v21, v10;
	v17 =	vmul.f32 v17, v24  }
0x8d: {  	v27 =	vsub.s32 $0x5F3759DF, v27;
	v16 =	vmul.f32 v15, v16;
	v30 =	vmul.f32 v22, v30  }
0x8e: {  	v39 =	vsub.f32 $1.500000000e+00, v28;
	v12 =	vmul.f32 v29, v12;
	v8 =	vmul.f32 v23, v8  }
0x8f: {  	v19 =	vsub.f32 $1.500000000e+00, v19;
	v38 =	vmul.f32 v27, v25;
	v18 =	vmul.f32 v26, v18  }
0x90: {  	v3 =	vmul.f32 v20, v3;
	v11 =	vmul.f32 v39, v11  }
0x91: {  	v21 =	vsub.f32 $1.500000000e+00, v21;
	v24 =	vmul.f32 v17, v9;
	v7 =	vmul.f32 v7, v19  }
0x92: {  	v4 =	vmul.f32 v12, v4;
	v41 =	vmul.f32 v27, v38  }
0x93: {  	v16 =	vsub.f32 $1.500000000e+00, v16;
	v3 =	vmul.f32 v3, v20;
	v43 =	vmul.f32 v21, v10  }
0x94: {  	v40 =	vsub.f32 $1.500000000e+00, v30;
	v47 =	vmul.f32 v7, v2;
	v5 =	vmul.f32 v11, v5  }
0x95: {  	v6 =	vmul.f32 v18, v6;
	v24 =	vmul.f32 v24, v17  }
0x96: {  	v48 =	vmul.f32 v15, v16;
	v42 =	vmul.f32 v22, v40  }
0x97: {  	v4 =	vmul.f32 v4, v12;
	v44 =	vsub.f32 $1.500000000e+00, v41;
	v6 =	vmul.f32 v6, v18  }
0x98: {  	v3 =	vsub.f32 $1.500000000e+00, v3;
	v16 =	vmul.f32 v48, v14;
	v5 =	vmul.f32 v5, v11  }
0x99: {  	v45 =	vmul.f32 v42, v13;
	v46 =	vmul.f32 v27, v44  }
0x9a: {  	v50 =	vsub.f32 $1.500000000e+00, v24;
	v3 =	vmul.f32 v3, v20;
	v20 =	vmul.f32 v47, v7  }
0x9b: {  	v4 =	vsub.f32 $1.500000000e+00, v4;
	v16 =	vmul.f32 v16, v48;
	v21 =	vmul.f32 v46, v25  }
0x9c: {  	v17 =	vmul.f32 v50, v17;
	v49 =	vmul.f32 v45, v42;
	v20 =	vsub.f32 $1.500000000e+00, v20  }
0x9d: {  	v5 =	vsub.f32 $1.500000000e+00, v5;
	v4 =	vmul.f32 v4, v12;
	v21 =	vmul.f32 v21, v46  }
0x9e: {  	v16 =	vsub.f32 $1.500000000e+00, v16;
	v12 =	vsub.f32 $1.500000000e+00, v49;
	v7 =	vmul.f32 v20, v7  }
0x9f: {  	v5 =	vmul.f32 v5, v11;
	v51 =	vmul.f32 v17, v9;
	v21 =	vsub.f32 $1.500000000e+00, v21  }
0xa0: {  	v12 =	vmul.f32 v12, v42;
	v2 =	vmul.f32 v7, v2  }
0xa1: {  	v53 =	vmul.f32 v16, v48;
	v19 =	vmul.f32 v21, v46  }
0xa2: {  	[tilespmem:s10+$0xFFFFFFF0] =	vst v8;
	v52 =	vmul.f32 v12, v13;
	v2 =	vmul.f32 v2, v7  }
0xa3: {  	[tilespmem:s10+$0x10] =	vst v43;
	v6 =	vsub.f32 $1.500000000e+00, v6;
	v54 =	vmul.f32 v51, v17;
	v55 =	vmul.f32 v19, v25  }
0xa4: {  	[tilespmem:s10+$0x0] =	vst v3;
	v56 =	vmul.f32 v53, v14;
	v3 =	vmul.f32 v52, v12;
	v2 =	vsub.f32 $1.500000000e+00, v2  }
0xa5: {  	v57 =	vmul.f32 v6, v18;
	[tilespmem:s11+$0xFFFFFFE0] =	vst v4;
	v58 =	vsub.f32 $1.500000000e+00, v54;
	v59 =	vmul.f32 v55, v19  }
0xa6: {  	[tilespmem:s11+$0x10] =	vst v5;
	v60 =	vmul.f32 v56, v53;
	v3 =	vsub.f32 $1.500000000e+00, v3;
	v2 =	vmul.f32 v2, v7  }
0xa7: {  	[tilespmem:s11+$0xFFFFFFF0] =	vst v57;
	v61 =	vmul.f32 v58, v17;
	v62 =	vsub.f32 $1.500000000e+00, v59  }
0xa8: {  	[tilespmem:s11+$0x0] =	vst v2;
	v2 =	vmul.f32 v3, v12;
	v3 =	vsub.f32 $1.500000000e+00, v60  }
0xa9: {  	[tilespmem:s25+$0xFFFFFFE0] =	vst v61;
	v63 =	vmul.f32 v62, v19  }
0xaa: {  	[tilespmem:s25+$0x10] =	vst v2;
	v2 =	vmul.f32 v3, v53  }
0xab: {  	[tilespmem:s25+$0xFFFFFFF0] =	vst v63  }
0xac: {  	[tilespmem:s25+$0x0] =	vst v2  }
0xad: {  	s10 =	rddreg [dreg:$0xe]  }
0xae: {  	[spmem:s10] =	stream.linear.scatter [tilespmem:s15], [sflag:$0x5], $0x280, $0x38;
	[tilespmem:$0xDF88] =	vst v63  }
0xaf: {  	_ =	swait.ge [sflag:s18], $0x280  }
0xb0: {  	s11 =	simm.s32 @!p1 $0xA000;
	[sflag:s18] =	ssyncset.done $0x0  }
0xb1: {  	s10 =	simm.s32 @!p1 $0x0;
	s12 =	rddreg [dreg:$0xf];
	[sflag:s18] =	ssyncadd.s32 $0xFFFFFD80  }
0xb2: {  	[hbm4b:s12+s10] =	stream.linear.scatter @!p1 [tilespmem:s11], [sflag:$0x5], $0x280, $0x38;
	[tilespmem:$0xDF88] =	vst v63  }
0xb3: {  	s10 =	simm.s32 @!p1 $0x5  }
0xb4: {  	_ =	swait.ge @!p1 [sflag:s10], $0x280  }
0xb5: {  	[sflag:s10] =	ssyncset.done @!p1 $0x0  }
0xb6: {  	[sflag:s10] =	ssyncadd.s32 @!p1 $0xFFFFFD80  }
0xb7: {  	[bflag:$0x0] =	sbarrier.arrive $0xFFFF  }
0xb8: {  	s25 =	rddreg [dreg:$0x4]  }
0xb9: {  	[tilespmem:s28], [sflag:$0x5] =	stream.linear.gather [spmem:s25], $0x2800, $0x38;
	[tilespmem:$0xDF88] =	vst v63  }
0xba: {  	_ =	swait.ge [sflag:s18], $0x2800  }
0xbb: {  	[sflag:s18] =	ssyncset.done $0x0  }
0xbc: {  	s10 =	simm.s32 $0x0;
	[sflag:s18] =	ssyncadd.s32 $0xFFFFD800  }
0xbd: {  	[tilespmem:s30], [sflag:$0x1] =	stream.indirect.gather [spmem:s3], $0x8, s10, s29, $0xb8;
	[tilespmem:$0xDF88] =	vst v63  }
.LBB2_4:
0xbe: {  	s25 =	sshll.u32 s10, $0x8  }
0xbf: {  	s11 =	sor.u32 $0x80, s25  }
0xc0: {  	[tilespmem:s31], [sflag:$0x2] =	stream.indirect.gather [spmem:s3], $0x8, s11, s29, $0xb8;
	[tilespmem:$0xDF88] =	vst v63  }
0xc1: {  	_ =	swait.ge [sflag:s2], $0x400  }
0xc2: {  	p2 =	seq.s32 s10, $0x0;
	[sflag:s2] =	ssyncset.done $0x0  }
0xc3: {  	s12 =	simm.s32 @!p2 $0x3;
	[sflag:s2] =	ssyncadd.s32 $0xFFFFFC00  }
0xc4: {  	_ =	swait.ge @!p2 [sflag:s12], $0x400  }
0xc5: {  	[sflag:s12] =	ssyncset.done @!p2 $0x0  }
0xc6: {  	[sflag:s12] =	ssyncadd.s32 @!p2 $0xFFFFFC00  }
0xc7: {  	v2 =	vld [tilespmem:s25+$0x0]  }
0xc8: {  	s15 =	sor.u32 $0x10, s25;
	v3 =	vld [tilespmem:s25+$0x2800]  }
0xc9: {  	v4 =	vld [tilespmem:s15+$0x0]  }
0xca: {  	v5 =	vld [tilespmem:s25+$0x2810]  }
0xcb: {  	v6 =	vld [tilespmem:s25+$0x5000]  }
0xcc: {  	s16 =	sor.u32 $0x20, s25;
	v7 =	vld [tilespmem:s25+$0x5010]  }
0xcd: {  	v8 =	vld [tilespmem:s16+$0x0]  }
0xce: {  	s17 =	sor.u32 $0x30, s25;
	v9 =	vld [tilespmem:s25+$0x2820]  }
0xcf: {  	v10 =	vld [tilespmem:s17+$0x0]  }
0xd0: {  	v11 =	vld [tilespmem:s25+$0x2830]  }
0xd1: {  	s19 =	sor.u32 $0x40, s25;
	v12 =	vld [tilespmem:s25+$0x5020]  }
0xd2: {  	v13 =	vld [tilespmem:s19+$0x0]  }
0xd3: {  	v14 =	vld [tilespmem:s25+$0x2840]  }
0xd4: {  	v15 =	vld [tilespmem:s25+$0x5030]  }
0xd5: {  	s13 =	sor.u32 $0x50, s25;
	v16 =	vld [tilespmem:s25+$0x5040]  }
0xd6: {  	v17 =	vld [tilespmem:s13+$0x0]  }
0xd7: {  	s14 =	sor.u32 $0x60, s25;
	v18 =	vld [tilespmem:s25+$0x2850]  }
0xd8: {  	v19 =	vld [tilespmem:s14+$0x0]  }
0xd9: {  	v20 =	vld [tilespmem:s25+$0x5050]  }
0xda: {  	v22 =	vld [tilespmem:s25+$0x2860]  }
0xdb: {  	v23 =	vld [tilespmem:s25+$0x2870]  }
0xdc: {  	s15 =	sor.u32 $0x70, s25;
	v24 =	vld [tilespmem:s25+$0x5060]  }
0xdd: {  	v21 =	vld [tilespmem:s15+$0x0]  }
0xde: {  	v2 =	vld.idx.msk [tilespmem:v2+s28+$0x0], $0xffff  }
0xdf: {  	v3 =	vld.idx.msk [tilespmem:v3+s28+$0x0], $0xffff  }
0xe0: {  	v4 =	vld.idx.msk [tilespmem:v4+s28+$0x0], $0xffff  }
0xe1: {  	v5 =	vld.idx.msk [tilespmem:v5+s28+$0x0], $0xffff  }
0xe2: {  	v8 =	vld.idx.msk [tilespmem:v8+s28+$0x0], $0xffff  }
0xe3: {  	v9 =	vld.idx.msk [tilespmem:v9+s28+$0x0], $0xffff  }
0xe4: {  	v10 =	vld.idx.msk [tilespmem:v10+s28+$0x0], $0xffff  }
0xe5: {  	v11 =	vld.idx.msk [tilespmem:v11+s28+$0x0], $0xffff  }
0xe6: {  	v13 =	vld.idx.msk [tilespmem:v13+s28+$0x0], $0xffff  }
0xe7: {  	v14 =	vld.idx.msk [tilespmem:v14+s28+$0x0], $0xffff  }
0xe8: {  	v17 =	vld.idx.msk [tilespmem:v17+s28+$0x0], $0xffff  }
0xe9: {  	v18 =	vld.idx.msk [tilespmem:v18+s28+$0x0], $0xffff  }
0xea: {  	v2 =	vmul.f32 v2, v6;
	v6 =	vld.idx.msk [tilespmem:v19+s28+$0x0], $0xffff  }
0xeb: {  	v4 =	vmul.f32 v4, v7;
	v7 =	vld [tilespmem:s25+$0x5070]  }
0xec: {  	v2 =	vmul.f32 v3, v2;
	v3 =	vmul.f32 v8, v12;
	v8 =	vld.idx.msk [tilespmem:v21+s28+$0x0], $0xffff  }
0xed: {  	v4 =	vmul.f32 v5, v4;
	v5 =	vmul.f32 v10, v15;
	v10 =	vld.idx.msk [tilespmem:v22+s28+$0x0], $0xffff  }
0xee: {  	[tilespmem:$0xA500] =	vst v2;
	v2 =	vmul.f32 v9, v3;
	v3 =	vmul.f32 v13, v16;
	v9 =	vld.idx.msk [tilespmem:v23+s28+$0x0], $0xffff  }
0xef: {  	[tilespmem:$0xA510] =	vst v4;
	v4 =	vmul.f32 v11, v5;
	v5 =	vmul.f32 v17, v20  }
0xf0: {  	s16 =	simm.s32 $0xE;
	[tilespmem:$0xA520] =	vst v2;
	v2 =	vmul.f32 v14, v3;
	v3 =	vmul.f32 v6, v24  }
0xf1: {  	s14 =	simm.s32 $0xC;
	[tilespmem:$0xA530] =	vst v4;
	v4 =	vmul.f32 v18, v5;
	v6 =	vor.u32 s16, v0;
	v5 =	vmul.f32 v8, v7  }
0xf2: {  	s15 =	simm.s32 $0xA;
	v7 =	vor.u32 s14, v0;
	[tilespmem:$0xA540] =	vst v2;
	v2 =	vmul.f32 v10, v3  }
0xf3: {  	s13 =	simm.s32 $0x2;
	v12 =	vor.u32 s15, v0;
	[tilespmem:$0xA550] =	vst v4;
	v4 =	vmul.f32 v9, v5  }
0xf4: {  	v3 =	vor.u32 s13, v0;
	v5 =	vshll.u32 v7, $0x3;
	[tilespmem:$0xA560] =	vst v2  }
0xf5: {  	s17 =	simm.s32 $0x0;
	v5 =	vor.u32 v1, v5;
	[tilespmem:$0xA570] =	vst v4  }
0xf6: {  	v9 =	vshll.u32 v3, $0x3;
	v2 =	vor.u32 s17, v0;
	v16 =	vld.idx.msk [tilespmem:v6+s0+$0x0], $0xffff  }
0xf7: {  	s19 =	simm.s32 $0x4;
	s14 =	simm.s32 $0x8;
	v18 =	vor.u32 v1, v9;
	v7 =	vld.idx.msk [tilespmem:v7+s0+$0x0], $0xffff  }
0xf8: {  	v9 =	vor.u32 s14, v0;
	v4 =	vor.u32 s19, v0;
	v8 =	vshll.u32 v2, $0x3;
	v35 =	vld.idx.msk [tilespmem:v12+s0+$0x0], $0xffff  }
0xf9: {  	v15 =	vor.u32 v1, v8;
	v8 =	vshll.u32 v4, $0x3;
	v13 =	vld.idx.msk [tilespmem:v3+s0+$0x0], $0xffff  }
0xfa: {  	v11 =	vshll.u32 v9, $0x3;
	v19 =	vor.u32 v1, v8;
	v8 =	vld.idx.msk [tilespmem:v5+s30+$0x0], $0xffff  }
0xfb: {  	s19 =	simm.s32 $0x1C;
	v22 =	vor.u32 v1, v11;
	v17 =	vld.idx.msk [tilespmem:v2+s0+$0x0], $0xffff  }
0xfc: {  	v30 =	vor.u32 s19, v0;
	v23 =	vld.idx.msk [tilespmem:v18+s30+$0x0], $0xffff  }
0xfd: {  	s13 =	simm.s32 $0x6;
	v33 =	vld.idx.msk [tilespmem:v9+s0+$0x0], $0xffff  }
0xfe: {  	s16 =	simm.s32 $0x1E;
	v3 =	vor.u32 s13, v0;
	v21 =	vld.idx.msk [tilespmem:v4+s0+$0x0], $0xffff  }
0xff: {  	v28 =	vor.u32 s16, v0;
	s17 =	simm.s32 $0x12;
	v10 =	vshll.u32 v3, $0x3;
	v4 =	vshll.u32 v6, $0x3;
	v6 =	vld.idx.msk [tilespmem:v15+s30+$0x0], $0xffff  }
0x100: {  	v20 =	vor.u32 v1, v10;
	v2 =	vshll.u32 v12, $0x3;
	v10 =	vor.u32 s17, v0;
	v27 =	vld.idx.msk [tilespmem:v22+s30+$0x0], $0xffff  }
0x101: {  	s15 =	simm.s32 $0x14;
	v26 =	vor.u32 v1, v2;
	v2 =	vor.u32 v1, v4;
	v4 =	vshll.u32 v30, $0x3;
	v30 =	vld.idx.msk [tilespmem:v30+s0+$0x0], $0xffff  }
0x102: {  	v36 =	vor.u32 s15, v0;
	v24 =	vld.idx.msk [tilespmem:v19+s30+$0x0], $0xffff  }
0x103: {  	v32 =	vld.idx.msk [tilespmem:v3+s0+$0x0], $0xffff  }
0x104: {  	v3 =	vld.idx.msk [tilespmem:v28+s0+$0x0], $0xffff  }
0x105: {  	v25 =	vld.idx.msk [tilespmem:v20+s30+$0x0], $0xffff  }
0x106: {  	s14 =	simm.s32 $0x10;
	v11 =	vor.u32 v1, v4;
	v14 =	vld.idx.msk [tilespmem:v10+s0+$0x0], $0xffff  }
0x107: {  	v34 =	vor.u32 s14, v0;
	v23 =	vmul.f32 v13, v23;
	v13 =	vld.idx.msk [tilespmem:v36+s0+$0x0], $0xffff  }
0x108: {  	s16 =	simm.s32 $0x16;
	s17 =	simm.s32 $0x18;
	v9 =	vshll.u32 v10, $0x3;
	v7 =	vmul.f32 v7, v8;
	v8 =	vshll.u32 v34, $0x3;
	v29 =	vld.idx.msk [tilespmem:v26+s30+$0x0], $0xffff  }
0x109: {  	v4 =	vor.u32 s16, v0;
	v10 =	vor.u32 s17, v0;
	v8 =	vor.u32 v1, v8;
	v31 =	vld.idx.msk [tilespmem:v2+s30+$0x0], $0xffff  }
0x10a: {  	[tilespmem:v5+s4+$0x0] =	vst.idx.msk $0xffff, v7;
	v5 =	vshll.u32 v36, $0x3;
	v7 =	vor.u32 v1, v9;
	v17 =	vmul.f32 v17, v6  }
0x10b: {  	s19 =	simm.s32 $0x1A;
	v12 =	vshll.u32 v4, $0x3;
	v6 =	vshll.u32 v10, $0x3;
	[tilespmem:v18+s4+$0x0] =	vst.idx.msk $0xffff, v23;
	v9 =	vor.u32 v1, v5;
	v37 =	vld.idx.msk [tilespmem:v11+s30+$0x0], $0xffff  }
0x10c: {  	v5 =	vor.u32 v1, v12;
	v21 =	vmul.f32 v21, v24;
	[tilespmem:v15+s4+$0x0] =	vst.idx.msk $0xffff, v17;
	v15 =	vor.u32 s19, v0  }
0x10d: {  	v12 =	vld.idx.msk [tilespmem:v34+s0+$0x0], $0xffff;
	v6 =	vor.u32 v1, v6;
	v24 =	vmul.f32 v32, v25;
	v23 =	vshll.u32 v15, $0x3  }
0x10e: {  	[tilespmem:v19+s4+$0x0] =	vst.idx.msk $0xffff, v21;
	v21 =	vshll.u32 v28, $0x3;
	v17 =	vld.idx.msk [tilespmem:v8+s30+$0x0], $0xffff;
	v23 =	vor.u32 v1, v23  }
0x10f: {  	v25 =	vmul.f32 v33, v27;
	v21 =	vor.u32 v1, v21;
	v18 =	vld.idx.msk [tilespmem:v7+s30+$0x0], $0xffff  }
0x110: {  	v27 =	vmul.f32 v35, v29;
	[tilespmem:v20+s4+$0x0] =	vst.idx.msk $0xffff, v24;
	v19 =	vld.idx.msk [tilespmem:v9+s30+$0x0], $0xffff  }
0x111: {  	[tilespmem:v22+s4+$0x0] =	vst.idx.msk $0xffff, v25;
	v20 =	vld.idx.msk [tilespmem:v5+s30+$0x0], $0xffff;
	v25 =	vmul.f32 v30, v37  }
0x112: {  	s12 =	sadd.s32 $0x2800, s25;
	s14 =	simm.s32 $0x2E;
	s13 =	simm.s32 $0x8;
	v24 =	vmul.f32 v16, v31;
	v16 =	vmov v23;
	v22 =	vld.idx.msk [tilespmem:v6+s30+$0x0], $0xffff;
	[tilespmem:v26+s4+$0x0] =	vst.idx.msk $0xffff, v27  }
.LBB2_5:
0x113: {  	s15 =	sadd.s32 $0xFFFFFFF4, s14;
	s16 =	sadd.s32 $0xFFFFFFFE, s14;
	v26 =	vor.u32 s14, v0;
	s13 =	sadd.s32 $0x8, s13;
	v27 =	vld.idx.msk [tilespmem:v23+s30+$0x0], $0xffff;
	[tilespmem:v11+s4+$0x0] =	vst.idx.msk $0xffff, v25  }
0x114: {  	s17 =	sadd.s32 $0xFFFFFFF8, s14;
	v23 =	vor.u32 s15, v0;
	s15 =	sadd.s32 $0xFFFFFFF6, s14;
	v25 =	vor.u32 s16, v0;
	v28 =	vshll.u32 v26, $0x3;
	p3 =	slt.u32 s13, $0x38;
	v29 =	vld.idx.msk [tilespmem:v21+s30+$0x0], $0xffff;
	[tilespmem:v2+s4+$0x0] =	vst.idx.msk $0xffff, v24;
	v2 =	vmovc v21  }
0x115: {  	s19 =	sadd.s32 $0xFFFFFFFC, s14;
	s16 =	sadd.s32 $0xFFFFFFF2, s14;
	v24 =	vor.u32 s15, v0;
	s15 =	sadd.s32 $0xFFFFFFFA, s14;
	v11 =	vshll.u32 v25, $0x3;
	v30 =	vld.idx.msk [tilespmem:v4+s0+$0x0], $0xffff;
	v4 =	vor.u32 s17, v0  }
0x116: {  	v31 =	vor.u32 s16, v0;
	v11 =	vor.u32 v1, v11;
	v32 =	vld.idx.msk [tilespmem:v10+s0+$0x0], $0xffff;
	v10 =	vor.u32 s15, v0  }
0x117: {  	v33 =	vshll.u32 v23, $0x3;
	v21 =	vshll.u32 v31, $0x3;
	v34 =	vld.idx.msk [tilespmem:v15+s0+$0x0], $0xffff;
	v15 =	vor.u32 s19, v0  }
0x118: {  	v35 =	vshll.u32 v24, $0x3;
	v36 =	vshll.u32 v4, $0x3;
	v37 =	vshll.u32 v10, $0x3;
	v26 =	vld.idx.msk [tilespmem:v26+s0+$0x0], $0xffff  }
0x119: {  	v33 =	vor.u32 v1, v33;
	v38 =	vor.u32 v1, v21;
	v21 =	vshll.u32 v15, $0x3;
	v39 =	vld.idx.msk [tilespmem:v23+s0+$0x0], $0xffff  }
0x11a: {  	v35 =	vor.u32 v1, v35;
	v36 =	vor.u32 v1, v36;
	v37 =	vor.u32 v1, v37;
	v25 =	vld.idx.msk [tilespmem:v25+s0+$0x0], $0xffff  }
0x11b: {  	v17 =	vmul.f32 v12, v17;
	v23 =	vor.u32 v1, v21;
	v21 =	vor.u32 v1, v28;
	v40 =	vld.idx.msk [tilespmem:v11+s30+$0x0], $0xffff  }
0x11c: {  	v19 =	vmul.f32 v13, v19;
	v28 =	vmul.f32 v14, v18;
	v12 =	vld.idx.msk [tilespmem:v31+s0+$0x0], $0xffff  }
0x11d: {  	v20 =	vmul.f32 v30, v20;
	v22 =	vmul.f32 v32, v22;
	v13 =	vld.idx.msk [tilespmem:v24+s0+$0x0], $0xffff;
	[tilespmem:v8+s4+$0x0] =	vst.idx.msk $0xffff, v17  }
.Ltmp1:
0x11e: {  	v27 =	vmul.f32 v34, v27;
	v24 =	vmul.f32 v3, v29;
	v17 =	vld.idx.msk [tilespmem:v38+s30+$0x0], $0xffff;
	[tilespmem:v7+s4+$0x0] =	vst.idx.msk $0xffff, v28;
	(pc) =	sbr.rel @p3 .LBB2_5-.Ltmp1, $4  }
0x11f: {  	v3 =	vmovc v26;
	v8 =	vmov v38;
	v7 =	vmov v33;
	v14 =	vmov v39;
	v18 =	vld.idx.msk [tilespmem:v33+s30+$0x0], $0xffff;
	[tilespmem:v9+s4+$0x0] =	vst.idx.msk $0xffff, v19  }
0x120: {  	v9 =	vmov v35;
	v19 =	vld.idx.msk [tilespmem:v35+s30+$0x0], $0xffff;
	[tilespmem:v5+s4+$0x0] =	vst.idx.msk $0xffff, v20;
	v5 =	vmov v36  }
0x121: {  	v25 =	vmul.f32 v25, v40;
	v20 =	vld.idx.msk [tilespmem:v36+s30+$0x0], $0xffff;
	[tilespmem:v6+s4+$0x0] =	vst.idx.msk $0xffff, v22;
	v6 =	vmov v37  }
0x122: {  	s14 =	sadd.s32 $0x10, s14;
	v22 =	vld.idx.msk [tilespmem:v37+s30+$0x0], $0xffff;
	[tilespmem:v16+s4+$0x0] =	vst.idx.msk $0xffff, v27;
	v16 =	vmov v23  }
0x123: {  	_ =	sdelay $0x3  }
0x124: {  	v23 =	vld.idx.msk [tilespmem:v23+s30+$0x0], $0xffff  }
0x125: {  	v4 =	vld.idx.msk [tilespmem:v4+s0+$0x0], $0xffff  }
0x126: {  	v10 =	vld.idx.msk [tilespmem:v10+s0+$0x0], $0xffff  }
0x127: {  	[tilespmem:v11+s4+$0x0] =	vst.idx.msk $0xffff, v25;
	v61 =	vld.idx.msk [tilespmem:v15+s0+$0x0], $0xffff;
	v12 =	vmul.f32 v12, v17  }
0x128: {  	v62 =	vld.idx.msk [tilespmem:v21+s30+$0x0], $0xffff;
	[tilespmem:v2+s4+$0x0] =	vst.idx.msk $0xffff, v24;
	v2 =	vmul.f32 v14, v18  }
0x129: {  	v13 =	vmul.f32 v13, v19;
	[tilespmem:v8+s4+$0x0] =	vst.idx.msk $0xffff, v12  }
0x12a: {  	[tilespmem:v7+s4+$0x0] =	vst.idx.msk $0xffff, v2;
	v4 =	vmul.f32 v4, v20  }
0x12b: {  	p3 =	sne.s32 s10, $0x27;
	[tilespmem:v9+s4+$0x0] =	vst.idx.msk $0xffff, v13;
	v2 =	vmul.f32 v10, v22  }
.Ltmp2:
0x12c: {  	v63 =	vmul.f32 v61, v23;
	[tilespmem:v5+s4+$0x0] =	vst.idx.msk $0xffff, v4;
	(pc) =	sbr.rel @p3 .LBB2_8-.Ltmp2, $4  }
0x12d: {  	v3 =	vmul.f32 v3, v62;
	[tilespmem:v6+s4+$0x0] =	vst.idx.msk $0xffff, v2  }
0x12e: {  	[tilespmem:v16+s4+$0x0] =	vst.idx.msk $0xffff, v63  }
0x12f: {  	[tilespmem:v21+s4+$0x0] =	vst.idx.msk $0xffff, v3  }
0x130: {  	[spmem:s1] =	stream.indirect.scatter.add.f32 [tilespmem:s4], [sflag:$0x3], $0x8, s12, s29, $0xb8;
	[tilespmem:$0xDF88] =	vst v63  }
.Ltmp3:
0x131: {  	(pc) =	sbr.rel .LBB2_9-.Ltmp3, $4  }
0x132: {  	_ = 	snop  }
0x133: {  	_ =	swait.ge [sflag:s22], $0x400  }
0x134: {  	[sflag:s22] =	ssyncset.done $0x0  }
0x135: {  	[sflag:s22] =	ssyncadd.s32 $0xFFFFFC00  }
.LBB2_8:
0x136: {  	s12 =	sand.u32 $0x3FFFFF00, s25  }
.Ltmp4:
0x137: {  	s12 =	sadd.s32 $0x100, s12;
	(pc) =	sbr.rel @p2 .LBB2_10-.Ltmp4, $4  }
0x138: {  	[tilespmem:s30], [sflag:$0x1] =	stream.indirect.gather [spmem:s3], $0x8, s12, s29, $0xb8;
	[tilespmem:$0xDF88] =	vst v63  }
0x139: {  	_ =	swait.ge [sflag:s22], $0x400  }
0x13a: {  	[sflag:s22] =	ssyncset.done $0x0  }
0x13b: {  	[sflag:s22] =	ssyncadd.s32 $0xFFFFFC00  }
.LBB2_9:
0x13c: {  	_ =	swait.ge [sflag:s23], $0x400  }
0x13d: {  	[sflag:s23] =	ssyncset.done $0x0  }
0x13e: {  	[sflag:s23] =	ssyncadd.s32 $0xFFFFFC00  }
.LBB2_10:
0x13f: {  	v2 =	vld [tilespmem:s11+$0x0]  }
0x140: {  	v3 =	vld [tilespmem:s11+$0x2800]  }
0x141: {  	v5 =	vld [tilespmem:s25+$0x2890]  }
0x142: {  	v6 =	vld [tilespmem:s11+$0x5000]  }
0x143: {  	v7 =	vld [tilespmem:s25+$0x5090]  }
0x144: {  	v9 =	vld [tilespmem:s25+$0x28A0]  }
0x145: {  	v11 =	vld [tilespmem:s25+$0x28B0]  }
0x146: {  	v12 =	vld [tilespmem:s25+$0x50A0]  }
0x147: {  	v14 =	vld [tilespmem:s25+$0x28C0]  }
0x148: {  	v15 =	vld [tilespmem:s25+$0x50B0]  }
0x149: {  	v16 =	vld [tilespmem:s25+$0x50C0]  }
0x14a: {  	v18 =	vld [tilespmem:s25+$0x28D0]  }
0x14b: {  	v20 =	vld [tilespmem:s25+$0x50D0]  }
0x14c: {  	v22 =	vld [tilespmem:s25+$0x28E0]  }
0x14d: {  	v23 =	vld [tilespmem:s25+$0x28F0]  }
0x14e: {  	s12 =	sor.u32 $0x90, s25;
	v24 =	vld [tilespmem:s25+$0x50E0]  }
0x14f: {  	s17 =	sor.u32 $0xA0, s25;
	v4 =	vld [tilespmem:s12+$0x0]  }
0x150: {  	s19 =	sor.u32 $0xB0, s25;
	v8 =	vld [tilespmem:s17+$0x0]  }
0x151: {  	s13 =	sor.u32 $0xC0, s25;
	v10 =	vld [tilespmem:s19+$0x0]  }
0x152: {  	s14 =	sor.u32 $0xD0, s25;
	v13 =	vld [tilespmem:s13+$0x0]  }
0x153: {  	s15 =	sor.u32 $0xE0, s25;
	v17 =	vld [tilespmem:s14+$0x0]  }
0x154: {  	s16 =	sor.u32 $0xF0, s25;
	v19 =	vld [tilespmem:s15+$0x0]  }
0x155: {  	v21 =	vld [tilespmem:s16+$0x0]  }
0x156: {  	v2 =	vld.idx.msk [tilespmem:v2+s28+$0x0], $0xffff  }
0x157: {  	v3 =	vld.idx.msk [tilespmem:v3+s28+$0x0], $0xffff  }
0x158: {  	v5 =	vld.idx.msk [tilespmem:v5+s28+$0x0], $0xffff  }
0x159: {  	v9 =	vld.idx.msk [tilespmem:v9+s28+$0x0], $0xffff  }
0x15a: {  	v11 =	vld.idx.msk [tilespmem:v11+s28+$0x0], $0xffff  }
0x15b: {  	v14 =	vld.idx.msk [tilespmem:v14+s28+$0x0], $0xffff  }
0x15c: {  	v18 =	vld.idx.msk [tilespmem:v18+s28+$0x0], $0xffff  }
0x15d: {  	v4 =	vld.idx.msk [tilespmem:v4+s28+$0x0], $0xffff  }
0x15e: {  	v8 =	vld.idx.msk [tilespmem:v8+s28+$0x0], $0xffff  }
0x15f: {  	v10 =	vld.idx.msk [tilespmem:v10+s28+$0x0], $0xffff  }
0x160: {  	v13 =	vld.idx.msk [tilespmem:v13+s28+$0x0], $0xffff  }
0x161: {  	v17 =	vld.idx.msk [tilespmem:v17+s28+$0x0], $0xffff  }
0x162: {  	v2 =	vmul.f32 v2, v6;
	v6 =	vld.idx.msk [tilespmem:v19+s28+$0x0], $0xffff  }
0x163: {  	v4 =	vmul.f32 v4, v7;
	v7 =	vld [tilespmem:s25+$0x50F0]  }
0x164: {  	v2 =	vmul.f32 v3, v2;
	v3 =	vmul.f32 v8, v12;
	v8 =	vld.idx.msk [tilespmem:v21+s28+$0x0], $0xffff  }
0x165: {  	v4 =	vmul.f32 v5, v4;
	v5 =	vmul.f32 v10, v15;
	v10 =	vld.idx.msk [tilespmem:v22+s28+$0x0], $0xffff  }
0x166: {  	[tilespmem:$0xA500] =	vst v2;
	v2 =	vmul.f32 v9, v3;
	v3 =	vmul.f32 v13, v16;
	v9 =	vld.idx.msk [tilespmem:v23+s28+$0x0], $0xffff  }
0x167: {  	[tilespmem:$0xA510] =	vst v4;
	v4 =	vmul.f32 v11, v5;
	v5 =	vmul.f32 v17, v20  }
0x168: {  	s17 =	simm.s32 $0xE;
	[tilespmem:$0xA520] =	vst v2;
	v2 =	vmul.f32 v14, v3;
	v3 =	vmul.f32 v6, v24  }
0x169: {  	s14 =	simm.s32 $0xC;
	v6 =	vor.u32 s17, v0;
	[tilespmem:$0xA530] =	vst v4;
	v4 =	vmul.f32 v18, v5;
	v5 =	vmul.f32 v8, v7  }
0x16a: {  	s16 =	simm.s32 $0xA;
	v7 =	vor.u32 s14, v0;
	[tilespmem:$0xA540] =	vst v2;
	v2 =	vmul.f32 v10, v3  }
0x16b: {  	s13 =	simm.s32 $0x2;
	v12 =	vor.u32 s16, v0;
	[tilespmem:$0xA550] =	vst v4;
	v4 =	vmul.f32 v9, v5  }
0x16c: {  	v3 =	vor.u32 s13, v0;
	v5 =	vshll.u32 v7, $0x3;
	[tilespmem:$0xA560] =	vst v2  }
0x16d: {  	s19 =	simm.s32 $0x0;
	v5 =	vor.u32 v1, v5;
	[tilespmem:$0xA570] =	vst v4  }
0x16e: {  	v9 =	vshll.u32 v3, $0x3;
	v2 =	vor.u32 s19, v0;
	v16 =	vld.idx.msk [tilespmem:v6+s0+$0x0], $0xffff  }
0x16f: {  	s15 =	simm.s32 $0x8;
	s25 =	simm.s32 $0x4;
	v18 =	vor.u32 v1, v9;
	v7 =	vld.idx.msk [tilespmem:v7+s0+$0x0], $0xffff  }
0x170: {  	v9 =	vor.u32 s15, v0;
	v4 =	vor.u32 s25, v0;
	v8 =	vshll.u32 v2, $0x3;
	v35 =	vld.idx.msk [tilespmem:v12+s0+$0x0], $0xffff  }
0x171: {  	v15 =	vor.u32 v1, v8;
	v8 =	vshll.u32 v4, $0x3;
	v13 =	vld.idx.msk [tilespmem:v3+s0+$0x0], $0xffff  }
0x172: {  	v11 =	vshll.u32 v9, $0x3;
	v19 =	vor.u32 v1, v8;
	v8 =	vld.idx.msk [tilespmem:v5+s31+$0x0], $0xffff  }
0x173: {  	s25 =	simm.s32 $0x1C;
	v22 =	vor.u32 v1, v11;
	v17 =	vld.idx.msk [tilespmem:v2+s0+$0x0], $0xffff  }
0x174: {  	v30 =	vor.u32 s25, v0;
	v23 =	vld.idx.msk [tilespmem:v18+s31+$0x0], $0xffff  }
0x175: {  	s14 =	simm.s32 $0x6;
	v33 =	vld.idx.msk [tilespmem:v9+s0+$0x0], $0xffff  }
0x176: {  	s17 =	simm.s32 $0x1E;
	v3 =	vor.u32 s14, v0;
	v21 =	vld.idx.msk [tilespmem:v4+s0+$0x0], $0xffff  }
0x177: {  	v28 =	vor.u32 s17, v0;
	s19 =	simm.s32 $0x12;
	v10 =	vshll.u32 v3, $0x3;
	v4 =	vshll.u32 v6, $0x3;
	v6 =	vld.idx.msk [tilespmem:v15+s31+$0x0], $0xffff  }
0x178: {  	v20 =	vor.u32 v1, v10;
	v2 =	vshll.u32 v12, $0x3;
	v10 =	vor.u32 s19, v0;
	v27 =	vld.idx.msk [tilespmem:v22+s31+$0x0], $0xffff  }
0x179: {  	s16 =	simm.s32 $0x14;
	v26 =	vor.u32 v1, v2;
	v2 =	vor.u32 v1, v4;
	v4 =	vshll.u32 v30, $0x3;
	v30 =	vld.idx.msk [tilespmem:v30+s0+$0x0], $0xffff  }
0x17a: {  	v36 =	vor.u32 s16, v0;
	v24 =	vld.idx.msk [tilespmem:v19+s31+$0x0], $0xffff  }
0x17b: {  	v32 =	vld.idx.msk [tilespmem:v3+s0+$0x0], $0xffff  }
0x17c: {  	v3 =	vld.idx.msk [tilespmem:v28+s0+$0x0], $0xffff  }
0x17d: {  	v25 =	vld.idx.msk [tilespmem:v20+s31+$0x0], $0xffff  }
0x17e: {  	s15 =	simm.s32 $0x10;
	v11 =	vor.u32 v1, v4;
	v14 =	vld.idx.msk [tilespmem:v10+s0+$0x0], $0xffff  }
0x17f: {  	v34 =	vor.u32 s15, v0;
	v23 =	vmul.f32 v13, v23;
	v13 =	vld.idx.msk [tilespmem:v36+s0+$0x0], $0xffff  }
0x180: {  	s17 =	simm.s32 $0x16;
	s19 =	simm.s32 $0x18;
	v9 =	vshll.u32 v10, $0x3;
	v7 =	vmul.f32 v7, v8;
	v8 =	vshll.u32 v34, $0x3;
	v29 =	vld.idx.msk [tilespmem:v26+s31+$0x0], $0xffff  }
0x181: {  	v4 =	vor.u32 s17, v0;
	v10 =	vor.u32 s19, v0;
	v8 =	vor.u32 v1, v8;
	v31 =	vld.idx.msk [tilespmem:v2+s31+$0x0], $0xffff  }
0x182: {  	[tilespmem:v5+s26+$0x0] =	vst.idx.msk $0xffff, v7;
	v5 =	vshll.u32 v36, $0x3;
	v7 =	vor.u32 v1, v9;
	v17 =	vmul.f32 v17, v6  }
0x183: {  	s25 =	simm.s32 $0x1A;
	v12 =	vshll.u32 v4, $0x3;
	v6 =	vshll.u32 v10, $0x3;
	[tilespmem:v18+s26+$0x0] =	vst.idx.msk $0xffff, v23;
	v9 =	vor.u32 v1, v5;
	v37 =	vld.idx.msk [tilespmem:v11+s31+$0x0], $0xffff  }
0x184: {  	v5 =	vor.u32 v1, v12;
	v21 =	vmul.f32 v21, v24;
	[tilespmem:v15+s26+$0x0] =	vst.idx.msk $0xffff, v17;
	v15 =	vor.u32 s25, v0  }
0x185: {  	v12 =	vld.idx.msk [tilespmem:v34+s0+$0x0], $0xffff;
	v6 =	vor.u32 v1, v6;
	v24 =	vmul.f32 v32, v25;
	v23 =	vshll.u32 v15, $0x3  }
0x186: {  	[tilespmem:v19+s26+$0x0] =	vst.idx.msk $0xffff, v21;
	v21 =	vshll.u32 v28, $0x3;
	v17 =	vld.idx.msk [tilespmem:v8+s31+$0x0], $0xffff;
	v23 =	vor.u32 v1, v23  }
0x187: {  	v25 =	vmul.f32 v33, v27;
	v21 =	vor.u32 v1, v21;
	v18 =	vld.idx.msk [tilespmem:v7+s31+$0x0], $0xffff  }
0x188: {  	v27 =	vmul.f32 v35, v29;
	[tilespmem:v20+s26+$0x0] =	vst.idx.msk $0xffff, v24;
	v19 =	vld.idx.msk [tilespmem:v9+s31+$0x0], $0xffff  }
0x189: {  	[tilespmem:v22+s26+$0x0] =	vst.idx.msk $0xffff, v25;
	v20 =	vld.idx.msk [tilespmem:v5+s31+$0x0], $0xffff;
	v25 =	vmul.f32 v30, v37  }
0x18a: {  	s11 =	sadd.s32 $0x2800, s11;
	s12 =	simm.s32 $0x8;
	s13 =	simm.s32 $0x2E;
	v24 =	vmul.f32 v16, v31;
	v16 =	vmov v23;
	v22 =	vld.idx.msk [tilespmem:v6+s31+$0x0], $0xffff;
	[tilespmem:v26+s26+$0x0] =	vst.idx.msk $0xffff, v27  }
.LBB2_11:
0x18b: {  	s14 =	sadd.s32 $0xFFFFFFF4, s13;
	s15 =	sadd.s32 $0xFFFFFFFE, s13;
	v26 =	vor.u32 s13, v0;
	s12 =	sadd.s32 $0x8, s12;
	v27 =	vld.idx.msk [tilespmem:v23+s31+$0x0], $0xffff;
	[tilespmem:v11+s26+$0x0] =	vst.idx.msk $0xffff, v25  }
0x18c: {  	s16 =	sadd.s32 $0xFFFFFFF8, s13;
	v23 =	vor.u32 s14, v0;
	s14 =	sadd.s32 $0xFFFFFFF6, s13;
	v25 =	vor.u32 s15, v0;
	v28 =	vshll.u32 v26, $0x3;
	p2 =	slt.u32 s12, $0x38;
	v29 =	vld.idx.msk [tilespmem:v21+s31+$0x0], $0xffff;
	[tilespmem:v2+s26+$0x0] =	vst.idx.msk $0xffff, v24;
	v2 =	vmovc v21  }
0x18d: {  	s17 =	sadd.s32 $0xFFFFFFFC, s13;
	s15 =	sadd.s32 $0xFFFFFFF2, s13;
	v24 =	vor.u32 s14, v0;
	s14 =	sadd.s32 $0xFFFFFFFA, s13;
	v11 =	vshll.u32 v25, $0x3;
	v30 =	vld.idx.msk [tilespmem:v4+s0+$0x0], $0xffff;
	v4 =	vor.u32 s16, v0  }
0x18e: {  	v31 =	vor.u32 s15, v0;
	v11 =	vor.u32 v1, v11;
	v32 =	vld.idx.msk [tilespmem:v10+s0+$0x0], $0xffff;
	v10 =	vor.u32 s14, v0  }
0x18f: {  	v33 =	vshll.u32 v23, $0x3;
	v21 =	vshll.u32 v31, $0x3;
	v34 =	vld.idx.msk [tilespmem:v15+s0+$0x0], $0xffff;
	v15 =	vor.u32 s17, v0  }
0x190: {  	v35 =	vshll.u32 v24, $0x3;
	v36 =	vshll.u32 v4, $0x3;
	v37 =	vshll.u32 v10, $0x3;
	v26 =	vld.idx.msk [tilespmem:v26+s0+$0x0], $0xffff  }
0x191: {  	v33 =	vor.u32 v1, v33;
	v38 =	vor.u32 v1, v21;
	v21 =	vshll.u32 v15, $0x3;
	v39 =	vld.idx.msk [tilespmem:v23+s0+$0x0], $0xffff  }
0x192: {  	v35 =	vor.u32 v1, v35;
	v36 =	vor.u32 v1, v36;
	v37 =	vor.u32 v1, v37;
	v25 =	vld.idx.msk [tilespmem:v25+s0+$0x0], $0xffff  }
0x193: {  	v17 =	vmul.f32 v12, v17;
	v23 =	vor.u32 v1, v21;
	v21 =	vor.u32 v1, v28;
	v40 =	vld.idx.msk [tilespmem:v11+s31+$0x0], $0xffff  }
0x194: {  	v19 =	vmul.f32 v13, v19;
	v28 =	vmul.f32 v14, v18;
	v12 =	vld.idx.msk [tilespmem:v31+s0+$0x0], $0xffff  }
0x195: {  	v20 =	vmul.f32 v30, v20;
	v22 =	vmul.f32 v32, v22;
	v13 =	vld.idx.msk [tilespmem:v24+s0+$0x0], $0xffff;
	[tilespmem:v8+s26+$0x0] =	vst.idx.msk $0xffff, v17  }
.Ltmp5:
0x196: {  	v27 =	vmul.f32 v34, v27;
	v24 =	vmul.f32 v3, v29;
	v17 =	vld.idx.msk [tilespmem:v38+s31+$0x0], $0xffff;
	[tilespmem:v7+s26+$0x0] =	vst.idx.msk $0xffff, v28;
	(pc) =	sbr.rel @p2 .LBB2_11-.Ltmp5, $4  }
0x197: {  	v3 =	vmovc v26;
	v8 =	vmov v38;
	v7 =	vmov v33;
	v14 =	vmov v39;
	v18 =	vld.idx.msk [tilespmem:v33+s31+$0x0], $0xffff;
	[tilespmem:v9+s26+$0x0] =	vst.idx.msk $0xffff, v19  }
0x198: {  	v9 =	vmov v35;
	v19 =	vld.idx.msk [tilespmem:v35+s31+$0x0], $0xffff;
	[tilespmem:v5+s26+$0x0] =	vst.idx.msk $0xffff, v20;
	v5 =	vmov v36  }
0x199: {  	v25 =	vmul.f32 v25, v40;
	v20 =	vld.idx.msk [tilespmem:v36+s31+$0x0], $0xffff;
	[tilespmem:v6+s26+$0x0] =	vst.idx.msk $0xffff, v22;
	v6 =	vmov v37  }
0x19a: {  	s13 =	sadd.s32 $0x10, s13;
	v22 =	vld.idx.msk [tilespmem:v37+s31+$0x0], $0xffff;
	[tilespmem:v16+s26+$0x0] =	vst.idx.msk $0xffff, v27;
	v16 =	vmov v23  }
0x19b: {  	_ =	sdelay $0x3  }
0x19c: {  	v23 =	vld.idx.msk [tilespmem:v23+s31+$0x0], $0xffff  }
0x19d: {  	v4 =	vld.idx.msk [tilespmem:v4+s0+$0x0], $0xffff  }
0x19e: {  	v10 =	vld.idx.msk [tilespmem:v10+s0+$0x0], $0xffff  }
0x19f: {  	[tilespmem:v11+s26+$0x0] =	vst.idx.msk $0xffff, v25;
	v61 =	vld.idx.msk [tilespmem:v15+s0+$0x0], $0xffff;
	v12 =	vmul.f32 v12, v17  }
0x1a0: {  	v62 =	vld.idx.msk [tilespmem:v21+s31+$0x0], $0xffff;
	[tilespmem:v2+s26+$0x0] =	vst.idx.msk $0xffff, v24;
	v2 =	vmul.f32 v14, v18  }
0x1a1: {  	v13 =	vmul.f32 v13, v19;
	[tilespmem:v8+s26+$0x0] =	vst.idx.msk $0xffff, v12  }
0x1a2: {  	s10 =	sadd.s32 $0x1, s10;
	[tilespmem:v7+s26+$0x0] =	vst.idx.msk $0xffff, v2;
	v4 =	vmul.f32 v4, v20  }
0x1a3: {  	p2 =	sne.s32 s10, $0x28;
	[tilespmem:v9+s26+$0x0] =	vst.idx.msk $0xffff, v13;
	v2 =	vmul.f32 v10, v22  }
.Ltmp6:
0x1a4: {  	v63 =	vmul.f32 v61, v23;
	[tilespmem:v5+s26+$0x0] =	vst.idx.msk $0xffff, v4;
	(pc) =	sbr.rel @p2 .LBB2_4-.Ltmp6, $4  }
0x1a5: {  	v3 =	vmul.f32 v3, v62;
	[tilespmem:v6+s26+$0x0] =	vst.idx.msk $0xffff, v2  }
0x1a6: {  	[tilespmem:v16+s26+$0x0] =	vst.idx.msk $0xffff, v63  }
0x1a7: {  	[tilespmem:v21+s26+$0x0] =	vst.idx.msk $0xffff, v3  }
0x1a8: {  	[spmem:s1] =	stream.indirect.scatter.add.f32 [tilespmem:s26], [sflag:$0x4], $0x8, s11, s29, $0xb8;
	[tilespmem:$0xDF88] =	vst v63  }
0x1a9: {  	_ =	swait.ge [sflag:s6], $0x400  }
0x1aa: {  	[sflag:s6] =	ssyncset.done $0x0  }
0x1ab: {  	[sflag:s6] =	ssyncadd.s32 $0xFFFFFC00  }
0x1ac: {  	_ =	swait.ge [sflag:s23], $0x400  }
0x1ad: {  	[sflag:s23] =	ssyncset.done $0x0  }
0x1ae: {  	[sflag:s23] =	ssyncadd.s32 $0xFFFFFC00  }
0x1af: {  	[bflag:$0x0] =	sbarrier.arrive $0xFFFF  }
0x1b0: {  	[hbm:s24], [sflag:s8] =	dma.local [spmem:s9], $0x280  }
0x1b1: {  	_ =	swait.ge [sflag:s18], $0x280  }
0x1b2: {  	s7 =	sadd.s32 $0x1, s7;
	s25 =	rddreg [dreg:$0x10]  }
0x1b3: {  	p2 =	sne.s32 s7, s25  }
.Ltmp7:
0x1b4: {  	_ = 	snop;
	(pc) =	sbr.rel @p2 .LBB2_1-.Ltmp7, $3  }
0x1b5: {  	_ =	sdelay $0x1  }
0x1b6: {  	[sflag:s18] =	ssyncset.done $0x0  }
0x1b7: {  	s15 =	simm.s32 $0xA000;
	[sflag:s18] =	ssyncadd.s32 $0xFFFFFD80  }
0x1b8: {  	_ =	sfence.sel $0x180000  }
0x1b9: {  	[bflag:$0x0] =	sbarrier.arrive $0xFFFF  }
0x1ba: {  	_ =	strace $0x9000004D  }
0x1bb: {  	s0 =	stileid.u32;
	[bflag:$0x2] =	sbarrier.arrive $0xFFFF  }
0x1bc: {  	p0 =	sne.s32 s0, $0x0;
	s0 =	rddreg [dreg:$0x5]  }
0x1bd: {  	s0 =	sadd.s32 @!p0 $0x100000, s0  }
0x1be: {  	[sflag:s0] =	ssyncadd.tile.s32 @!p0 $0x1;
	_ =	shalt  }
.Lfunc_end2:
_tile_overlayer_lowered:
.L_overlay_start_2:
0x1bf: {  	(tag) =	ssettag $0x2  }
0x1c0: {  	s0 =	rddreg [dreg:$0x0];
	s2 =	stileid.u32  }
0x1c1: {  	s1 =	rddreg [dreg:$0x1];
	p0 =	sne.s32 s2, $0x0  }
0x1c2: {  	s3 =	rddreg [dreg:$0x2];
	[bflag:$0x3] =	sbarrier.arrive $0xFFFF;
	s2 =	simm.s32 @!p0 $0x1C05  }
0x1c3: {  	[timem:s3], [sflag:s2] =	dma.local @!p0 [hbm:s0], s1  }
0x1c4: {  	s0 =	simm.s32 @!p0 $0x5  }
0x1c5: {  	_ =	swait.ge @!p0 [sflag:s0], s1  }
0x1c6: {  	s1 =	ssub.s32 @!p0 $0x0, s1;
	[sflag:s0] =	ssyncset.done @!p0 $0x0  }
0x1c7: {  	[sflag:s0] =	ssyncadd.s32 @!p0 s1  }
0x1c8: {  	[bflag:$0x3] =	sbarrier.arrive $0xFFFF  }
0x1c9: {  	_ =	shalt  }

// kernel: kernel.8.cloned.1.call-start
scs
__scs_entry_jumppad:
0x0: {  	(pc) =	sbr.rel $0x88, $3  }
0x1: {  	(tag) =	ssettag $0x0;
	lr =	simm.s32 $0x1  }
0x2: {  	[smem:$0x3F9A] =	sst lr;
	_ =	strace $0xD0000000  }
0x3: {  	_ = 	snop  }
0x4: {  	_ = 	snop  }
0x5: {  	_ = 	snop  }
0x6: {  	_ = 	snop  }
0x7: {  	_ = 	snop  }
__scs_overlays_trampoline_lowered:
0x8: {  	[smem:$0x3FA9] =	sst s0  }
0x9: {  	[smem:$0x3FAA] =	sst s1  }
0xa: {  	[smem:$0x3FAB] =	sst s2  }
0xb: {  	[smem:$0x3FAC] =	sst s3  }
0xc: {  	[smem:$0x3FAD] =	sst s4  }
0xd: {  	[smem:$0x3FAE] =	sst s5  }
0xe: {  	[smem:$0x3FAF] =	sst s6  }
0xf: {  	[smem:$0x3FB0] =	sst s7  }
0x10: {  	[smem:$0x3FB1] =	sst s8  }
0x11: {  	[smem:$0x3FB2] =	sst s9;
	s0 =	simm.s32 @!p0 $0x0  }
0x12: {  	s1 =	sld [smem:$0x3F98];
	s0 =	simm.s32 @p0 $0x1  }
0x13: {  	[smem:$0x3FB3] =	sst s0;
	s0 =	simm.s32 @!p1 $0x0  }
0x14: {  	s2 =	sld [smem:$0x3F97];
	s0 =	simm.s32 @p1 $0x1  }
0x15: {  	[smem:$0x3FB4] =	sst s0;
	s0 =	simm.s32 @!p2 $0x0  }
0x16: {  	s3 =	sld [smem:$0x3FDB];
	s0 =	simm.s32 @p2 $0x1  }
0x17: {  	s4 =	simm.s32 $0x1BF5;
	[smem:$0x3FB6] =	sst s0  }
0x18: {  	s0 =	sld [smem:$0x3F99];
	_ =	swait.ge [sflag:s4], $0x0  }
0x19: {  	s7 =	sld [smem:$0x3F9A]  }
0x1a: {  	s8 =	sadd.s32 $0xFFFFE003, lr  }
0x1b: {  	s9 =	sadd.s32 $0xFFFFFEF7, lr;
	s5 =	simm.s32 $0xFFFFFFFF;
	p2 =	slt.u32 s8, $0xFFFFF086  }
0x1c: {  	p1 =	slt.u32 s9, $0xF7A;
	s5 =	simm.s32 @!p2 $0x0  }
0x1d: {  	s5 =	simm.s32 @p1 $0x1;
	p0 =	seq.s32 s7, s2  }
0x1e: {  	s7 =	smul.u32 @!p0 $0xF7A, s2;
	p2 =	seq.s32 @!p0 s5, $0x0  }
0x1f: {  	s9 =	smul.u32 $0xF7A, s1;
	s8 =	simm.s32 @!p0 $0x1BF5;
	p2 =	por !p2, p0  }
0x20: {  	[sflag:s8] =	ssyncset.s32 @!p0 $0xFFFFF086;
	s6 =	sadd.s32 @!p0 s3, s7;
	s7 =	simm.s32 @!p0 $0x108  }
0x21: {  	s3 =	sadd.s32 s3, s9;
	s6 =	sadd.s32 @!p0 $0x88, s6;
	s7 =	simm.s32 @p2 $0x1082  }
0x22: {  	[simem:s7], [sflag:s8] =	dma.local @!p0 [hbm:s6], $0xF7A  }
0x23: {  	s9 =	sor.u32 $0xD0000000, s2;
	s6 =	simm.s32 $0x108;
	_ =	swait.ge @!p0 [sflag:s8], $0x0  }
0x24: {  	s3 =	sadd.s32 $0x88, s3;
	s6 =	simm.s32 @!p1 $0x1082;
	[sflag:s4] =	ssyncset.s32 $0xFFFFF086  }
0x25: {  	[simem:s6], [sflag:s4] =	dma.local [hbm:s3], $0xF7A  }
0x26: {  	[smem:$0x3F9A] =	sst s1;
	(tag) =	ssettag s2;
	_ =	strace s9  }
0x27: {  	s1 =	sld [smem:$0x3FAA]  }
0x28: {  	s2 =	sld [smem:$0x3FAB]  }
0x29: {  	s4 =	sld [smem:$0x3FAD]  }
0x2a: {  	p0 =	seq.s32 s5, $0x0;
	s5 =	sld [smem:$0x3FAE]  }
0x2b: {  	s6 =	sld [smem:$0x3FAF]  }
0x2c: {  	s7 =	sld [smem:$0x3FB0]  }
0x2d: {  	s3 =	simm.s32 $0x108;
	s8 =	sld [smem:$0x3FB1]  }
0x2e: {  	s3 =	simm.s32 @!p0 $0x1082;
	s9 =	sld [smem:$0x3FB2]  }
0x2f: {  	lr =	sadd.s32 s0, s3;
	s0 =	sld [smem:$0x3FA9]  }
0x30: {  	s3 =	sld [smem:$0x3FAC]  }
0x31: {  	[smem:$0x3FB5] =	sst s10  }
0x32: {  	s10 =	sld [smem:$0x3FB3];
	_ =	sdelay $0x3  }
0x33: {  	p0 =	seq.s32 s10, $0x1;
	s10 =	sld [smem:$0x3FB5];
	_ =	sdelay $0x3  }
0x34: {  	[smem:$0x3FB5] =	sst s10  }
0x35: {  	s10 =	sld [smem:$0x3FB4];
	_ =	sdelay $0x3  }
0x36: {  	p1 =	seq.s32 s10, $0x1;
	s10 =	sld [smem:$0x3FB5];
	_ =	sdelay $0x3  }
0x37: {  	[smem:$0x3FB5] =	sst s10  }
0x38: {  	s10 =	sld [smem:$0x3FB6]  }
0x39: {  	_ = 	snop;
	(pc) =	sbr.ind lr, $3  }
0x3a: {  	_ = 	snop  }
0x3b: {  	_ = 	snop  }
0x3c: {  	p2 =	seq.s32 s10, $0x1;
	s10 =	sld [smem:$0x3FB5]  }
0x3d: {  	_ =	shalt  }
0x3e: {  	_ =	shalt  }
0x3f: {  	_ =	shalt  }
0x40: {  	_ =	shalt  }
0x41: {  	_ =	shalt  }
0x42: {  	_ =	shalt  }
0x43: {  	_ =	shalt  }
0x44: {  	_ =	shalt  }
0x45: {  	_ =	shalt  }
0x46: {  	_ =	shalt  }
0x47: {  	_ =	shalt  }
0x48: {  	_ =	shalt  }
0x49: {  	_ =	shalt  }
0x4a: {  	_ =	shalt  }
0x4b: {  	_ =	shalt  }
0x4c: {  	_ =	shalt  }
0x4d: {  	_ =	shalt  }
0x4e: {  	_ =	shalt  }
0x4f: {  	_ =	shalt  }
0x50: {  	_ =	shalt  }
0x51: {  	_ =	shalt  }
0x52: {  	_ =	shalt  }
0x53: {  	_ =	shalt  }
0x54: {  	_ =	shalt  }
0x55: {  	_ =	shalt  }
0x56: {  	_ =	shalt  }
0x57: {  	_ =	shalt  }
0x58: {  	_ =	shalt  }
0x59: {  	_ =	shalt  }
0x5a: {  	_ =	shalt  }
0x5b: {  	_ =	shalt  }
0x5c: {  	_ =	shalt  }
0x5d: {  	_ =	shalt  }
0x5e: {  	_ =	shalt  }
0x5f: {  	_ =	shalt  }
0x60: {  	_ =	shalt  }
0x61: {  	_ =	shalt  }
0x62: {  	_ =	shalt  }
0x63: {  	_ =	shalt  }
0x64: {  	_ =	shalt  }
0x65: {  	_ =	shalt  }
0x66: {  	_ =	shalt  }
0x67: {  	_ =	shalt  }
0x68: {  	_ =	shalt  }
0x69: {  	_ =	shalt  }
0x6a: {  	_ =	shalt  }
0x6b: {  	_ =	shalt  }
0x6c: {  	_ =	shalt  }
0x6d: {  	_ =	shalt  }
0x6e: {  	_ =	shalt  }
0x6f: {  	_ =	shalt  }
0x70: {  	_ =	shalt  }
0x71: {  	_ =	shalt  }
0x72: {  	_ =	shalt  }
0x73: {  	_ =	shalt  }
0x74: {  	_ =	shalt  }
0x75: {  	_ =	shalt  }
0x76: {  	_ =	shalt  }
0x77: {  	_ =	shalt  }
0x78: {  	_ =	shalt  }
0x79: {  	_ =	shalt  }
0x7a: {  	_ =	shalt  }
0x7b: {  	_ =	shalt  }
0x7c: {  	_ =	shalt  }
0x7d: {  	_ =	shalt  }
0x7e: {  	_ =	shalt  }
0x7f: {  	_ =	shalt  }
0x80: {  	_ =	shalt  }
0x81: {  	_ =	shalt  }
0x82: {  	_ =	shalt  }
0x83: {  	_ =	shalt  }
0x84: {  	_ =	shalt  }
0x85: {  	_ =	shalt  }
0x86: {  	_ =	shalt  }
0x87: {  	_ =	shalt  }
.Lfunc_end0:
.L_simem_size_0:
called_computation_lowered:
.L_overlay_start_0:
0x88: {  	s2 =	sld [smem:$0x3FD9]  }
0x89: {  	s3 =	sld [smem:$0x3FFE];
	_ =	sdelay $0x1  }
0x8a: {  	s1 =	srdreg.scid  }
0x8b: {  	s0 =	sand.u32 $0x1, s1  }
0x8c: {  	s16 =	sshll.u32 s0, $0xA;
	s2 =	sadd.s32 s3, s2  }
0x8d: {  	s2 =	sadd.s32 s2, s16  }
0x8e: {  	[smem:$0x3FC1] =	sst s2  }
0x8f: {  	_ = 	snop  }
0x90: {  	(tm) =	ssettm $0x1  }
0x91: {  	s17 =	sld [smem:$0x3FFB];
	_ =	sdelay $0x3  }
0x92: {  	_ =	strace s17  }
0x93: {  	s2 =	sld [smem:$0x3FFC];
	_ =	sdelay $0x3  }
0x94: {  	_ =	strace s2  }
0x95: {  	s2 =	sld [smem:$0x3FFD];
	_ =	sdelay $0x3  }
0x96: {  	_ =	strace s2  }
0x97: {  	_ =	strace $0x8FFFFFFF  }
0x98: {  	s18 =	sld [smem:$0x3FDB];
	_ =	sdelay $0x1  }
0x99: {  	s19 =	simm.s32 $_scs_section_size  }
0x9a: {  	s4 =	simm.s32 $_size__tile_overlayer_lowered;
	s5 =	simm.s32 $_tile_overlayer_lowered  }
0x9b: {  	s22 =	simm.s32 $0x1BFF;
	s21 =	sshll.u32 s5, $0x1;
	s2 =	sadd.s32 s19, s18  }
0x9c: {  	s6 =	simm.s32 $0x0;
	s20 =	sshll.u32 s4, $0x1;
	s4 =	sadd.s32 s21, s2  }
0x9d: {  	[timem:s6], [sflag:s22] =	dma.local [hbm:s4], s20  }
0x9e: {  	_ =	swait.ge [sflag:s22], s20  }
0x9f: {  	s3 =	ssub.s32 $0x0, s20;
	[sflag:s22] =	ssyncset.done $0x0  }
0xa0: {  	[sflag:s22] =	ssyncadd.s32 s3;
	_ =	sdelay $0x1  }
0xa1: {  	s23 =	simm.s32 $0x1B8B  }
0xa2: {  	_ =	swait.ge [sflag:s23], $0x1  }
0xa3: {  	[sflag:s23] =	ssyncset.done $0x0  }
0xa4: {  	s25 =	simm.s32 $0x1B8E;
	s24 =	sld [smem:$0x3FFE];
	[sflag:s23] =	ssyncadd.s32 $0xFFFFFFFF  }
0xa5: {  	s26 =	simm.s32 $execute0_lowered;
	[smem:$0x3FD2] =	sst s25  }
0xa6: {  	s4 =	sshll.u32 s26, $0x1;
	_ =	strace $0x80000046;
	[dreg:$0x1] =	wrdreg $0xFFFFFFFF  }
0xa7: {  	s28 =	simm.s32 $_size_execute0_lowered;
	s2 =	sadd.s32 s2, s4;
	[dreg:$0x0] =	wrdreg $0x0  }
0xa8: {  	s4 =	sshll.u32 s28, $0x1;
	[dreg:$0x2] =	wrdreg s2  }
0xa9: {  	[dreg:$0x3] =	wrdreg s4  }
0xaa: {  	[dreg:$0x4] =	wrdreg $0xC0  }
0xab: {  	_ =	task [dreg:s6], $0x5FFFF  }
0xac: {  	[dreg:$0x1] =	wrdreg $0xFFFFFFFF  }
0xad: {  	[dreg:$0x0] =	wrdreg $0x60  }
0xae: {  	[dreg:$0x2] =	wrdreg s24  }
0xaf: {  	[dreg:$0x3] =	wrdreg $0x50000  }
0xb0: {  	[dreg:$0x4] =	wrdreg $0x9  }
0xb1: {  	_ =	task.clear_ibuf [dreg:s6], $0x5FFFF;
	_ =	strace $0x90000046  }
0xb2: {  	s29 =	simm.s32 $0x9;
	_ =	strace $0x80000048  }
0xb3: {  	_ =	swait.ge [sflag:s29], $0x1  }
0xb4: {  	[sflag:s29] =	ssyncadd.s32 $0xFFFFFFFF  }
0xb5: {  	_ =	strace $0x90000048  }
0xb6: {  	_ =	sfence  }
0xb7: {  	s30 =	sld [smem:$0x0];
	_ =	sdelay $0x2  }
0xb8: {  	s31 =	sshll.u32 s1, $0xD;
	s1 =	sshrl.u32 s1, $0x2  }
0xb9: {  	s3 =	sand.u32 $0x4000, s31;
	s1 =	sadd.s32 s1, s30  }
0xba: {  	s0 =	sor.u32 s3, s0;
	s1 =	sshll.u32 s1, $0x11  }
0xbb: {  	s0 =	sor.u32 s1, s0  }
0xbc: {  	s0 =	sadd.s32 $0x8F2B, s0  }
0xbd: {  	[sflag:s0] =	ssyncadd.remote.s32 $0x1  }
0xbe: {  	_ =	sfence.sel $0xFFFF  }
0xbf: {  	[dreg:$0x0] =	wrdreg $0xFFFFFFFF;
	(pc) =	sbr.abs _section_cstart, $3  }
0xc0: {  	[dreg:$0x1] =	wrdreg $0xFFFFFFFF  }
0xc1: {  	_ =	task.clear_ibuf [dreg:s6], $0x2FFFF;
	_ =	strace $0x9FFFFFFF  }
0xc2: {  	(tm) =	ssettm $0x7FFFFFFF  }
0xc3: {  	_ =	shalt  }
tec
execute0_lowered:
.L_overlay_start_1:
0x0: {  	(tag) =	ssettag $0x1  }
0x1: {  	s1 =	srdreg.scid  }
0x2: {  	s0 =	stileid.u32;
	s4 =	rddreg [dreg:$0x0]  }
0x3: {  	s2 =	rddreg [dreg:$0x1];
	s3 =	simm.s32 $0x0;
	s13 =	simm.s32 $0x1  }
0x4: {  	s5 =	sand.u32 $0x1, s1;
	s29 =	sshll.u32 s0, $0x1;
	s1 =	rddreg [dreg:$0x2]  }
0x5: {  	[smem:$0x7FF] =	sst s3;
	s7 =	smul.u32 $0x280, s0;
	s31 =	sshll.u32 s0, $0x6  }
0x6: {  	s6 =	sor.u32 s5, s29;
	_ =	strace $0x80000047;
	s8 =	smul.u32 $0x500, s5  }
0x7: {  	s5 =	ssub.s32 $0x2, s5;
	s6 =	smul.u32 $0x500, s6;
	s14 =	sshrl.u32 s7, $0x3  }
0x8: {  	s30 =	sshrl.u32 s5, $0x1;
	s12 =	sadd.s32 s7, s2;
	s10 =	sadd.s32 s14, s4  }
0x9: {  	s8 =	sadd.s32 s8, s4;
	s11 =	ssub.s32 s5, s30;
	s5 =	sor.u32 $0x1C02, s31  }
0xa: {  	s9 =	sadd.s32 s6, s4;
	s4 =	sadd.s32 $0x16000, s10;
	s15 =	sadd.s32 $0x16600, s8  }
0xb: {  	s8 =	smax.u32 s11, $0x1;
	s10 =	simm.s32 $0x2;
	s11 =	simm.s32 $0x2800  }
0xc: {  	s6 =	sadd.s32 $0xC000, s9;
	s7 =	sadd.s32 $0x2000, s9;
	s9 =	sshrl.u32 s12, $0x3  }
0xd: {  	s12 =	simm.s32 $0x80;
	s14 =	sadd.s32 s14, s15;
	s15 =	simm.s32 $0x0  }
.LBB2_1:
0xe: {  	[spmem:s9], [sflag:s5] =	dma.local [hbm:s4], $0x50  }
0xf: {  	_ =	swait.ge [sflag:s10], $0x50  }
0x10: {  	[sflag:s10] =	ssyncset.done $0x0  }
0x11: {  	[sflag:s10] =	ssyncadd.s32 $0xFFFFFFB0  }
0x12: {  	[tilespmem:s3], [sflag:$0x2] =	stream.linear.gather [hbm4b:s6+s3], $0x2800, $0x38;
	[tilespmem:$0x5280] =	vst v63  }
0x13: {  	_ =	swait.ge [sflag:s10], $0x2800  }
0x14: {  	[sflag:s10] =	ssyncset.done $0x0  }
0x15: {  	[sflag:s10] =	ssyncadd.s32 $0xFFFFD800  }
0x16: {  	[tilespmem:s11], [sflag:$0x2] =	stream.linear.gather [hbm4b:s7+s3], $0x2800, $0x38;
	[tilespmem:$0x5280] =	vst v63  }
0x17: {  	_ =	swait.ge [sflag:s10], $0x2800  }
0x18: {  	[sflag:s10] =	ssyncset.done $0x0  }
0x19: {  	[sflag:s10] =	ssyncadd.s32 $0xFFFFD800  }
0x1a: {  	s16 =	simm.s32 $0x0;
	[bflag:$0x0] =	sbarrier.arrive $0xFFFF  }
.LBB2_2:
0x1b: {  	p0 =	sne.s32 s16, $0x9E00  }
.Ltmp0:
0x1c: {  	_ = 	snop;
	(pc) =	sbr.rel @p0 .LBB2_2-.Ltmp0, $4  }
0x1d: {  	_ = 	snop  }
0x1e: {  	s17 =	sshra.s32 s16, $0x2  }
0x1f: {  	s16 =	sadd.s32 $0x200, s16;
	s18 =	sadd.s32 $0x2800, s17  }
0x20: {  	[spmem:s2] =	stream.indirect.scatter.add.f32 [tilespmem:s18], [sflag:$0x1], $0x1, s17, s12, $0xb8;
	[tilespmem:$0x5280] =	vst v63  }
0x21: {  	_ =	swait.ge [sflag:s13], $0x80  }
0x22: {  	s16 =	simm.s32 $0x4F;
	[sflag:s13] =	ssyncset.done $0x0  }
.LBB2_4:
0x23: {  	p0 =	sne.s32 s16, $0x1;
	s16 =	sadd.s32 $0xFFFFFFFF, s16;
	[sflag:s13] =	ssyncadd.s32 $0xFFFFFF80  }
.Ltmp1:
0x24: {  	(pc) =	sbr.rel @p0 .LBB2_4-.Ltmp1, $3  }
0x25: {  	_ =	sdelay $0x1  }
0x26: {  	_ =	swait.ge [sflag:s13], $0x80  }
0x27: {  	[sflag:s13] =	ssyncset.done $0x0  }
0x28: {  	s15 =	sadd.s32 $0x1, s15  }
0x29: {  	[sflag:s13] =	ssyncadd.s32 $0xFFFFFF80;
	p0 =	sne.s32 s15, s8  }
.Ltmp2:
0x2a: {  	[bflag:$0x0] =	sbarrier.arrive $0xFFFF;
	(pc) =	sbr.rel @p0 .LBB2_1-.Ltmp2, $4  }
0x2b: {  	[hbm:s14], [sflag:s5] =	dma.local [spmem:s9], $0x50  }
0x2c: {  	_ =	swait.ge [sflag:s10], $0x50  }
0x2d: {  	[sflag:s10] =	ssyncset.done $0x0  }
0x2e: {  	[sflag:s10] =	ssyncadd.s32 $0xFFFFFFB0  }
0x2f: {  	_ =	sfence.sel $0x180000  }
0x30: {  	[bflag:$0x0] =	sbarrier.arrive $0xFFFF  }
0x31: {  	p0 =	sne.s32 s0, $0x0;
	_ =	strace $0x90000047  }
0x32: {  	s0 =	sadd.s32 @!p0 $0x100000, s1;
	[bflag:$0x2] =	sbarrier.arrive $0xFFFF  }
0x33: {  	[sflag:s0] =	ssyncadd.tile.s32 @!p0 $0x1;
	_ =	shalt  }
.Lfunc_end2:
_tile_overlayer_lowered:
.L_overlay_start_2:
0x34: {  	(tag) =	ssettag $0x2  }
0x35: {  	s0 =	rddreg [dreg:$0x0];
	s2 =	stileid.u32  }
0x36: {  	s1 =	rddreg [dreg:$0x1];
	p0 =	sne.s32 s2, $0x0  }
0x37: {  	s3 =	rddreg [dreg:$0x2];
	[bflag:$0x3] =	sbarrier.arrive $0xFFFF;
	s2 =	simm.s32 @!p0 $0x1C02  }
0x38: {  	[timem:s3], [sflag:s2] =	dma.local @!p0 [hbm:s0], s1  }
0x39: {  	s0 =	simm.s32 @!p0 $0x2  }
0x3a: {  	_ =	swait.ge @!p0 [sflag:s0], s1  }
0x3b: {  	s1 =	ssub.s32 @!p0 $0x0, s1;
	[sflag:s0] =	ssyncset.done @!p0 $0x0  }
0x3c: {  	[sflag:s0] =	ssyncadd.s32 @!p0 s1  }
0x3d: {  	[bflag:$0x3] =	sbarrier.arrive $0xFFFF  }
0x3e: {  	_ =	shalt  }

</sc_bundles>
